<compile_context>
chip_gen: v7x
topology: tpu7x:2x2x1
jax: 0.10.2.dev20260603
libtpu: 0.0.44.dev20260713+nightly
codegen_flags: <defaults>
</compile_context>

<pallas_src>
import functools
import math

import jax
import jax.numpy as jnp
from jax import lax
from jax.experimental import pallas as pl
from jax.experimental.pallas import tpu as pltpu
from jax.experimental.pallas import tpu_sc as plsc

NC = 2
NS = 16
NW = NC * NS
CHUNK = 128


def _make_agg(k_chunks, npad, d, with_counts):
  mesh = plsc.VectorSubcoreMesh(core_axis_name="c", subcore_axis_name="s",
                                num_cores=NC, num_subcores=NS)
  rows_per_tile = npad // NS
  crows = npad // CHUNK

  out_type = [jax.ShapeDtypeStruct((NC, npad, d), jnp.float32)]
  scratch = [
      pltpu.VMEM_SHARED((npad, d), jnp.float32),
      pltpu.VMEM((8, CHUNK), jnp.int32),
      pltpu.VMEM((8, CHUNK), jnp.int32),
      pltpu.VMEM((CHUNK, d), jnp.float32),
      pltpu.SemaphoreType.DMA,
      pltpu.SemaphoreType.DMA,
  ]
  if with_counts:
    out_type.append(jax.ShapeDtypeStruct((NW, crows, CHUNK), jnp.float32))
    scratch.append(pltpu.VMEM((crows, CHUNK), jnp.float32))

  def body(*refs):
    if with_counts:
      (h, src2, dst2, zrows, out, cnt_out,
       acc, srcbuf, dstbuf, rows, sem_g, sem_s, cntbuf) = refs
    else:
      (h, src2, dst2, zrows, out,
       acc, srcbuf, dstbuf, rows, sem_g, sem_s) = refs

    cid = lax.axis_index("c")
    sid = lax.axis_index("s")
    tid = cid * NS + sid
    zsl = pl.ds(sid * rows_per_tile, rows_per_tile)
    ones16 = jnp.ones((16,), jnp.float32)

    pltpu.sync_copy(zrows.at[zsl], acc.at[zsl])
    if with_counts:
      zero16 = jnp.zeros((16,), jnp.float32)

      @pl.loop(0, crows)
      def _(r):
        for q in range(CHUNK // 16):
          cntbuf[r, pl.ds(q * 16, 16)] = zero16
    base = tid * k_chunks
    plsc.subcore_barrier()

    @pl.loop(0, k_chunks // 8)
    def _(jj):
      off = pl.multiple_of(base + jj * 8, 8)
      pltpu.sync_copy(src2.at[pl.ds(off, 8)], srcbuf)
      pltpu.sync_copy(dst2.at[pl.ds(off, 8)], dstbuf)
      for t in range(8):
        pltpu.async_copy(h.at[srcbuf.at[t]], rows, sem_g).wait()
        pltpu.async_copy(rows, acc.at[dstbuf.at[t]], sem_s, add=True).wait()
        if with_counts:
          for i in range(CHUNK // 16):
            dv = dstbuf[t, pl.ds(i * 16, 16)]
            plsc.addupdate_scatter(
                cntbuf,
                [lax.shift_right_logical(dv, 7), jnp.bitwise_and(dv, 127)],
                ones16)

    plsc.subcore_barrier()
    pltpu.sync_copy(acc.at[zsl], out.at[cid, zsl])
    if with_counts:
      pltpu.sync_copy(cntbuf, cnt_out.at[tid])

  return pl.kernel(body, out_type=out_type, mesh=mesh, scratch_types=scratch,
                   compiler_params=pltpu.CompilerParams(
                       needs_layout_passes=False),
                   name="sc_seg_sum" + ("_cnt" if with_counts else ""))


def _make_dense(n, npad, d, relu):
  crows = npad // CHUNK

  def body(p_ref, c_ref, h_ref, wrel_ref, b_ref, wroot_ref, o_ref):
    s = p_ref[0, :, :] + p_ref[1, :, :]
    cnt = jnp.maximum(jnp.sum(c_ref[:, :, :], axis=0), 1.0)
    mean = (s.reshape(crows, CHUNK, d)
            / cnt.reshape(crows, CHUNK, 1)).reshape(npad, d)
    z = (jnp.dot(mean[0:n, :], wrel_ref[:, :],
                 preferred_element_type=jnp.float32)
         + b_ref[:, :]
         + jnp.dot(h_ref[:, :], wroot_ref[:, :],
                   preferred_element_type=jnp.float32))
    o_ref[:, :] = jnp.maximum(z, 0.0) if relu else z

  return pl.pallas_call(
      body, out_shape=jax.ShapeDtypeStruct((n, d), jnp.float32))


def _make_decode(k_chunks, d, scale):
  mesh = plsc.VectorSubcoreMesh(core_axis_name="c", subcore_axis_name="s",
                                num_cores=NC, num_subcores=NS)
  ngroups = CHUNK // 16

  @functools.partial(
      pl.kernel,
      out_type=jax.ShapeDtypeStruct((NW * k_chunks, CHUNK), jnp.float32),
      mesh=mesh,
      scratch_types=[
          pltpu.VMEM((k_chunks, CHUNK), jnp.int32),
          pltpu.VMEM((k_chunks, CHUNK), jnp.int32),
          pltpu.VMEM((CHUNK, d), jnp.float32),
          pltpu.VMEM((CHUNK, d), jnp.float32),
          pltpu.VMEM((k_chunks, CHUNK), jnp.float32),
          pltpu.SemaphoreType.DMA,
          pltpu.SemaphoreType.DMA,
      ],
      compiler_params=pltpu.CompilerParams(needs_layout_passes=False),
      name="sc_decode",
  )
  def decode(z, a2, b2, out, abuf, bbuf, s_rows, d_rows, obuf, sem_a, sem_b):
    cid = lax.axis_index("c")
    sid = lax.axis_index("s")
    tid = cid * NS + sid
    base = tid * k_chunks
    pltpu.sync_copy(a2.at[pl.ds(base, k_chunks)], abuf)
    pltpu.sync_copy(b2.at[pl.ds(base, k_chunks)], bbuf)
    lane = jnp.arange(16, dtype=jnp.int32)
    evecs = [lane + g * 16 for g in range(ngroups)]
    zero16 = jnp.zeros((16,), jnp.float32)

    @pl.loop(0, k_chunks)
    def _(j):
      ca = pltpu.async_copy(z.at[abuf.at[j]], s_rows, sem_a)
      cb = pltpu.async_copy(z.at[bbuf.at[j]], d_rows, sem_b)
      ca.wait()
      cb.wait()

      @pl.loop(0, d, init_carry=(zero16,) * ngroups)
      def res8(c, carry):
        col = jnp.full((16,), c, jnp.int32)
        out_c = []
        for g in range(ngroups):
          sv = plsc.load_gather(s_rows, [evecs[g], col])
          dv = plsc.load_gather(d_rows, [evecs[g], col])
          out_c.append(carry[g] + sv * dv)
        return tuple(out_c)

      for g in range(ngroups):
        obuf[j, pl.ds(g * 16, 16)] = res8[g] * scale

    pltpu.sync_copy(obuf, out.at[pl.ds(tid * k_chunks, k_chunks)])

  return decode


def kernel(x, edge_index, edge_label_index, W1_rel, b1_rel, W1_root,
           W2_rel, b2_rel, W2_root):
  n, d = x.shape
  e = edge_index.shape[1]
  el = edge_label_index.shape[1]
  f32 = jnp.float32

  npad = ((n + 1 + 127) // 128) * 128
  ke = ((-(-e // (NW * CHUNK)) + 7) // 8) * 8
  epad = ke * NW * CHUNK
  kl = ((-(-el // (NW * CHUNK)) + 7) // 8) * 8
  elpad = kl * NW * CHUNK

  pad_e = jnp.full((epad - e,), n, jnp.int32)
  src2 = jnp.concatenate([edge_index[0], pad_e]).reshape(epad // CHUNK, CHUNK)
  dst2 = jnp.concatenate([edge_index[1], pad_e]).reshape(epad // CHUNK, CHUNK)
  pad_l = jnp.zeros((elpad - el,), jnp.int32)
  a2 = jnp.concatenate([edge_label_index[0], pad_l]).reshape(
      elpad // CHUNK, CHUNK)
  b2 = jnp.concatenate([edge_label_index[1], pad_l]).reshape(
      elpad // CHUNK, CHUNK)

  zrows = jnp.zeros((npad, d), f32)
  zpad_n = jnp.zeros((npad - n, d), f32)

  x_pad = jnp.concatenate([x, zpad_n], axis=0)
  p1, cnt = _make_agg(ke, npad, d, True)(x_pad, src2, dst2, zrows)
  z1 = _make_dense(n, npad, d, True)(
      p1, cnt, x, W1_rel.T, b1_rel.reshape(1, d), W1_root.T)

  z1_pad = jnp.concatenate([z1, zpad_n], axis=0)
  (p2,) = _make_agg(ke, npad, d, False)(z1_pad, src2, dst2, zrows)
  z2 = _make_dense(n, npad, d, False)(
      p2, cnt, z1, W2_rel.T, b2_rel.reshape(1, d), W2_root.T)

  raw = _make_decode(kl, d, 1.0 / math.sqrt(d))(z2, a2, b2)
  return raw.reshape(-1)[:el]

# --- scband reference (transcript-rebuilt; emitter-appended) ---
"""Pipeline reference for scband-synapse-predictor-13073880449661 (READ-ONLY COPY).

The authoritative reference and input builder live on the scoring server;
editing this copy changes nothing except your own understanding.
"""

import jax, jax.numpy as jnp
import numpy as np

N = 10000
E = 320000
EL = 320000
IN = 128
H = 128

def setup_inputs(seed: int = 0):
    key = jax.random.key(seed)
    ks = jax.random.split(key, 10)
    x = jax.random.normal(ks[0], (N, IN), dtype=jnp.float32)
    edge_index = jax.random.randint(ks[1], (2, E), 0, N, dtype=jnp.int32)
    edge_label_index = jax.random.randint(ks[2], (2, EL), 0, N, dtype=jnp.int32)
    W1_rel = jax.random.normal(ks[3], (H, IN), dtype=jnp.float32) * 0.05
    b1_rel = jnp.zeros((H,), dtype=jnp.float32)
    W1_root = jax.random.normal(ks[4], (H, IN), dtype=jnp.float32) * 0.05
    W2_rel = jax.random.normal(ks[5], (H, H), dtype=jnp.float32) * 0.05
    b2_rel = jnp.zeros((H,), dtype=jnp.float32)
    W2_root = jax.random.normal(ks[6], (H, H), dtype=jnp.float32) * 0.05
    return {"x": x, "edge_index": edge_index, "edge_label_index": edge_label_index,
            "W1_rel": W1_rel, "b1_rel": b1_rel, "W1_root": W1_root,
            "W2_rel": W2_rel, "b2_rel": b2_rel, "W2_root": W2_root}

def _graph_conv_mean(h, src, dst, W_rel, b_rel, W_root):
    # PyG GraphConv with aggr='mean': out = lin_rel(mean_{j->i} x_j) + lin_root(x_i)
    msgs = h[src]                                   # gather [E, d]
    summed = jax.ops.segment_sum(msgs, dst, num_segments=N)
    cnt = jax.ops.segment_sum(jnp.ones((src.shape[0],), dtype=h.dtype), dst, num_segments=N)
    mean = summed / jnp.clip(cnt, 1.0)[:, None]
    return mean @ W_rel.T + b_rel + h @ W_root.T

def reference(x, edge_index, edge_label_index, W1_rel, b1_rel, W1_root, W2_rel, b2_rel, W2_root):
    src, dst = edge_index[0], edge_index[1]
    z = jax.nn.relu(_graph_conv_mean(x, src, dst, W1_rel, b1_rel, W1_root))
    z = _graph_conv_mean(z, src, dst, W2_rel, b2_rel, W2_root)
    s = z[edge_label_index[0]]
    d = z[edge_label_index[1]]
    raw = (s * d).sum(axis=-1)
    return raw / (z.shape[-1] ** 0.5)

if __name__ == "__main__":
    import jax
    _d = setup_inputs()
    print(jax.jit(kernel)(*tuple(_d.values())))

</pallas_src>

<mosaic_0001>
#map = affine_map<(d0, d1) -> (0, 0)>
#map1 = affine_map<(d0, d1) -> (0, 0, 0)>
module attributes {stable_mosaic.version = 14 : i64} {
  func.func @sc_seg_sum_cnt(%arg0: i32, %arg1: i32, %arg2: memref<10112x128xf32, #tpu.memory_space<hbm>>, %arg3: memref<2560x128xi32, #tpu.memory_space<hbm>>, %arg4: memref<2560x128xi32, #tpu.memory_space<hbm>>, %arg5: memref<10112x128xf32, #tpu.memory_space<hbm>>, %arg6: memref<2x10112x128xf32, #tpu.memory_space<hbm>>, %arg7: memref<32x79x128xf32, #tpu.memory_space<hbm>>, %arg8: memref<10112x128xf32, #tpu.memory_space<vmem_shared>>, %arg9: memref<8x128xi32, #tpu.memory_space<vmem>>, %arg10: memref<8x128xi32, #tpu.memory_space<vmem>>, %arg11: memref<128x128xf32, #tpu.memory_space<vmem>>, %arg12: memref<!tpu.dma_semaphore, #tpu.memory_space<semaphore_mem>>, %arg13: memref<!tpu.dma_semaphore, #tpu.memory_space<semaphore_mem>>, %arg14: memref<79x128xf32, #tpu.memory_space<vmem>>) attributes {dimension_semantics = [#tpu.dimension_semantics<core_parallel>, #tpu.dimension_semantics<subcore_parallel>], iteration_bounds = array<i64: 2, 16>, scalar_prefetch = 0 : i64, scratch_operands = 7 : i64, tpu.core_type = #tpu.core_type<sc_vector_subcore>, window_params = [{transform_indices = #map}, {transform_indices = #map}, {transform_indices = #map}, {transform_indices = #map}, {transform_indices = #map1}, {transform_indices = #map1}]} {
    %mul3A = arith.constant 16 : i32
    %mul3A_0 = arith.muli %arg0, %mul3A : i32
    %add3A = arith.addi %mul3A_0, %arg1 : i32
    %mul3A_1 = arith.constant 632 : i32
    %mul3A_2 = arith.muli %arg1, %mul3A_1 : i32
    %broadcast_in_dim3A = arith.constant 1.000000e+00 : f32
    %broadcast_in_dim3A_3 = vector.broadcast %broadcast_in_dim3A : f32 to vector<16xf32>
    "tpu.region"() ({
      %run_scoped3A = tpu.sem_alloc : memref<!tpu.dma_semaphore, #tpu.memory_space<semaphore_mem>>
      %dma_start3A = arith.constant 0 : i32
      %dma_start3A_18 = tpu.memref_slice %arg8[%mul3A_2, %dma_start3A] : memref<10112x128xf32, #tpu.memory_space<vmem_shared>> -> memref<632x128xf32, #tpu.memory_space<vmem_shared>>
      %dma_start3A_19 = arith.constant 0 : i32
      %dma_start3A_20 = tpu.memref_slice %arg5[%mul3A_2, %dma_start3A_19] : memref<10112x128xf32, #tpu.memory_space<hbm>> -> memref<632x128xf32, #tpu.memory_space<hbm>>
      tpu.enqueue_dma source(%dma_start3A_20 : memref<632x128xf32, #tpu.memory_space<hbm>>) target(%dma_start3A_18 : memref<632x128xf32, #tpu.memory_space<vmem_shared>>) target_semaphore(%run_scoped3A : memref<!tpu.dma_semaphore, #tpu.memory_space<semaphore_mem>>)
      %dma_wait3A = arith.constant 0 : i32
      %dma_wait3A_21 = tpu.memref_slice %arg8[%mul3A_2, %dma_wait3A] : memref<10112x128xf32, #tpu.memory_space<vmem_shared>> -> memref<632x128xf32, #tpu.memory_space<vmem_shared>>
      %dma_wait3A_22 = arith.constant 0 : i32
      %dma_wait3A_23 = tpu.memref_slice %arg5[%mul3A_2, %dma_wait3A_22] : memref<10112x128xf32, #tpu.memory_space<hbm>> -> memref<632x128xf32, #tpu.memory_space<hbm>>
      tpu.wait_dma2 semaphore(%run_scoped3A : memref<!tpu.dma_semaphore, #tpu.memory_space<semaphore_mem>>) src(%dma_wait3A_23 : memref<632x128xf32, #tpu.memory_space<hbm>>) dst(%dma_wait3A_21 : memref<632x128xf32, #tpu.memory_space<vmem_shared>>)
      tpu.yield
    }) : () -> ()
    %broadcast_in_dim3A_4 = arith.constant 0.000000e+00 : f32
    %broadcast_in_dim3A_5 = vector.broadcast %broadcast_in_dim3A_4 : f32 to vector<16xf32>
    %scan3A = arith.constant 0 : i32
    %scan3A_6 = arith.constant 79 : i32
    %scan3A_7 = arith.addi %scan3A, %scan3A_6 : i32
    %scan3A_8 = arith.constant 1 : i32
    scf.for %scan3A_18 = %scan3A to %scan3A_7 step %scan3A_8  : i32 {
      %mul3A_19 = arith.constant 1 : i32
      %mul3A_20 = arith.muli %scan3A_18, %mul3A_19 : i32
      %add3A_21 = arith.constant 0 : i32
      %add3A_22 = arith.addi %add3A_21, %mul3A_20 : i32
      %swap3A = arith.index_cast %add3A_22 : i32 to index
      %swap3A_23 = arith.constant 0 : index
      %swap3A_24 = tpu.vector_load %arg14[%swap3A, %swap3A_23] {strides = array<i32>} : memref<79x128xf32, #tpu.memory_space<vmem>>, vector<16xf32>,
      tpu.vector_store %arg14[%swap3A, %swap3A_23], %broadcast_in_dim3A_5 {strides = array<i32>} : memref<79x128xf32, #tpu.memory_space<vmem>>, vector<16xf32>,
      %swap3A_25 = arith.index_cast %add3A_22 : i32 to index
      %swap3A_26 = arith.constant 16 : index
      %swap3A_27 = tpu.vector_load %arg14[%swap3A_25, %swap3A_26] {strides = array<i32>} : memref<79x128xf32, #tpu.memory_space<vmem>>, vector<16xf32>,
      tpu.vector_store %arg14[%swap3A_25, %swap3A_26], %broadcast_in_dim3A_5 {strides = array<i32>} : memref<79x128xf32, #tpu.memory_space<vmem>>, vector<16xf32>,
      %swap3A_28 = arith.index_cast %add3A_22 : i32 to index
      %swap3A_29 = arith.constant 32 : index
      %swap3A_30 = tpu.vector_load %arg14[%swap3A_28, %swap3A_29] {strides = array<i32>} : memref<79x128xf32, #tpu.memory_space<vmem>>, vector<16xf32>,
      tpu.vector_store %arg14[%swap3A_28, %swap3A_29], %broadcast_in_dim3A_5 {strides = array<i32>} : memref<79x128xf32, #tpu.memory_space<vmem>>, vector<16xf32>,
      %swap3A_31 = arith.index_cast %add3A_22 : i32 to index
      %swap3A_32 = arith.constant 48 : index
      %swap3A_33 = tpu.vector_load %arg14[%swap3A_31, %swap3A_32] {strides = array<i32>} : memref<79x128xf32, #tpu.memory_space<vmem>>, vector<16xf32>,
      tpu.vector_store %arg14[%swap3A_31, %swap3A_32], %broadcast_in_dim3A_5 {strides = array<i32>} : memref<79x128xf32, #tpu.memory_space<vmem>>, vector<16xf32>,
      %swap3A_34 = arith.index_cast %add3A_22 : i32 to index
      %swap3A_35 = arith.constant 64 : index
      %swap3A_36 = tpu.vector_load %arg14[%swap3A_34, %swap3A_35] {strides = array<i32>} : memref<79x128xf32, #tpu.memory_space<vmem>>, vector<16xf32>,
      tpu.vector_store %arg14[%swap3A_34, %swap3A_35], %broadcast_in_dim3A_5 {strides = array<i32>} : memref<79x128xf32, #tpu.memory_space<vmem>>, vector<16xf32>,
      %swap3A_37 = arith.index_cast %add3A_22 : i32 to index
      %swap3A_38 = arith.constant 80 : index
      %swap3A_39 = tpu.vector_load %arg14[%swap3A_37, %swap3A_38] {strides = array<i32>} : memref<79x128xf32, #tpu.memory_space<vmem>>, vector<16xf32>,
      tpu.vector_store %arg14[%swap3A_37, %swap3A_38], %broadcast_in_dim3A_5 {strides = array<i32>} : memref<79x128xf32, #tpu.memory_space<vmem>>, vector<16xf32>,
      %swap3A_40 = arith.index_cast %add3A_22 : i32 to index
      %swap3A_41 = arith.constant 96 : index
      %swap3A_42 = tpu.vector_load %arg14[%swap3A_40, %swap3A_41] {strides = array<i32>} : memref<79x128xf32, #tpu.memory_space<vmem>>, vector<16xf32>,
      tpu.vector_store %arg14[%swap3A_40, %swap3A_41], %broadcast_in_dim3A_5 {strides = array<i32>} : memref<79x128xf32, #tpu.memory_space<vmem>>, vector<16xf32>,
      %swap3A_43 = arith.index_cast %add3A_22 : i32 to index
      %swap3A_44 = arith.constant 112 : index
      %swap3A_45 = tpu.vector_load %arg14[%swap3A_43, %swap3A_44] {strides = array<i32>} : memref<79x128xf32, #tpu.memory_space<vmem>>, vector<16xf32>,
      tpu.vector_store %arg14[%swap3A_43, %swap3A_44], %broadcast_in_dim3A_5 {strides = array<i32>} : memref<79x128xf32, #tpu.memory_space<vmem>>, vector<16xf32>,
    }
    %scan3A_9 = arith.constant 79 : i32
    %mul3A_10 = arith.constant 80 : i32
    %mul3A_11 = arith.muli %add3A, %mul3A_10 : i32
    %barrier3A = arith.constant 0 : index
    tpu.barrier barrier_id(%barrier3A)
    %scan3A_12 = arith.constant 0 : i32
    %scan3A_13 = arith.constant 10 : i32
    %scan3A_14 = arith.addi %scan3A_12, %scan3A_13 : i32
    %scan3A_15 = arith.constant 1 : i32
    scf.for %scan3A_18 = %scan3A_12 to %scan3A_14 step %scan3A_15  : i32 {
      %mul3A_19 = arith.constant 1 : i32
      %mul3A_20 = arith.muli %scan3A_18, %mul3A_19 : i32
      %add3A_21 = arith.constant 0 : i32
      %add3A_22 = arith.addi %add3A_21, %mul3A_20 : i32
      %mul3A_23 = arith.constant 8 : i32
      %mul3A_24 = arith.muli %add3A_22, %mul3A_23 : i32
      %add3A_25 = arith.addi %mul3A_11, %mul3A_24 : i32
      %multiple_of3A = tpu.assume_multiple %add3A_25, 8 : i32
      "tpu.region"() ({
        %run_scoped3A = tpu.sem_alloc : memref<!tpu.dma_semaphore, #tpu.memory_space<semaphore_mem>>
        %dma_start3A_885 = arith.constant 0 : i32
        %dma_start3A_886 = tpu.memref_slice %arg3[%multiple_of3A, %dma_start3A_885] : memref<2560x128xi32, #tpu.memory_space<hbm>> -> memref<8x128xi32, #tpu.memory_space<hbm>>
        %dma_start3A_887 = arith.constant 0 : i32
        %dma_start3A_888 = tpu.memref_slice %arg3[%multiple_of3A, %dma_start3A_887] : memref<2560x128xi32, #tpu.memory_space<hbm>> -> memref<8x128xi32, #tpu.memory_space<hbm>>
        tpu.enqueue_dma source(%dma_start3A_888 : memref<8x128xi32, #tpu.memory_space<hbm>>) target(%arg9 : memref<8x128xi32, #tpu.memory_space<vmem>>) target_semaphore(%run_scoped3A : memref<!tpu.dma_semaphore, #tpu.memory_space<semaphore_mem>>)
        %dma_wait3A_889 = arith.constant 0 : i32
        %dma_wait3A_890 = tpu.memref_slice %arg3[%multiple_of3A, %dma_wait3A_889] : memref<2560x128xi32, #tpu.memory_space<hbm>> -> memref<8x128xi32, #tpu.memory_space<hbm>>
        %dma_wait3A_891 = arith.constant 0 : i32
        %dma_wait3A_892 = tpu.memref_slice %arg3[%multiple_of3A, %dma_wait3A_891] : memref<2560x128xi32, #tpu.memory_space<hbm>> -> memref<8x128xi32, #tpu.memory_space<hbm>>
        tpu.wait_dma2 semaphore(%run_scoped3A : memref<!tpu.dma_semaphore, #tpu.memory_space<semaphore_mem>>) src(%dma_wait3A_892 : memref<8x128xi32, #tpu.memory_space<hbm>>) dst(%arg9 : memref<8x128xi32, #tpu.memory_space<vmem>>)
        tpu.yield
      }) : () -> ()
      "tpu.region"() ({
        %run_scoped3A = tpu.sem_alloc : memref<!tpu.dma_semaphore, #tpu.memory_space<semaphore_mem>>
        %dma_start3A_885 = arith.constant 0 : i32
        %dma_start3A_886 = tpu.memref_slice %arg4[%multiple_of3A, %dma_start3A_885] : memref<2560x128xi32, #tpu.memory_space<hbm>> -> memref<8x128xi32, #tpu.memory_space<hbm>>
        %dma_start3A_887 = arith.constant 0 : i32
        %dma_start3A_888 = tpu.memref_slice %arg4[%multiple_of3A, %dma_start3A_887] : memref<2560x128xi32, #tpu.memory_space<hbm>> -> memref<8x128xi32, #tpu.memory_space<hbm>>
        tpu.enqueue_dma source(%dma_start3A_888 : memref<8x128xi32, #tpu.memory_space<hbm>>) target(%arg10 : memref<8x128xi32, #tpu.memory_space<vmem>>) target_semaphore(%run_scoped3A : memref<!tpu.dma_semaphore, #tpu.memory_space<semaphore_mem>>)
        %dma_wait3A_889 = arith.constant 0 : i32
        %dma_wait3A_890 = tpu.memref_slice %arg4[%multiple_of3A, %dma_wait3A_889] : memref<2560x128xi32, #tpu.memory_space<hbm>> -> memref<8x128xi32, #tpu.memory_space<hbm>>
        %dma_wait3A_891 = arith.constant 0 : i32
        %dma_wait3A_892 = tpu.memref_slice %arg4[%multiple_of3A, %dma_wait3A_891] : memref<2560x128xi32, #tpu.memory_space<hbm>> -> memref<8x128xi32, #tpu.memory_space<hbm>>
        tpu.wait_dma2 semaphore(%run_scoped3A : memref<!tpu.dma_semaphore, #tpu.memory_space<semaphore_mem>>) src(%dma_wait3A_892 : memref<8x128xi32, #tpu.memory_space<hbm>>) dst(%arg10 : memref<8x128xi32, #tpu.memory_space<vmem>>)
        tpu.yield
      }) : () -> ()
      %dma_start3A = arith.constant 0 : i32
      %dma_start3A_26 = arith.constant 0 : i32
      %dma_start3A_27 = tpu.memref_slice %arg9[%dma_start3A, %dma_start3A_26] : memref<8x128xi32, #tpu.memory_space<vmem>> -> memref<1x128xi32, #tpu.memory_space<vmem>>
      %dma_start3A_28 = tpu.memref_squeeze %dma_start3A_27 : memref<1x128xi32, #tpu.memory_space<vmem>> -> memref<128xi32, #tpu.memory_space<vmem>>
      %dma_start3A_29 = arith.constant 0 : i32
      %dma_start3A_30 = arith.constant 0 : i32
      %dma_start3A_31 = tpu.memref_slice %arg2[%dma_start3A_29, %dma_start3A_30] : memref<10112x128xf32, #tpu.memory_space<hbm>> -> memref<10112x128xf32, #tpu.memory_space<hbm>>
      tpu.enqueue_indirect_dma source(%dma_start3A_31 : memref<10112x128xf32, #tpu.memory_space<hbm>>) target(%arg11 : memref<128x128xf32, #tpu.memory_space<vmem>>) offsets(%dma_start3A_28 : memref<128xi32, #tpu.memory_space<vmem>>) semaphore(%arg12 : memref<!tpu.dma_semaphore, #tpu.memory_space<semaphore_mem>>)
      %dma_wait3A = arith.constant 0 : i32
      %dma_wait3A_32 = arith.constant 0 : i32
      %dma_wait3A_33 = tpu.memref_slice %arg9[%dma_wait3A, %dma_wait3A_32] : memref<8x128xi32, #tpu.memory_space<vmem>> -> memref<1x128xi32, #tpu.memory_space<vmem>>
      %dma_wait3A_34 = tpu.memref_squeeze %dma_wait3A_33 : memref<1x128xi32, #tpu.memory_space<vmem>> -> memref<128xi32, #tpu.memory_space<vmem>>
      %dma_wait3A_35 = arith.constant 0 : i32
      %dma_wait3A_36 = arith.constant 0 : i32
      %dma_wait3A_37 = tpu.memref_slice %arg2[%dma_wait3A_35, %dma_wait3A_36] : memref<10112x128xf32, #tpu.memory_space<hbm>> -> memref<10112x128xf32, #tpu.memory_space<hbm>>
      tpu.wait_indirect_dma semaphore(%arg12 : memref<!tpu.dma_semaphore, #tpu.memory_space<semaphore_mem>>) src(%dma_wait3A_37 : memref<10112x128xf32, #tpu.memory_space<hbm>>) dst(%arg11 : memref<128x128xf32, #tpu.memory_space<vmem>>)
      %dma_start3A_38 = arith.constant 0 : i32
      %dma_start3A_39 = arith.constant 0 : i32
      %dma_start3A_40 = tpu.memref_slice %arg10[%dma_start3A_38, %dma_start3A_39] : memref<8x128xi32, #tpu.memory_space<vmem>> -> memref<1x128xi32, #tpu.memory_space<vmem>>
      %dma_start3A_41 = tpu.memref_squeeze %dma_start3A_40 : memref<1x128xi32, #tpu.memory_space<vmem>> -> memref<128xi32, #tpu.memory_space<vmem>>
      %dma_start3A_42 = arith.constant 0 : i32
      %dma_start3A_43 = arith.constant 0 : i32
      %dma_start3A_44 = tpu.memref_slice %arg8[%dma_start3A_42, %dma_start3A_43] : memref<10112x128xf32, #tpu.memory_space<vmem_shared>> -> memref<10112x128xf32, #tpu.memory_space<vmem_shared>>
      tpu.enqueue_indirect_dma source(%arg11 : memref<128x128xf32, #tpu.memory_space<vmem>>) target(%dma_start3A_44 : memref<10112x128xf32, #tpu.memory_space<vmem_shared>>) offsets(%dma_start3A_41 : memref<128xi32, #tpu.memory_space<vmem>>) semaphore(%arg13 : memref<!tpu.dma_semaphore, #tpu.memory_space<semaphore_mem>>) {add = true}
      %dma_wait3A_45 = arith.constant 0 : i32
      %dma_wait3A_46 = arith.constant 0 : i32
      %dma_wait3A_47 = tpu.memref_slice %arg10[%dma_wait3A_45, %dma_wait3A_46] : memref<8x128xi32, #tpu.memory_space<vmem>> -> memref<1x128xi32, #tpu.memory_space<vmem>>
      %dma_wait3A_48 = tpu.memref_squeeze %dma_wait3A_47 : memref<1x128xi32, #tpu.memory_space<vmem>> -> memref<128xi32, #tpu.memory_space<vmem>>
      %dma_wait3A_49 = arith.constant 0 : i32
      %dma_wait3A_50 = arith.constant 0 : i32
      %dma_wait3A_51 = tpu.memref_slice %arg8[%dma_wait3A_49, %dma_wait3A_50] : memref<10112x128xf32, #tpu.memory_space<vmem_shared>> -> memref<10112x128xf32, #tpu.memory_space<vmem_shared>>
      tpu.wait_indirect_dma semaphore(%arg13 : memref<!tpu.dma_semaphore, #tpu.memory_space<semaphore_mem>>) src(%arg11 : memref<128x128xf32, #tpu.memory_space<vmem>>) dst(%dma_wait3A_51 : memref<10112x128xf32, #tpu.memory_space<vmem_shared>>)
      %get3A = arith.constant 0 : i32
      %get3A_52 = arith.index_cast %get3A : i32 to index
      %get3A_53 = arith.constant 0 : index
      %get3A_54 = tpu.vector_load %arg10[%get3A_52, %get3A_53] {strides = array<i32>} : memref<8x128xi32, #tpu.memory_space<vmem>>, vector<16xi32>,
      %shift_right_logical3A = arith.constant 7 : i32
      %shift_right_logical3A_55 = vector.broadcast %shift_right_logical3A : i32 to vector<16xi32>
      %shift_right_logical3A_56 = arith.shrui %get3A_54, %shift_right_logical3A_55 : vector<16xi32>
      %and3A = arith.constant 127 : i32
      %and3A_57 = vector.broadcast %and3A : i32 to vector<16xi32>
      %and3A_58 = arith.andi %get3A_54, %and3A_57 : vector<16xi32>
      tpu.vector_store_idx %arg14[%shift_right_logical3A_56, %and3A_58], %broadcast_in_dim3A_3 {add = true} : memref<79x128xf32, #tpu.memory_space<vmem>>[vector<16xi32>, vector<16xi32>], vector<16xf32>,
      %get3A_59 = arith.constant 0 : i32
      %get3A_60 = arith.index_cast %get3A_59 : i32 to index
      %get3A_61 = arith.constant 16 : index
      %get3A_62 = tpu.vector_load %arg10[%get3A_60, %get3A_61] {strides = array<i32>} : memref<8x128xi32, #tpu.memory_space<vmem>>, vector<16xi32>,
      %shift_right_logical3A_63 = arith.constant 7 : i32
      %shift_right_logical3A_64 = vector.broadcast %shift_right_logical3A_63 : i32 to vector<16xi32>
      %shift_right_logical3A_65 = arith.shrui %get3A_62, %shift_right_logical3A_64 : vector<16xi32>
      %and3A_66 = arith.constant 127 : i32
      %and3A_67 = vector.broadcast %and3A_66 : i32 to vector<16xi32>
      %and3A_68 = arith.andi %get3A_62, %and3A_67 : vector<16xi32>
      tpu.vector_store_idx %arg14[%shift_right_logical3A_65, %and3A_68], %broadcast_in_dim3A_3 {add = true} : memref<79x128xf32, #tpu.memory_space<vmem>>[vector<16xi32>, vector<16xi32>], vector<16xf32>,
      %get3A_69 = arith.constant 0 : i32
      %get3A_70 = arith.index_cast %get3A_69 : i32 to index
      %get3A_71 = arith.constant 32 : index
      %get3A_72 = tpu.vector_load %arg10[%get3A_70, %get3A_71] {strides = array<i32>} : memref<8x128xi32, #tpu.memory_space<vmem>>, vector<16xi32>,
      %shift_right_logical3A_73 = arith.constant 7 : i32
      %shift_right_logical3A_74 = vector.broadcast %shift_right_logical3A_73 : i32 to vector<16xi32>
      %shift_right_logical3A_75 = arith.shrui %get3A_72, %shift_right_logical3A_74 : vector<16xi32>
      %and3A_76 = arith.constant 127 : i32
      %and3A_77 = vector.broadcast %and3A_76 : i32 to vector<16xi32>
      %and3A_78 = arith.andi %get3A_72, %and3A_77 : vector<16xi32>
      tpu.vector_store_idx %arg14[%shift_right_logical3A_75, %and3A_78], %broadcast_in_dim3A_3 {add = true} : memref<79x128xf32, #tpu.memory_space<vmem>>[vector<16xi32>, vector<16xi32>], vector<16xf32>,
      %get3A_79 = arith.constant 0 : i32
      %get3A_80 = arith.index_cast %get3A_79 : i32 to index
      %get3A_81 = arith.constant 48 : index
      %get3A_82 = tpu.vector_load %arg10[%get3A_80, %get3A_81] {strides = array<i32>} : memref<8x128xi32, #tpu.memory_space<vmem>>, vector<16xi32>,
      %shift_right_logical3A_83 = arith.constant 7 : i32
      %shift_right_logical3A_84 = vector.broadcast %shift_right_logical3A_83 : i32 to vector<16xi32>
      %shift_right_logical3A_85 = arith.shrui %get3A_82, %shift_right_logical3A_84 : vector<16xi32>
      %and3A_86 = arith.constant 127 : i32
      %and3A_87 = vector.broadcast %and3A_86 : i32 to vector<16xi32>
      %and3A_88 = arith.andi %get3A_82, %and3A_87 : vector<16xi32>
      tpu.vector_store_idx %arg14[%shift_right_logical3A_85, %and3A_88], %broadcast_in_dim3A_3 {add = true} : memref<79x128xf32, #tpu.memory_space<vmem>>[vector<16xi32>, vector<16xi32>], vector<16xf32>,
      %get3A_89 = arith.constant 0 : i32
      %get3A_90 = arith.index_cast %get3A_89 : i32 to index
      %get3A_91 = arith.constant 64 : index
      %get3A_92 = tpu.vector_load %arg10[%get3A_90, %get3A_91] {strides = array<i32>} : memref<8x128xi32, #tpu.memory_space<vmem>>, vector<16xi32>,
      %shift_right_logical3A_93 = arith.constant 7 : i32
      %shift_right_logical3A_94 = vector.broadcast %shift_right_logical3A_93 : i32 to vector<16xi32>
      %shift_right_logical3A_95 = arith.shrui %get3A_92, %shift_right_logical3A_94 : vector<16xi32>
      %and3A_96 = arith.constant 127 : i32
      %and3A_97 = vector.broadcast %and3A_96 : i32 to vector<16xi32>
      %and3A_98 = arith.andi %get3A_92, %and3A_97 : vector<16xi32>
      tpu.vector_store_idx %arg14[%shift_right_logical3A_95, %and3A_98], %broadcast_in_dim3A_3 {add = true} : memref<79x128xf32, #tpu.memory_space<vmem>>[vector<16xi32>, vector<16xi32>], vector<16xf32>,
      %get3A_99 = arith.constant 0 : i32
      %get3A_100 = arith.index_cast %get3A_99 : i32 to index
      %get3A_101 = arith.constant 80 : index
      %get3A_102 = tpu.vector_load %arg10[%get3A_100, %get3A_101] {strides = array<i32>} : memref<8x128xi32, #tpu.memory_space<vmem>>, vector<16xi32>,
      %shift_right_logical3A_103 = arith.constant 7 : i32
      %shift_right_logical3A_104 = vector.broadcast %shift_right_logical3A_103 : i32 to vector<16xi32>
      %shift_right_logical3A_105 = arith.shrui %get3A_102, %shift_right_logical3A_104 : vector<16xi32>
      %and3A_106 = arith.constant 127 : i32
      %and3A_107 = vector.broadcast %and3A_106 : i32 to vector<16xi32>
      %and3A_108 = arith.andi %get3A_102, %and3A_107 : vector<16xi32>
      tpu.vector_store_idx %arg14[%shift_right_logical3A_105, %and3A_108], %broadcast_in_dim3A_3 {add = true} : memref<79x128xf32, #tpu.memory_space<vmem>>[vector<16xi32>, vector<16xi32>], vector<16xf32>,
      %get3A_109 = arith.constant 0 : i32
      %get3A_110 = arith.index_cast %get3A_109 : i32 to index
      %get3A_111 = arith.constant 96 : index
      %get3A_112 = tpu.vector_load %arg10[%get3A_110, %get3A_111] {strides = array<i32>} : memref<8x128xi32, #tpu.memory_space<vmem>>, vector<16xi32>,
      %shift_right_logical3A_113 = arith.constant 7 : i32
      %shift_right_logical3A_114 = vector.broadcast %shift_right_logical3A_113 : i32 to vector<16xi32>
      %shift_right_logical3A_115 = arith.shrui %get3A_112, %shift_right_logical3A_114 : vector<16xi32>
      %and3A_116 = arith.constant 127 : i32
      %and3A_117 = vector.broadcast %and3A_116 : i32 to vector<16xi32>
      %and3A_118 = arith.andi %get3A_112, %and3A_117 : vector<16xi32>
      tpu.vector_store_idx %arg14[%shift_right_logical3A_115, %and3A_118], %broadcast_in_dim3A_3 {add = true} : memref<79x128xf32, #tpu.memory_space<vmem>>[vector<16xi32>, vector<16xi32>], vector<16xf32>,
      %get3A_119 = arith.constant 0 : i32
      %get3A_120 = arith.index_cast %get3A_119 : i32 to index
      %get3A_121 = arith.constant 112 : index
      %get3A_122 = tpu.vector_load %arg10[%get3A_120, %get3A_121] {strides = array<i32>} : memref<8x128xi32, #tpu.memory_space<vmem>>, vector<16xi32>,
      %shift_right_logical3A_123 = arith.constant 7 : i32
      %shift_right_logical3A_124 = vector.broadcast %shift_right_logical3A_123 : i32 to vector<16xi32>
      %shift_right_logical3A_125 = arith.shrui %get3A_122, %shift_right_logical3A_124 : vector<16xi32>
      %and3A_126 = arith.constant 127 : i32
      %and3A_127 = vector.broadcast %and3A_126 : i32 to vector<16xi32>
      %and3A_128 = arith.andi %get3A_122, %and3A_127 : vector<16xi32>
      tpu.vector_store_idx %arg14[%shift_right_logical3A_125, %and3A_128], %broadcast_in_dim3A_3 {add = true} : memref<79x128xf32, #tpu.memory_space<vmem>>[vector<16xi32>, vector<16xi32>], vector<16xf32>,
      %dma_start3A_129 = arith.constant 1 : i32
      %dma_start3A_130 = arith.constant 0 : i32
      %dma_start3A_131 = tpu.memref_slice %arg9[%dma_start3A_129, %dma_start3A_130] : memref<8x128xi32, #tpu.memory_space<vmem>> -> memref<1x128xi32, #tpu.memory_space<vmem>>
      %dma_start3A_132 = tpu.memref_squeeze %dma_start3A_131 : memref<1x128xi32, #tpu.memory_space<vmem>> -> memref<128xi32, #tpu.memory_space<vmem>>
      %dma_start3A_133 = arith.constant 0 : i32
      %dma_start3A_134 = arith.constant 0 : i32
      %dma_start3A_135 = tpu.memref_slice %arg2[%dma_start3A_133, %dma_start3A_134] : memref<10112x128xf32, #tpu.memory_space<hbm>> -> memref<10112x128xf32, #tpu.memory_space<hbm>>
      tpu.enqueue_indirect_dma source(%dma_start3A_135 : memref<10112x128xf32, #tpu.memory_space<hbm>>) target(%arg11 : memref<128x128xf32, #tpu.memory_space<vmem>>) offsets(%dma_start3A_132 : memref<128xi32, #tpu.memory_space<vmem>>) semaphore(%arg12 : memref<!tpu.dma_semaphore, #tpu.memory_space<semaphore_mem>>)
      %dma_wait3A_136 = arith.constant 1 : i32
      %dma_wait3A_137 = arith.constant 0 : i32
      %dma_wait3A_138 = tpu.memref_slice %arg9[%dma_wait3A_136, %dma_wait3A_137] : memref<8x128xi32, #tpu.memory_space<vmem>> -> memref<1x128xi32, #tpu.memory_space<vmem>>
      %dma_wait3A_139 = tpu.memref_squeeze %dma_wait3A_138 : memref<1x128xi32, #tpu.memory_space<vmem>> -> memref<128xi32, #tpu.memory_space<vmem>>
      %dma_wait3A_140 = arith.constant 0 : i32
      %dma_wait3A_141 = arith.constant 0 : i32
      %dma_wait3A_142 = tpu.memref_slice %arg2[%dma_wait3A_140, %dma_wait3A_141] : memref<10112x128xf32, #tpu.memory_space<hbm>> -> memref<10112x128xf32, #tpu.memory_space<hbm>>
      tpu.wait_indirect_dma semaphore(%arg12 : memref<!tpu.dma_semaphore, #tpu.memory_space<semaphore_mem>>) src(%dma_wait3A_142 : memref<10112x128xf32, #tpu.memory_space<hbm>>) dst(%arg11 : memref<128x128xf32, #tpu.memory_space<vmem>>)
      %dma_start3A_143 = arith.constant 1 : i32
      %dma_start3A_144 = arith.constant 0 : i32
      %dma_start3A_145 = tpu.memref_slice %arg10[%dma_start3A_143, %dma_start3A_144] : memref<8x128xi32, #tpu.memory_space<vmem>> -> memref<1x128xi32, #tpu.memory_space<vmem>>
      %dma_start3A_146 = tpu.memref_squeeze %dma_start3A_145 : memref<1x128xi32, #tpu.memory_space<vmem>> -> memref<128xi32, #tpu.memory_space<vmem>>
      %dma_start3A_147 = arith.constant 0 : i32
      %dma_start3A_148 = arith.constant 0 : i32
      %dma_start3A_149 = tpu.memref_slice %arg8[%dma_start3A_147, %dma_start3A_148] : memref<10112x128xf32, #tpu.memory_space<vmem_shared>> -> memref<10112x128xf32, #tpu.memory_space<vmem_shared>>
      tpu.enqueue_indirect_dma source(%arg11 : memref<128x128xf32, #tpu.memory_space<vmem>>) target(%dma_start3A_149 : memref<10112x128xf32, #tpu.memory_space<vmem_shared>>) offsets(%dma_start3A_146 : memref<128xi32, #tpu.memory_space<vmem>>) semaphore(%arg13 : memref<!tpu.dma_semaphore, #tpu.memory_space<semaphore_mem>>) {add = true}
      %dma_wait3A_150 = arith.constant 1 : i32
      %dma_wait3A_151 = arith.constant 0 : i32
      %dma_wait3A_152 = tpu.memref_slice %arg10[%dma_wait3A_150, %dma_wait3A_151] : memref<8x128xi32, #tpu.memory_space<vmem>> -> memref<1x128xi32, #tpu.memory_space<vmem>>
      %dma_wait3A_153 = tpu.memref_squeeze %dma_wait3A_152 : memref<1x128xi32, #tpu.memory_space<vmem>> -> memref<128xi32, #tpu.memory_space<vmem>>
      %dma_wait3A_154 = arith.constant 0 : i32
      %dma_wait3A_155 = arith.constant 0 : i32
      %dma_wait3A_156 = tpu.memref_slice %arg8[%dma_wait3A_154, %dma_wait3A_155] : memref<10112x128xf32, #tpu.memory_space<vmem_shared>> -> memref<10112x128xf32, #tpu.memory_space<vmem_shared>>
      tpu.wait_indirect_dma semaphore(%arg13 : memref<!tpu.dma_semaphore, #tpu.memory_space<semaphore_mem>>) src(%arg11 : memref<128x128xf32, #tpu.memory_space<vmem>>) dst(%dma_wait3A_156 : memref<10112x128xf32, #tpu.memory_space<vmem_shared>>)
      %get3A_157 = arith.constant 1 : i32
      %get3A_158 = arith.index_cast %get3A_157 : i32 to index
      %get3A_159 = arith.constant 0 : index
      %get3A_160 = tpu.vector_load %arg10[%get3A_158, %get3A_159] {strides = array<i32>} : memref<8x128xi32, #tpu.memory_space<vmem>>, vector<16xi32>,
      %shift_right_logical3A_161 = arith.constant 7 : i32
      %shift_right_logical3A_162 = vector.broadcast %shift_right_logical3A_161 : i32 to vector<16xi32>
      %shift_right_logical3A_163 = arith.shrui %get3A_160, %shift_right_logical3A_162 : vector<16xi32>
      %and3A_164 = arith.constant 127 : i32
      %and3A_165 = vector.broadcast %and3A_164 : i32 to vector<16xi32>
      %and3A_166 = arith.andi %get3A_160, %and3A_165 : vector<16xi32>
      tpu.vector_store_idx %arg14[%shift_right_logical3A_163, %and3A_166], %broadcast_in_dim3A_3 {add = true} : memref<79x128xf32, #tpu.memory_space<vmem>>[vector<16xi32>, vector<16xi32>], vector<16xf32>,
      %get3A_167 = arith.constant 1 : i32
      %get3A_168 = arith.index_cast %get3A_167 : i32 to index
      %get3A_169 = arith.constant 16 : index
      %get3A_170 = tpu.vector_load %arg10[%get3A_168, %get3A_169] {strides = array<i32>} : memref<8x128xi32, #tpu.memory_space<vmem>>, vector<16xi32>,
      %shift_right_logical3A_171 = arith.constant 7 : i32
      %shift_right_logical3A_172 = vector.broadcast %shift_right_logical3A_171 : i32 to vector<16xi32>
      %shift_right_logical3A_173 = arith.shrui %get3A_170, %shift_right_logical3A_172 : vector<16xi32>
      %and3A_174 = arith.constant 127 : i32
      %and3A_175 = vector.broadcast %and3A_174 : i32 to vector<16xi32>
      %and3A_176 = arith.andi %get3A_170, %and3A_175 : vector<16xi32>
      tpu.vector_store_idx %arg14[%shift_right_logical3A_173, %and3A_176], %broadcast_in_dim3A_3 {add = true} : memref<79x128xf32, #tpu.memory_space<vmem>>[vector<16xi32>, vector<16xi32>], vector<16xf32>,
      %get3A_177 = arith.constant 1 : i32
      %get3A_178 = arith.index_cast %get3A_177 : i32 to index
      %get3A_179 = arith.constant 32 : index
      %get3A_180 = tpu.vector_load %arg10[%get3A_178, %get3A_179] {strides = array<i32>} : memref<8x128xi32, #tpu.memory_space<vmem>>, vector<16xi32>,
      %shift_right_logical3A_181 = arith.constant 7 : i32
      %shift_right_logical3A_182 = vector.broadcast %shift_right_logical3A_181 : i32 to vector<16xi32>
      %shift_right_logical3A_183 = arith.shrui %get3A_180, %shift_right_logical3A_182 : vector<16xi32>
      %and3A_184 = arith.constant 127 : i32
      %and3A_185 = vector.broadcast %and3A_184 : i32 to vector<16xi32>
      %and3A_186 = arith.andi %get3A_180, %and3A_185 : vector<16xi32>
      tpu.vector_store_idx %arg14[%shift_right_logical3A_183, %and3A_186], %broadcast_in_dim3A_3 {add = true} : memref<79x128xf32, #tpu.memory_space<vmem>>[vector<16xi32>, vector<16xi32>], vector<16xf32>,
      %get3A_187 = arith.constant 1 : i32
      %get3A_188 = arith.index_cast %get3A_187 : i32 to index
      %get3A_189 = arith.constant 48 : index
      %get3A_190 = tpu.vector_load %arg10[%get3A_188, %get3A_189] {strides = array<i32>} : memref<8x128xi32, #tpu.memory_space<vmem>>, vector<16xi32>,
      %shift_right_logical3A_191 = arith.constant 7 : i32
      %shift_right_logical3A_192 = vector.broadcast %shift_right_logical3A_191 : i32 to vector<16xi32>
      %shift_right_logical3A_193 = arith.shrui %get3A_190, %shift_right_logical3A_192 : vector<16xi32>
      %and3A_194 = arith.constant 127 : i32
      %and3A_195 = vector.broadcast %and3A_194 : i32 to vector<16xi32>
      %and3A_196 = arith.andi %get3A_190, %and3A_195 : vector<16xi32>
      tpu.vector_store_idx %arg14[%shift_right_logical3A_193, %and3A_196], %broadcast_in_dim3A_3 {add = true} : memref<79x128xf32, #tpu.memory_space<vmem>>[vector<16xi32>, vector<16xi32>], vector<16xf32>,
      %get3A_197 = arith.constant 1 : i32
      %get3A_198 = arith.index_cast %get3A_197 : i32 to index
      %get3A_199 = arith.constant 64 : index
      %get3A_200 = tpu.vector_load %arg10[%get3A_198, %get3A_199] {strides = array<i32>} : memref<8x128xi32, #tpu.memory_space<vmem>>, vector<16xi32>,
      %shift_right_logical3A_201 = arith.constant 7 : i32
      %shift_right_logical3A_202 = vector.broadcast %shift_right_logical3A_201 : i32 to vector<16xi32>
      %shift_right_logical3A_203 = arith.shrui %get3A_200, %shift_right_logical3A_202 : vector<16xi32>
      %and3A_204 = arith.constant 127 : i32
      %and3A_205 = vector.broadcast %and3A_204 : i32 to vector<16xi32>
      %and3A_206 = arith.andi %get3A_200, %and3A_205 : vector<16xi32>
      tpu.vector_store_idx %arg14[%shift_right_logical3A_203, %and3A_206], %broadcast_in_dim3A_3 {add = true} : memref<79x128xf32, #tpu.memory_space<vmem>>[vector<16xi32>, vector<16xi32>], vector<16xf32>,
      %get3A_207 = arith.constant 1 : i32
      %get3A_208 = arith.index_cast %get3A_207 : i32 to index
      %get3A_209 = arith.constant 80 : index
      %get3A_210 = tpu.vector_load %arg10[%get3A_208, %get3A_209] {strides = array<i32>} : memref<8x128xi32, #tpu.memory_space<vmem>>, vector<16xi32>,
      %shift_right_logical3A_211 = arith.constant 7 : i32
      %shift_right_logical3A_212 = vector.broadcast %shift_right_logical3A_211 : i32 to vector<16xi32>
      %shift_right_logical3A_213 = arith.shrui %get3A_210, %shift_right_logical3A_212 : vector<16xi32>
      %and3A_214 = arith.constant 127 : i32
      %and3A_215 = vector.broadcast %and3A_214 : i32 to vector<16xi32>
      %and3A_216 = arith.andi %get3A_210, %and3A_215 : vector<16xi32>
      tpu.vector_store_idx %arg14[%shift_right_logical3A_213, %and3A_216], %broadcast_in_dim3A_3 {add = true} : memref<79x128xf32, #tpu.memory_space<vmem>>[vector<16xi32>, vector<16xi32>], vector<16xf32>,
      %get3A_217 = arith.constant 1 : i32
      %get3A_218 = arith.index_cast %get3A_217 : i32 to index
      %get3A_219 = arith.constant 96 : index
      %get3A_220 = tpu.vector_load %arg10[%get3A_218, %get3A_219] {strides = array<i32>} : memref<8x128xi32, #tpu.memory_space<vmem>>, vector<16xi32>,
      %shift_right_logical3A_221 = arith.constant 7 : i32
      %shift_right_logical3A_222 = vector.broadcast %shift_right_logical3A_221 : i32 to vector<16xi32>
      %shift_right_logical3A_223 = arith.shrui %get3A_220, %shift_right_logical3A_222 : vector<16xi32>
      %and3A_224 = arith.constant 127 : i32
      %and3A_225 = vector.broadcast %and3A_224 : i32 to vector<16xi32>
      %and3A_226 = arith.andi %get3A_220, %and3A_225 : vector<16xi32>
      tpu.vector_store_idx %arg14[%shift_right_logical3A_223, %and3A_226], %broadcast_in_dim3A_3 {add = true} : memref<79x128xf32, #tpu.memory_space<vmem>>[vector<16xi32>, vector<16xi32>], vector<16xf32>,
      %get3A_227 = arith.constant 1 : i32
      %get3A_228 = arith.index_cast %get3A_227 : i32 to index
      %get3A_229 = arith.constant 112 : index
      %get3A_230 = tpu.vector_load %arg10[%get3A_228, %get3A_229] {strides = array<i32>} : memref<8x128xi32, #tpu.memory_space<vmem>>, vector<16xi32>,
      %shift_right_logical3A_231 = arith.constant 7 : i32
      %shift_right_logical3A_232 = vector.broadcast %shift_right_logical3A_231 : i32 to vector<16xi32>
      %shift_right_logical3A_233 = arith.shrui %get3A_230, %shift_right_logical3A_232 : vector<16xi32>
      %and3A_234 = arith.constant 127 : i32
      %and3A_235 = vector.broadcast %and3A_234 : i32 to vector<16xi32>
      %and3A_236 = arith.andi %get3A_230, %and3A_235 : vector<16xi32>
      tpu.vector_store_idx %arg14[%shift_right_logical3A_233, %and3A_236], %broadcast_in_dim3A_3 {add = true} : memref<79x128xf32, #tpu.memory_space<vmem>>[vector<16xi32>, vector<16xi32>], vector<16xf32>,
      %dma_start3A_237 = arith.constant 2 : i32
      %dma_start3A_238 = arith.constant 0 : i32
      %dma_start3A_239 = tpu.memref_slice %arg9[%dma_start3A_237, %dma_start3A_238] : memref<8x128xi32, #tpu.memory_space<vmem>> -> memref<1x128xi32, #tpu.memory_space<vmem>>
      %dma_start3A_240 = tpu.memref_squeeze %dma_start3A_239 : memref<1x128xi32, #tpu.memory_space<vmem>> -> memref<128xi32, #tpu.memory_space<vmem>>
      %dma_start3A_241 = arith.constant 0 : i32
      %dma_start3A_242 = arith.constant 0 : i32
      %dma_start3A_243 = tpu.memref_slice %arg2[%dma_start3A_241, %dma_start3A_242] : memref<10112x128xf32, #tpu.memory_space<hbm>> -> memref<10112x128xf32, #tpu.memory_space<hbm>>
      tpu.enqueue_indirect_dma source(%dma_start3A_243 : memref<10112x128xf32, #tpu.memory_space<hbm>>) target(%arg11 : memref<128x128xf32, #tpu.memory_space<vmem>>) offsets(%dma_start3A_240 : memref<128xi32, #tpu.memory_space<vmem>>) semaphore(%arg12 : memref<!tpu.dma_semaphore, #tpu.memory_space<semaphore_mem>>)
      %dma_wait3A_244 = arith.constant 2 : i32
      %dma_wait3A_245 = arith.constant 0 : i32
      %dma_wait3A_246 = tpu.memref_slice %arg9[%dma_wait3A_244, %dma_wait3A_245] : memref<8x128xi32, #tpu.memory_space<vmem>> -> memref<1x128xi32, #tpu.memory_space<vmem>>
      %dma_wait3A_247 = tpu.memref_squeeze %dma_wait3A_246 : memref<1x128xi32, #tpu.memory_space<vmem>> -> memref<128xi32, #tpu.memory_space<vmem>>
      %dma_wait3A_248 = arith.constant 0 : i32
      %dma_wait3A_249 = arith.constant 0 : i32
      %dma_wait3A_250 = tpu.memref_slice %arg2[%dma_wait3A_248, %dma_wait3A_249] : memref<10112x128xf32, #tpu.memory_space<hbm>> -> memref<10112x128xf32, #tpu.memory_space<hbm>>
      tpu.wait_indirect_dma semaphore(%arg12 : memref<!tpu.dma_semaphore, #tpu.memory_space<semaphore_mem>>) src(%dma_wait3A_250 : memref<10112x128xf32, #tpu.memory_space<hbm>>) dst(%arg11 : memref<128x128xf32, #tpu.memory_space<vmem>>)
      %dma_start3A_251 = arith.constant 2 : i32
      %dma_start3A_252 = arith.constant 0 : i32
      %dma_start3A_253 = tpu.memref_slice %arg10[%dma_start3A_251, %dma_start3A_252] : memref<8x128xi32, #tpu.memory_space<vmem>> -> memref<1x128xi32, #tpu.memory_space<vmem>>
      %dma_start3A_254 = tpu.memref_squeeze %dma_start3A_253 : memref<1x128xi32, #tpu.memory_space<vmem>> -> memref<128xi32, #tpu.memory_space<vmem>>
      %dma_start3A_255 = arith.constant 0 : i32
      %dma_start3A_256 = arith.constant 0 : i32
      %dma_start3A_257 = tpu.memref_slice %arg8[%dma_start3A_255, %dma_start3A_256] : memref<10112x128xf32, #tpu.memory_space<vmem_shared>> -> memref<10112x128xf32, #tpu.memory_space<vmem_shared>>
      tpu.enqueue_indirect_dma source(%arg11 : memref<128x128xf32, #tpu.memory_space<vmem>>) target(%dma_start3A_257 : memref<10112x128xf32, #tpu.memory_space<vmem_shared>>) offsets(%dma_start3A_254 : memref<128xi32, #tpu.memory_space<vmem>>) semaphore(%arg13 : memref<!tpu.dma_semaphore, #tpu.memory_space<semaphore_mem>>) {add = true}
      %dma_wait3A_258 = arith.constant 2 : i32
      %dma_wait3A_259 = arith.constant 0 : i32
      %dma_wait3A_260 = tpu.memref_slice %arg10[%dma_wait3A_258, %dma_wait3A_259] : memref<8x128xi32, #tpu.memory_space<vmem>> -> memref<1x128xi32, #tpu.memory_space<vmem>>
      %dma_wait3A_261 = tpu.memref_squeeze %dma_wait3A_260 : memref<1x128xi32, #tpu.memory_space<vmem>> -> memref<128xi32, #tpu.memory_space<vmem>>
      %dma_wait3A_262 = arith.constant 0 : i32
      %dma_wait3A_263 = arith.constant 0 : i32
      %dma_wait3A_264 = tpu.memref_slice %arg8[%dma_wait3A_262, %dma_wait3A_263] : memref<10112x128xf32, #tpu.memory_space<vmem_shared>> -> memref<10112x128xf32, #tpu.memory_space<vmem_shared>>
      tpu.wait_indirect_dma semaphore(%arg13 : memref<!tpu.dma_semaphore, #tpu.memory_space<semaphore_mem>>) src(%arg11 : memref<128x128xf32, #tpu.memory_space<vmem>>) dst(%dma_wait3A_264 : memref<10112x128xf32, #tpu.memory_space<vmem_shared>>)
      %get3A_265 = arith.constant 2 : i32
      %get3A_266 = arith.index_cast %get3A_265 : i32 to index
      %get3A_267 = arith.constant 0 : index
      %get3A_268 = tpu.vector_load %arg10[%get3A_266, %get3A_267] {strides = array<i32>} : memref<8x128xi32, #tpu.memory_space<vmem>>, vector<16xi32>,
      %shift_right_logical3A_269 = arith.constant 7 : i32
      %shift_right_logical3A_270 = vector.broadcast %shift_right_logical3A_269 : i32 to vector<16xi32>
      %shift_right_logical3A_271 = arith.shrui %get3A_268, %shift_right_logical3A_270 : vector<16xi32>
      %and3A_272 = arith.constant 127 : i32
      %and3A_273 = vector.broadcast %and3A_272 : i32 to vector<16xi32>
      %and3A_274 = arith.andi %get3A_268, %and3A_273 : vector<16xi32>
      tpu.vector_store_idx %arg14[%shift_right_logical3A_271, %and3A_274], %broadcast_in_dim3A_3 {add = true} : memref<79x128xf32, #tpu.memory_space<vmem>>[vector<16xi32>, vector<16xi32>], vector<16xf32>,
      %get3A_275 = arith.constant 2 : i32
      %get3A_276 = arith.index_cast %get3A_275 : i32 to index
      %get3A_277 = arith.constant 16 : index
      %get3A_278 = tpu.vector_load %arg10[%get3A_276, %get3A_277] {strides = array<i32>} : memref<8x128xi32, #tpu.memory_space<vmem>>, vector<16xi32>,
      %shift_right_logical3A_279 = arith.constant 7 : i32
      %shift_right_logical3A_280 = vector.broadcast %shift_right_logical3A_279 : i32 to vector<16xi32>
      %shift_right_logical3A_281 = arith.shrui %get3A_278, %shift_right_logical3A_280 : vector<16xi32>
      %and3A_282 = arith.constant 127 : i32
      %and3A_283 = vector.broadcast %and3A_282 : i32 to vector<16xi32>
      %and3A_284 = arith.andi %get3A_278, %and3A_283 : vector<16xi32>
      tpu.vector_store_idx %arg14[%shift_right_logical3A_281, %and3A_284], %broadcast_in_dim3A_3 {add = true} : memref<79x128xf32, #tpu.memory_space<vmem>>[vector<16xi32>, vector<16xi32>], vector<16xf32>,
      %get3A_285 = arith.constant 2 : i32
      %get3A_286 = arith.index_cast %get3A_285 : i32 to index
      %get3A_287 = arith.constant 32 : index
      %get3A_288 = tpu.vector_load %arg10[%get3A_286, %get3A_287] {strides = array<i32>} : memref<8x128xi32, #tpu.memory_space<vmem>>, vector<16xi32>,
      %shift_right_logical3A_289 = arith.constant 7 : i32
      %shift_right_logical3A_290 = vector.broadcast %shift_right_logical3A_289 : i32 to vector<16xi32>
      %shift_right_logical3A_291 = arith.shrui %get3A_288, %shift_right_logical3A_290 : vector<16xi32>
      %and3A_292 = arith.constant 127 : i32
      %and3A_293 = vector.broadcast %and3A_292 : i32 to vector<16xi32>
      %and3A_294 = arith.andi %get3A_288, %and3A_293 : vector<16xi32>
      tpu.vector_store_idx %arg14[%shift_right_logical3A_291, %and3A_294], %broadcast_in_dim3A_3 {add = true} : memref<79x128xf32, #tpu.memory_space<vmem>>[vector<16xi32>, vector<16xi32>], vector<16xf32>,
      %get3A_295 = arith.constant 2 : i32
      %get3A_296 = arith.index_cast %get3A_295 : i32 to index
      %get3A_297 = arith.constant 48 : index
      %get3A_298 = tpu.vector_load %arg10[%get3A_296, %get3A_297] {strides = array<i32>} : memref<8x128xi32, #tpu.memory_space<vmem>>, vector<16xi32>,
      %shift_right_logical3A_299 = arith.constant 7 : i32
      %shift_right_logical3A_300 = vector.broadcast %shift_right_logical3A_299 : i32 to vector<16xi32>
      %shift_right_logical3A_301 = arith.shrui %get3A_298, %shift_right_logical3A_300 : vector<16xi32>
      %and3A_302 = arith.constant 127 : i32
      %and3A_303 = vector.broadcast %and3A_302 : i32 to vector<16xi32>
      %and3A_304 = arith.andi %get3A_298, %and3A_303 : vector<16xi32>
      tpu.vector_store_idx %arg14[%shift_right_logical3A_301, %and3A_304], %broadcast_in_dim3A_3 {add = true} : memref<79x128xf32, #tpu.memory_space<vmem>>[vector<16xi32>, vector<16xi32>], vector<16xf32>,
      %get3A_305 = arith.constant 2 : i32
      %get3A_306 = arith.index_cast %get3A_305 : i32 to index
      %get3A_307 = arith.constant 64 : index
      %get3A_308 = tpu.vector_load %arg10[%get3A_306, %get3A_307] {strides = array<i32>} : memref<8x128xi32, #tpu.memory_space<vmem>>, vector<16xi32>,
      %shift_right_logical3A_309 = arith.constant 7 : i32
      %shift_right_logical3A_310 = vector.broadcast %shift_right_logical3A_309 : i32 to vector<16xi32>
      %shift_right_logical3A_311 = arith.shrui %get3A_308, %shift_right_logical3A_310 : vector<16xi32>
      %and3A_312 = arith.constant 127 : i32
      %and3A_313 = vector.broadcast %and3A_312 : i32 to vector<16xi32>
      %and3A_314 = arith.andi %get3A_308, %and3A_313 : vector<16xi32>
      tpu.vector_store_idx %arg14[%shift_right_logical3A_311, %and3A_314], %broadcast_in_dim3A_3 {add = true} : memref<79x128xf32, #tpu.memory_space<vmem>>[vector<16xi32>, vector<16xi32>], vector<16xf32>,
      %get3A_315 = arith.constant 2 : i32
      %get3A_316 = arith.index_cast %get3A_315 : i32 to index
      %get3A_317 = arith.constant 80 : index
      %get3A_318 = tpu.vector_load %arg10[%get3A_316, %get3A_317] {strides = array<i32>} : memref<8x128xi32, #tpu.memory_space<vmem>>, vector<16xi32>,
      %shift_right_logical3A_319 = arith.constant 7 : i32
      %shift_right_logical3A_320 = vector.broadcast %shift_right_logical3A_319 : i32 to vector<16xi32>
      %shift_right_logical3A_321 = arith.shrui %get3A_318, %shift_right_logical3A_320 : vector<16xi32>
      %and3A_322 = arith.constant 127 : i32
      %and3A_323 = vector.broadcast %and3A_322 : i32 to vector<16xi32>
      %and3A_324 = arith.andi %get3A_318, %and3A_323 : vector<16xi32>
      tpu.vector_store_idx %arg14[%shift_right_logical3A_321, %and3A_324], %broadcast_in_dim3A_3 {add = true} : memref<79x128xf32, #tpu.memory_space<vmem>>[vector<16xi32>, vector<16xi32>], vector<16xf32>,
      %get3A_325 = arith.constant 2 : i32
      %get3A_326 = arith.index_cast %get3A_325 : i32 to index
      %get3A_327 = arith.constant 96 : index
      %get3A_328 = tpu.vector_load %arg10[%get3A_326, %get3A_327] {strides = array<i32>} : memref<8x128xi32, #tpu.memory_space<vmem>>, vector<16xi32>,
      %shift_right_logical3A_329 = arith.constant 7 : i32
      %shift_right_logical3A_330 = vector.broadcast %shift_right_logical3A_329 : i32 to vector<16xi32>
      %shift_right_logical3A_331 = arith.shrui %get3A_328, %shift_right_logical3A_330 : vector<16xi32>
      %and3A_332 = arith.constant 127 : i32
      %and3A_333 = vector.broadcast %and3A_332 : i32 to vector<16xi32>
      %and3A_334 = arith.andi %get3A_328, %and3A_333 : vector<16xi32>
      tpu.vector_store_idx %arg14[%shift_right_logical3A_331, %and3A_334], %broadcast_in_dim3A_3 {add = true} : memref<79x128xf32, #tpu.memory_space<vmem>>[vector<16xi32>, vector<16xi32>], vector<16xf32>,
      %get3A_335 = arith.constant 2 : i32
      %get3A_336 = arith.index_cast %get3A_335 : i32 to index
      %get3A_337 = arith.constant 112 : index
      %get3A_338 = tpu.vector_load %arg10[%get3A_336, %get3A_337] {strides = array<i32>} : memref<8x128xi32, #tpu.memory_space<vmem>>, vector<16xi32>,
      %shift_right_logical3A_339 = arith.constant 7 : i32
      %shift_right_logical3A_340 = vector.broadcast %shift_right_logical3A_339 : i32 to vector<16xi32>
      %shift_right_logical3A_341 = arith.shrui %get3A_338, %shift_right_logical3A_340 : vector<16xi32>
      %and3A_342 = arith.constant 127 : i32
      %and3A_343 = vector.broadcast %and3A_342 : i32 to vector<16xi32>
      %and3A_344 = arith.andi %get3A_338, %and3A_343 : vector<16xi32>
      tpu.vector_store_idx %arg14[%shift_right_logical3A_341, %and3A_344], %broadcast_in_dim3A_3 {add = true} : memref<79x128xf32, #tpu.memory_space<vmem>>[vector<16xi32>, vector<16xi32>], vector<16xf32>,
      %dma_start3A_345 = arith.constant 3 : i32
      %dma_start3A_346 = arith.constant 0 : i32
      %dma_start3A_347 = tpu.memref_slice %arg9[%dma_start3A_345, %dma_start3A_346] : memref<8x128xi32, #tpu.memory_space<vmem>> -> memref<1x128xi32, #tpu.memory_space<vmem>>
      %dma_start3A_348 = tpu.memref_squeeze %dma_start3A_347 : memref<1x128xi32, #tpu.memory_space<vmem>> -> memref<128xi32, #tpu.memory_space<vmem>>
      %dma_start3A_349 = arith.constant 0 : i32
      %dma_start3A_350 = arith.constant 0 : i32
      %dma_start3A_351 = tpu.memref_slice %arg2[%dma_start3A_349, %dma_start3A_350] : memref<10112x128xf32, #tpu.memory_space<hbm>> -> memref<10112x128xf32, #tpu.memory_space<hbm>>
      tpu.enqueue_indirect_dma source(%dma_start3A_351 : memref<10112x128xf32, #tpu.memory_space<hbm>>) target(%arg11 : memref<128x128xf32, #tpu.memory_space<vmem>>) offsets(%dma_start3A_348 : memref<128xi32, #tpu.memory_space<vmem>>) semaphore(%arg12 : memref<!tpu.dma_semaphore, #tpu.memory_space<semaphore_mem>>)
      %dma_wait3A_352 = arith.constant 3 : i32
      %dma_wait3A_353 = arith.constant 0 : i32
      %dma_wait3A_354 = tpu.memref_slice %arg9[%dma_wait3A_352, %dma_wait3A_353] : memref<8x128xi32, #tpu.memory_space<vmem>> -> memref<1x128xi32, #tpu.memory_space<vmem>>
      %dma_wait3A_355 = tpu.memref_squeeze %dma_wait3A_354 : memref<1x128xi32, #tpu.memory_space<vmem>> -> memref<128xi32, #tpu.memory_space<vmem>>
      %dma_wait3A_356 = arith.constant 0 : i32
      %dma_wait3A_357 = arith.constant 0 : i32
      %dma_wait3A_358 = tpu.memref_slice %arg2[%dma_wait3A_356, %dma_wait3A_357] : memref<10112x128xf32, #tpu.memory_space<hbm>> -> memref<10112x128xf32, #tpu.memory_space<hbm>>
      tpu.wait_indirect_dma semaphore(%arg12 : memref<!tpu.dma_semaphore, #tpu.memory_space<semaphore_mem>>) src(%dma_wait3A_358 : memref<10112x128xf32, #tpu.memory_space<hbm>>) dst(%arg11 : memref<128x128xf32, #tpu.memory_space<vmem>>)
      %dma_start3A_359 = arith.constant 3 : i32
      %dma_start3A_360 = arith.constant 0 : i32
      %dma_start3A_361 = tpu.memref_slice %arg10[%dma_start3A_359, %dma_start3A_360] : memref<8x128xi32, #tpu.memory_space<vmem>> -> memref<1x128xi32, #tpu.memory_space<vmem>>
      %dma_start3A_362 = tpu.memref_squeeze %dma_start3A_361 : memref<1x128xi32, #tpu.memory_space<vmem>> -> memref<128xi32, #tpu.memory_space<vmem>>
      %dma_start3A_363 = arith.constant 0 : i32
      %dma_start3A_364 = arith.constant 0 : i32
      %dma_start3A_365 = tpu.memref_slice %arg8[%dma_start3A_363, %dma_start3A_364] : memref<10112x128xf32, #tpu.memory_space<vmem_shared>> -> memref<10112x128xf32, #tpu.memory_space<vmem_shared>>
      tpu.enqueue_indirect_dma source(%arg11 : memref<128x128xf32, #tpu.memory_space<vmem>>) target(%dma_start3A_365 : memref<10112x128xf32, #tpu.memory_space<vmem_shared>>) offsets(%dma_start3A_362 : memref<128xi32, #tpu.memory_space<vmem>>) semaphore(%arg13 : memref<!tpu.dma_semaphore, #tpu.memory_space<semaphore_mem>>) {add = true}
      %dma_wait3A_366 = arith.constant 3 : i32
      %dma_wait3A_367 = arith.constant 0 : i32
      %dma_wait3A_368 = tpu.memref_slice %arg10[%dma_wait3A_366, %dma_wait3A_367] : memref<8x128xi32, #tpu.memory_space<vmem>> -> memref<1x128xi32, #tpu.memory_space<vmem>>
      %dma_wait3A_369 = tpu.memref_squeeze %dma_wait3A_368 : memref<1x128xi32, #tpu.memory_space<vmem>> -> memref<128xi32, #tpu.memory_space<vmem>>
      %dma_wait3A_370 = arith.constant 0 : i32
      %dma_wait3A_371 = arith.constant 0 : i32
      %dma_wait3A_372 = tpu.memref_slice %arg8[%dma_wait3A_370, %dma_wait3A_371] : memref<10112x128xf32, #tpu.memory_space<vmem_shared>> -> memref<10112x128xf32, #tpu.memory_space<vmem_shared>>
      tpu.wait_indirect_dma semaphore(%arg13 : memref<!tpu.dma_semaphore, #tpu.memory_space<semaphore_mem>>) src(%arg11 : memref<128x128xf32, #tpu.memory_space<vmem>>) dst(%dma_wait3A_372 : memref<10112x128xf32, #tpu.memory_space<vmem_shared>>)
      %get3A_373 = arith.constant 3 : i32
      %get3A_374 = arith.index_cast %get3A_373 : i32 to index
      %get3A_375 = arith.constant 0 : index
      %get3A_376 = tpu.vector_load %arg10[%get3A_374, %get3A_375] {strides = array<i32>} : memref<8x128xi32, #tpu.memory_space<vmem>>, vector<16xi32>,
      %shift_right_logical3A_377 = arith.constant 7 : i32
      %shift_right_logical3A_378 = vector.broadcast %shift_right_logical3A_377 : i32 to vector<16xi32>
      %shift_right_logical3A_379 = arith.shrui %get3A_376, %shift_right_logical3A_378 : vector<16xi32>
      %and3A_380 = arith.constant 127 : i32
      %and3A_381 = vector.broadcast %and3A_380 : i32 to vector<16xi32>
      %and3A_382 = arith.andi %get3A_376, %and3A_381 : vector<16xi32>
      tpu.vector_store_idx %arg14[%shift_right_logical3A_379, %and3A_382], %broadcast_in_dim3A_3 {add = true} : memref<79x128xf32, #tpu.memory_space<vmem>>[vector<16xi32>, vector<16xi32>], vector<16xf32>,
      %get3A_383 = arith.constant 3 : i32
      %get3A_384 = arith.index_cast %get3A_383 : i32 to index
      %get3A_385 = arith.constant 16 : index
      %get3A_386 = tpu.vector_load %arg10[%get3A_384, %get3A_385] {strides = array<i32>} : memref<8x128xi32, #tpu.memory_space<vmem>>, vector<16xi32>,
      %shift_right_logical3A_387 = arith.constant 7 : i32
      %shift_right_logical3A_388 = vector.broadcast %shift_right_logical3A_387 : i32 to vector<16xi32>
      %shift_right_logical3A_389 = arith.shrui %get3A_386, %shift_right_logical3A_388 : vector<16xi32>
      %and3A_390 = arith.constant 127 : i32
      %and3A_391 = vector.broadcast %and3A_390 : i32 to vector<16xi32>
      %and3A_392 = arith.andi %get3A_386, %and3A_391 : vector<16xi32>
      tpu.vector_store_idx %arg14[%shift_right_logical3A_389, %and3A_392], %broadcast_in_dim3A_3 {add = true} : memref<79x128xf32, #tpu.memory_space<vmem>>[vector<16xi32>, vector<16xi32>], vector<16xf32>,
      %get3A_393 = arith.constant 3 : i32
      %get3A_394 = arith.index_cast %get3A_393 : i32 to index
      %get3A_395 = arith.constant 32 : index
      %get3A_396 = tpu.vector_load %arg10[%get3A_394, %get3A_395] {strides = array<i32>} : memref<8x128xi32, #tpu.memory_space<vmem>>, vector<16xi32>,
      %shift_right_logical3A_397 = arith.constant 7 : i32
      %shift_right_logical3A_398 = vector.broadcast %shift_right_logical3A_397 : i32 to vector<16xi32>
      %shift_right_logical3A_399 = arith.shrui %get3A_396, %shift_right_logical3A_398 : vector<16xi32>
      %and3A_400 = arith.constant 127 : i32
      %and3A_401 = vector.broadcast %and3A_400 : i32 to vector<16xi32>
      %and3A_402 = arith.andi %get3A_396, %and3A_401 : vector<16xi32>
      tpu.vector_store_idx %arg14[%shift_right_logical3A_399, %and3A_402], %broadcast_in_dim3A_3 {add = true} : memref<79x128xf32, #tpu.memory_space<vmem>>[vector<16xi32>, vector<16xi32>], vector<16xf32>,
      %get3A_403 = arith.constant 3 : i32
      %get3A_404 = arith.index_cast %get3A_403 : i32 to index
      %get3A_405 = arith.constant 48 : index
      %get3A_406 = tpu.vector_load %arg10[%get3A_404, %get3A_405] {strides = array<i32>} : memref<8x128xi32, #tpu.memory_space<vmem>>, vector<16xi32>,
      %shift_right_logical3A_407 = arith.constant 7 : i32
      %shift_right_logical3A_408 = vector.broadcast %shift_right_logical3A_407 : i32 to vector<16xi32>
      %shift_right_logical3A_409 = arith.shrui %get3A_406, %shift_right_logical3A_408 : vector<16xi32>
      %and3A_410 = arith.constant 127 : i32
      %and3A_411 = vector.broadcast %and3A_410 : i32 to vector<16xi32>
      %and3A_412 = arith.andi %get3A_406, %and3A_411 : vector<16xi32>
      tpu.vector_store_idx %arg14[%shift_right_logical3A_409, %and3A_412], %broadcast_in_dim3A_3 {add = true} : memref<79x128xf32, #tpu.memory_space<vmem>>[vector<16xi32>, vector<16xi32>], vector<16xf32>,
      %get3A_413 = arith.constant 3 : i32
      %get3A_414 = arith.index_cast %get3A_413 : i32 to index
      %get3A_415 = arith.constant 64 : index
      %get3A_416 = tpu.vector_load %arg10[%get3A_414, %get3A_415] {strides = array<i32>} : memref<8x128xi32, #tpu.memory_space<vmem>>, vector<16xi32>,
      %shift_right_logical3A_417 = arith.constant 7 : i32
      %shift_right_logical3A_418 = vector.broadcast %shift_right_logical3A_417 : i32 to vector<16xi32>
      %shift_right_logical3A_419 = arith.shrui %get3A_416, %shift_right_logical3A_418 : vector<16xi32>
      %and3A_420 = arith.constant 127 : i32
      %and3A_421 = vector.broadcast %and3A_420 : i32 to vector<16xi32>
      %and3A_422 = arith.andi %get3A_416, %and3A_421 : vector<16xi32>
      tpu.vector_store_idx %arg14[%shift_right_logical3A_419, %and3A_422], %broadcast_in_dim3A_3 {add = true} : memref<79x128xf32, #tpu.memory_space<vmem>>[vector<16xi32>, vector<16xi32>], vector<16xf32>,
      %get3A_423 = arith.constant 3 : i32
      %get3A_424 = arith.index_cast %get3A_423 : i32 to index
      %get3A_425 = arith.constant 80 : index
      %get3A_426 = tpu.vector_load %arg10[%get3A_424, %get3A_425] {strides = array<i32>} : memref<8x128xi32, #tpu.memory_space<vmem>>, vector<16xi32>,
      %shift_right_logical3A_427 = arith.constant 7 : i32
      %shift_right_logical3A_428 = vector.broadcast %shift_right_logical3A_427 : i32 to vector<16xi32>
      %shift_right_logical3A_429 = arith.shrui %get3A_426, %shift_right_logical3A_428 : vector<16xi32>
      %and3A_430 = arith.constant 127 : i32
      %and3A_431 = vector.broadcast %and3A_430 : i32 to vector<16xi32>
      %and3A_432 = arith.andi %get3A_426, %and3A_431 : vector<16xi32>
      tpu.vector_store_idx %arg14[%shift_right_logical3A_429, %and3A_432], %broadcast_in_dim3A_3 {add = true} : memref<79x128xf32, #tpu.memory_space<vmem>>[vector<16xi32>, vector<16xi32>], vector<16xf32>,
      %get3A_433 = arith.constant 3 : i32
      %get3A_434 = arith.index_cast %get3A_433 : i32 to index
      %get3A_435 = arith.constant 96 : index
      %get3A_436 = tpu.vector_load %arg10[%get3A_434, %get3A_435] {strides = array<i32>} : memref<8x128xi32, #tpu.memory_space<vmem>>, vector<16xi32>,
      %shift_right_logical3A_437 = arith.constant 7 : i32
      %shift_right_logical3A_438 = vector.broadcast %shift_right_logical3A_437 : i32 to vector<16xi32>
      %shift_right_logical3A_439 = arith.shrui %get3A_436, %shift_right_logical3A_438 : vector<16xi32>
      %and3A_440 = arith.constant 127 : i32
      %and3A_441 = vector.broadcast %and3A_440 : i32 to vector<16xi32>
      %and3A_442 = arith.andi %get3A_436, %and3A_441 : vector<16xi32>
      tpu.vector_store_idx %arg14[%shift_right_logical3A_439, %and3A_442], %broadcast_in_dim3A_3 {add = true} : memref<79x128xf32, #tpu.memory_space<vmem>>[vector<16xi32>, vector<16xi32>], vector<16xf32>,
      %get3A_443 = arith.constant 3 : i32
      %get3A_444 = arith.index_cast %get3A_443 : i32 to index
      %get3A_445 = arith.constant 112 : index
      %get3A_446 = tpu.vector_load %arg10[%get3A_444, %get3A_445] {strides = array<i32>} : memref<8x128xi32, #tpu.memory_space<vmem>>, vector<16xi32>,
      %shift_right_logical3A_447 = arith.constant 7 : i32
      %shift_right_logical3A_448 = vector.broadcast %shift_right_logical3A_447 : i32 to vector<16xi32>
      %shift_right_logical3A_449 = arith.shrui %get3A_446, %shift_right_logical3A_448 : vector<16xi32>
      %and3A_450 = arith.constant 127 : i32
      %and3A_451 = vector.broadcast %and3A_450 : i32 to vector<16xi32>
      %and3A_452 = arith.andi %get3A_446, %and3A_451 : vector<16xi32>
      tpu.vector_store_idx %arg14[%shift_right_logical3A_449, %and3A_452], %broadcast_in_dim3A_3 {add = true} : memref<79x128xf32, #tpu.memory_space<vmem>>[vector<16xi32>, vector<16xi32>], vector<16xf32>,
      %dma_start3A_453 = arith.constant 4 : i32
      %dma_start3A_454 = arith.constant 0 : i32
      %dma_start3A_455 = tpu.memref_slice %arg9[%dma_start3A_453, %dma_start3A_454] : memref<8x128xi32, #tpu.memory_space<vmem>> -> memref<1x128xi32, #tpu.memory_space<vmem>>
      %dma_start3A_456 = tpu.memref_squeeze %dma_start3A_455 : memref<1x128xi32, #tpu.memory_space<vmem>> -> memref<128xi32, #tpu.memory_space<vmem>>
      %dma_start3A_457 = arith.constant 0 : i32
      %dma_start3A_458 = arith.constant 0 : i32
      %dma_start3A_459 = tpu.memref_slice %arg2[%dma_start3A_457, %dma_start3A_458] : memref<10112x128xf32, #tpu.memory_space<hbm>> -> memref<10112x128xf32, #tpu.memory_space<hbm>>
      tpu.enqueue_indirect_dma source(%dma_start3A_459 : memref<10112x128xf32, #tpu.memory_space<hbm>>) target(%arg11 : memref<128x128xf32, #tpu.memory_space<vmem>>) offsets(%dma_start3A_456 : memref<128xi32, #tpu.memory_space<vmem>>) semaphore(%arg12 : memref<!tpu.dma_semaphore, #tpu.memory_space<semaphore_mem>>)
      %dma_wait3A_460 = arith.constant 4 : i32
      %dma_wait3A_461 = arith.constant 0 : i32
      %dma_wait3A_462 = tpu.memref_slice %arg9[%dma_wait3A_460, %dma_wait3A_461] : memref<8x128xi32, #tpu.memory_space<vmem>> -> memref<1x128xi32, #tpu.memory_space<vmem>>
      %dma_wait3A_463 = tpu.memref_squeeze %dma_wait3A_462 : memref<1x128xi32, #tpu.memory_space<vmem>> -> memref<128xi32, #tpu.memory_space<vmem>>
      %dma_wait3A_464 = arith.constant 0 : i32
      %dma_wait3A_465 = arith.constant 0 : i32
      %dma_wait3A_466 = tpu.memref_slice %arg2[%dma_wait3A_464, %dma_wait3A_465] : memref<10112x128xf32, #tpu.memory_space<hbm>> -> memref<10112x128xf32, #tpu.memory_space<hbm>>
      tpu.wait_indirect_dma semaphore(%arg12 : memref<!tpu.dma_semaphore, #tpu.memory_space<semaphore_mem>>) src(%dma_wait3A_466 : memref<10112x128xf32, #tpu.memory_space<hbm>>) dst(%arg11 : memref<128x128xf32, #tpu.memory_space<vmem>>)
      %dma_start3A_467 = arith.constant 4 : i32
      %dma_start3A_468 = arith.constant 0 : i32
      %dma_start3A_469 = tpu.memref_slice %arg10[%dma_start3A_467, %dma_start3A_468] : memref<8x128xi32, #tpu.memory_space<vmem>> -> memref<1x128xi32, #tpu.memory_space<vmem>>
      %dma_start3A_470 = tpu.memref_squeeze %dma_start3A_469 : memref<1x128xi32, #tpu.memory_space<vmem>> -> memref<128xi32, #tpu.memory_space<vmem>>
      %dma_start3A_471 = arith.constant 0 : i32
      %dma_start3A_472 = arith.constant 0 : i32
      %dma_start3A_473 = tpu.memref_slice %arg8[%dma_start3A_471, %dma_start3A_472] : memref<10112x128xf32, #tpu.memory_space<vmem_shared>> -> memref<10112x128xf32, #tpu.memory_space<vmem_shared>>
      tpu.enqueue_indirect_dma source(%arg11 : memref<128x128xf32, #tpu.memory_space<vmem>>) target(%dma_start3A_473 : memref<10112x128xf32, #tpu.memory_space<vmem_shared>>) offsets(%dma_start3A_470 : memref<128xi32, #tpu.memory_space<vmem>>) semaphore(%arg13 : memref<!tpu.dma_semaphore, #tpu.memory_space<semaphore_mem>>) {add = true}
      %dma_wait3A_474 = arith.constant 4 : i32
      %dma_wait3A_475 = arith.constant 0 : i32
      %dma_wait3A_476 = tpu.memref_slice %arg10[%dma_wait3A_474, %dma_wait3A_475] : memref<8x128xi32, #tpu.memory_space<vmem>> -> memref<1x128xi32, #tpu.memory_space<vmem>>
      %dma_wait3A_477 = tpu.memref_squeeze %dma_wait3A_476 : memref<1x128xi32, #tpu.memory_space<vmem>> -> memref<128xi32, #tpu.memory_space<vmem>>
      %dma_wait3A_478 = arith.constant 0 : i32
      %dma_wait3A_479 = arith.constant 0 : i32
      %dma_wait3A_480 = tpu.memref_slice %arg8[%dma_wait3A_478, %dma_wait3A_479] : memref<10112x128xf32, #tpu.memory_space<vmem_shared>> -> memref<10112x128xf32, #tpu.memory_space<vmem_shared>>
      tpu.wait_indirect_dma semaphore(%arg13 : memref<!tpu.dma_semaphore, #tpu.memory_space<semaphore_mem>>) src(%arg11 : memref<128x128xf32, #tpu.memory_space<vmem>>) dst(%dma_wait3A_480 : memref<10112x128xf32, #tpu.memory_space<vmem_shared>>)
      %get3A_481 = arith.constant 4 : i32
      %get3A_482 = arith.index_cast %get3A_481 : i32 to index
      %get3A_483 = arith.constant 0 : index
      %get3A_484 = tpu.vector_load %arg10[%get3A_482, %get3A_483] {strides = array<i32>} : memref<8x128xi32, #tpu.memory_space<vmem>>, vector<16xi32>,
      %shift_right_logical3A_485 = arith.constant 7 : i32
      %shift_right_logical3A_486 = vector.broadcast %shift_right_logical3A_485 : i32 to vector<16xi32>
      %shift_right_logical3A_487 = arith.shrui %get3A_484, %shift_right_logical3A_486 : vector<16xi32>
      %and3A_488 = arith.constant 127 : i32
      %and3A_489 = vector.broadcast %and3A_488 : i32 to vector<16xi32>
      %and3A_490 = arith.andi %get3A_484, %and3A_489 : vector<16xi32>
      tpu.vector_store_idx %arg14[%shift_right_logical3A_487, %and3A_490], %broadcast_in_dim3A_3 {add = true} : memref<79x128xf32, #tpu.memory_space<vmem>>[vector<16xi32>, vector<16xi32>], vector<16xf32>,
      %get3A_491 = arith.constant 4 : i32
      %get3A_492 = arith.index_cast %get3A_491 : i32 to index
      %get3A_493 = arith.constant 16 : index
      %get3A_494 = tpu.vector_load %arg10[%get3A_492, %get3A_493] {strides = array<i32>} : memref<8x128xi32, #tpu.memory_space<vmem>>, vector<16xi32>,
      %shift_right_logical3A_495 = arith.constant 7 : i32
      %shift_right_logical3A_496 = vector.broadcast %shift_right_logical3A_495 : i32 to vector<16xi32>
      %shift_right_logical3A_497 = arith.shrui %get3A_494, %shift_right_logical3A_496 : vector<16xi32>
      %and3A_498 = arith.constant 127 : i32
      %and3A_499 = vector.broadcast %and3A_498 : i32 to vector<16xi32>
      %and3A_500 = arith.andi %get3A_494, %and3A_499 : vector<16xi32>
      tpu.vector_store_idx %arg14[%shift_right_logical3A_497, %and3A_500], %broadcast_in_dim3A_3 {add = true} : memref<79x128xf32, #tpu.memory_space<vmem>>[vector<16xi32>, vector<16xi32>], vector<16xf32>,
      %get3A_501 = arith.constant 4 : i32
      %get3A_502 = arith.index_cast %get3A_501 : i32 to index
      %get3A_503 = arith.constant 32 : index
      %get3A_504 = tpu.vector_load %arg10[%get3A_502, %get3A_503] {strides = array<i32>} : memref<8x128xi32, #tpu.memory_space<vmem>>, vector<16xi32>,
      %shift_right_logical3A_505 = arith.constant 7 : i32
      %shift_right_logical3A_506 = vector.broadcast %shift_right_logical3A_505 : i32 to vector<16xi32>
      %shift_right_logical3A_507 = arith.shrui %get3A_504, %shift_right_logical3A_506 : vector<16xi32>
      %and3A_508 = arith.constant 127 : i32
      %and3A_509 = vector.broadcast %and3A_508 : i32 to vector<16xi32>
      %and3A_510 = arith.andi %get3A_504, %and3A_509 : vector<16xi32>
      tpu.vector_store_idx %arg14[%shift_right_logical3A_507, %and3A_510], %broadcast_in_dim3A_3 {add = true} : memref<79x128xf32, #tpu.memory_space<vmem>>[vector<16xi32>, vector<16xi32>], vector<16xf32>,
      %get3A_511 = arith.constant 4 : i32
      %get3A_512 = arith.index_cast %get3A_511 : i32 to index
      %get3A_513 = arith.constant 48 : index
      %get3A_514 = tpu.vector_load %arg10[%get3A_512, %get3A_513] {strides = array<i32>} : memref<8x128xi32, #tpu.memory_space<vmem>>, vector<16xi32>,
      %shift_right_logical3A_515 = arith.constant 7 : i32
      %shift_right_logical3A_516 = vector.broadcast %shift_right_logical3A_515 : i32 to vector<16xi32>
      %shift_right_logical3A_517 = arith.shrui %get3A_514, %shift_right_logical3A_516 : vector<16xi32>
      %and3A_518 = arith.constant 127 : i32
      %and3A_519 = vector.broadcast %and3A_518 : i32 to vector<16xi32>
      %and3A_520 = arith.andi %get3A_514, %and3A_519 : vector<16xi32>
      tpu.vector_store_idx %arg14[%shift_right_logical3A_517, %and3A_520], %broadcast_in_dim3A_3 {add = true} : memref<79x128xf32, #tpu.memory_space<vmem>>[vector<16xi32>, vector<16xi32>], vector<16xf32>,
      %get3A_521 = arith.constant 4 : i32
      %get3A_522 = arith.index_cast %get3A_521 : i32 to index
      %get3A_523 = arith.constant 64 : index
      %get3A_524 = tpu.vector_load %arg10[%get3A_522, %get3A_523] {strides = array<i32>} : memref<8x128xi32, #tpu.memory_space<vmem>>, vector<16xi32>,
      %shift_right_logical3A_525 = arith.constant 7 : i32
      %shift_right_logical3A_526 = vector.broadcast %shift_right_logical3A_525 : i32 to vector<16xi32>
      %shift_right_logical3A_527 = arith.shrui %get3A_524, %shift_right_logical3A_526 : vector<16xi32>
      %and3A_528 = arith.constant 127 : i32
      %and3A_529 = vector.broadcast %and3A_528 : i32 to vector<16xi32>
      %and3A_530 = arith.andi %get3A_524, %and3A_529 : vector<16xi32>
      tpu.vector_store_idx %arg14[%shift_right_logical3A_527, %and3A_530], %broadcast_in_dim3A_3 {add = true} : memref<79x128xf32, #tpu.memory_space<vmem>>[vector<16xi32>, vector<16xi32>], vector<16xf32>,
      %get3A_531 = arith.constant 4 : i32
      %get3A_532 = arith.index_cast %get3A_531 : i32 to index
      %get3A_533 = arith.constant 80 : index
      %get3A_534 = tpu.vector_load %arg10[%get3A_532, %get3A_533] {strides = array<i32>} : memref<8x128xi32, #tpu.memory_space<vmem>>, vector<16xi32>,
      %shift_right_logical3A_535 = arith.constant 7 : i32
      %shift_right_logical3A_536 = vector.broadcast %shift_right_logical3A_535 : i32 to vector<16xi32>
      %shift_right_logical3A_537 = arith.shrui %get3A_534, %shift_right_logical3A_536 : vector<16xi32>
      %and3A_538 = arith.constant 127 : i32
      %and3A_539 = vector.broadcast %and3A_538 : i32 to vector<16xi32>
      %and3A_540 = arith.andi %get3A_534, %and3A_539 : vector<16xi32>
      tpu.vector_store_idx %arg14[%shift_right_logical3A_537, %and3A_540], %broadcast_in_dim3A_3 {add = true} : memref<79x128xf32, #tpu.memory_space<vmem>>[vector<16xi32>, vector<16xi32>], vector<16xf32>,
      %get3A_541 = arith.constant 4 : i32
      %get3A_542 = arith.index_cast %get3A_541 : i32 to index
      %get3A_543 = arith.constant 96 : index
      %get3A_544 = tpu.vector_load %arg10[%get3A_542, %get3A_543] {strides = array<i32>} : memref<8x128xi32, #tpu.memory_space<vmem>>, vector<16xi32>,
      %shift_right_logical3A_545 = arith.constant 7 : i32
      %shift_right_logical3A_546 = vector.broadcast %shift_right_logical3A_545 : i32 to vector<16xi32>
      %shift_right_logical3A_547 = arith.shrui %get3A_544, %shift_right_logical3A_546 : vector<16xi32>
      %and3A_548 = arith.constant 127 : i32
      %and3A_549 = vector.broadcast %and3A_548 : i32 to vector<16xi32>
      %and3A_550 = arith.andi %get3A_544, %and3A_549 : vector<16xi32>
      tpu.vector_store_idx %arg14[%shift_right_logical3A_547, %and3A_550], %broadcast_in_dim3A_3 {add = true} : memref<79x128xf32, #tpu.memory_space<vmem>>[vector<16xi32>, vector<16xi32>], vector<16xf32>,
      %get3A_551 = arith.constant 4 : i32
      %get3A_552 = arith.index_cast %get3A_551 : i32 to index
      %get3A_553 = arith.constant 112 : index
      %get3A_554 = tpu.vector_load %arg10[%get3A_552, %get3A_553] {strides = array<i32>} : memref<8x128xi32, #tpu.memory_space<vmem>>, vector<16xi32>,
      %shift_right_logical3A_555 = arith.constant 7 : i32
      %shift_right_logical3A_556 = vector.broadcast %shift_right_logical3A_555 : i32 to vector<16xi32>
      %shift_right_logical3A_557 = arith.shrui %get3A_554, %shift_right_logical3A_556 : vector<16xi32>
      %and3A_558 = arith.constant 127 : i32
      %and3A_559 = vector.broadcast %and3A_558 : i32 to vector<16xi32>
      %and3A_560 = arith.andi %get3A_554, %and3A_559 : vector<16xi32>
      tpu.vector_store_idx %arg14[%shift_right_logical3A_557, %and3A_560], %broadcast_in_dim3A_3 {add = true} : memref<79x128xf32, #tpu.memory_space<vmem>>[vector<16xi32>, vector<16xi32>], vector<16xf32>,
      %dma_start3A_561 = arith.constant 5 : i32
      %dma_start3A_562 = arith.constant 0 : i32
      %dma_start3A_563 = tpu.memref_slice %arg9[%dma_start3A_561, %dma_start3A_562] : memref<8x128xi32, #tpu.memory_space<vmem>> -> memref<1x128xi32, #tpu.memory_space<vmem>>
      %dma_start3A_564 = tpu.memref_squeeze %dma_start3A_563 : memref<1x128xi32, #tpu.memory_space<vmem>> -> memref<128xi32, #tpu.memory_space<vmem>>
      %dma_start3A_565 = arith.constant 0 : i32
      %dma_start3A_566 = arith.constant 0 : i32
      %dma_start3A_567 = tpu.memref_slice %arg2[%dma_start3A_565, %dma_start3A_566] : memref<10112x128xf32, #tpu.memory_space<hbm>> -> memref<10112x128xf32, #tpu.memory_space<hbm>>
      tpu.enqueue_indirect_dma source(%dma_start3A_567 : memref<10112x128xf32, #tpu.memory_space<hbm>>) target(%arg11 : memref<128x128xf32, #tpu.memory_space<vmem>>) offsets(%dma_start3A_564 : memref<128xi32, #tpu.memory_space<vmem>>) semaphore(%arg12 : memref<!tpu.dma_semaphore, #tpu.memory_space<semaphore_mem>>)
      %dma_wait3A_568 = arith.constant 5 : i32
      %dma_wait3A_569 = arith.constant 0 : i32
      %dma_wait3A_570 = tpu.memref_slice %arg9[%dma_wait3A_568, %dma_wait3A_569] : memref<8x128xi32, #tpu.memory_space<vmem>> -> memref<1x128xi32, #tpu.memory_space<vmem>>
      %dma_wait3A_571 = tpu.memref_squeeze %dma_wait3A_570 : memref<1x128xi32, #tpu.memory_space<vmem>> -> memref<128xi32, #tpu.memory_space<vmem>>
      %dma_wait3A_572 = arith.constant 0 : i32
      %dma_wait3A_573 = arith.constant 0 : i32
      %dma_wait3A_574 = tpu.memref_slice %arg2[%dma_wait3A_572, %dma_wait3A_573] : memref<10112x128xf32, #tpu.memory_space<hbm>> -> memref<10112x128xf32, #tpu.memory_space<hbm>>
      tpu.wait_indirect_dma semaphore(%arg12 : memref<!tpu.dma_semaphore, #tpu.memory_space<semaphore_mem>>) src(%dma_wait3A_574 : memref<10112x128xf32, #tpu.memory_space<hbm>>) dst(%arg11 : memref<128x128xf32, #tpu.memory_space<vmem>>)
      %dma_start3A_575 = arith.constant 5 : i32
      %dma_start3A_576 = arith.constant 0 : i32
      %dma_start3A_577 = tpu.memref_slice %arg10[%dma_start3A_575, %dma_start3A_576] : memref<8x128xi32, #tpu.memory_space<vmem>> -> memref<1x128xi32, #tpu.memory_space<vmem>>
      %dma_start3A_578 = tpu.memref_squeeze %dma_start3A_577 : memref<1x128xi32, #tpu.memory_space<vmem>> -> memref<128xi32, #tpu.memory_space<vmem>>
      %dma_start3A_579 = arith.constant 0 : i32
      %dma_start3A_580 = arith.constant 0 : i32
      %dma_start3A_581 = tpu.memref_slice %arg8[%dma_start3A_579, %dma_start3A_580] : memref<10112x128xf32, #tpu.memory_space<vmem_shared>> -> memref<10112x128xf32, #tpu.memory_space<vmem_shared>>
      tpu.enqueue_indirect_dma source(%arg11 : memref<128x128xf32, #tpu.memory_space<vmem>>) target(%dma_start3A_581 : memref<10112x128xf32, #tpu.memory_space<vmem_shared>>) offsets(%dma_start3A_578 : memref<128xi32, #tpu.memory_space<vmem>>) semaphore(%arg13 : memref<!tpu.dma_semaphore, #tpu.memory_space<semaphore_mem>>) {add = true}
      %dma_wait3A_582 = arith.constant 5 : i32
      %dma_wait3A_583 = arith.constant 0 : i32
      %dma_wait3A_584 = tpu.memref_slice %arg10[%dma_wait3A_582, %dma_wait3A_583] : memref<8x128xi32, #tpu.memory_space<vmem>> -> memref<1x128xi32, #tpu.memory_space<vmem>>
      %dma_wait3A_585 = tpu.memref_squeeze %dma_wait3A_584 : memref<1x128xi32, #tpu.memory_space<vmem>> -> memref<128xi32, #tpu.memory_space<vmem>>
      %dma_wait3A_586 = arith.constant 0 : i32
      %dma_wait3A_587 = arith.constant 0 : i32
      %dma_wait3A_588 = tpu.memref_slice %arg8[%dma_wait3A_586, %dma_wait3A_587] : memref<10112x128xf32, #tpu.memory_space<vmem_shared>> -> memref<10112x128xf32, #tpu.memory_space<vmem_shared>>
      tpu.wait_indirect_dma semaphore(%arg13 : memref<!tpu.dma_semaphore, #tpu.memory_space<semaphore_mem>>) src(%arg11 : memref<128x128xf32, #tpu.memory_space<vmem>>) dst(%dma_wait3A_588 : memref<10112x128xf32, #tpu.memory_space<vmem_shared>>)
      %get3A_589 = arith.constant 5 : i32
      %get3A_590 = arith.index_cast %get3A_589 : i32 to index
      %get3A_591 = arith.constant 0 : index
      %get3A_592 = tpu.vector_load %arg10[%get3A_590, %get3A_591] {strides = array<i32>} : memref<8x128xi32, #tpu.memory_space<vmem>>, vector<16xi32>,
      %shift_right_logical3A_593 = arith.constant 7 : i32
      %shift_right_logical3A_594 = vector.broadcast %shift_right_logical3A_593 : i32 to vector<16xi32>
      %shift_right_logical3A_595 = arith.shrui %get3A_592, %shift_right_logical3A_594 : vector<16xi32>
      %and3A_596 = arith.constant 127 : i32
      %and3A_597 = vector.broadcast %and3A_596 : i32 to vector<16xi32>
      %and3A_598 = arith.andi %get3A_592, %and3A_597 : vector<16xi32>
      tpu.vector_store_idx %arg14[%shift_right_logical3A_595, %and3A_598], %broadcast_in_dim3A_3 {add = true} : memref<79x128xf32, #tpu.memory_space<vmem>>[vector<16xi32>, vector<16xi32>], vector<16xf32>,
      %get3A_599 = arith.constant 5 : i32
      %get3A_600 = arith.index_cast %get3A_599 : i32 to index
      %get3A_601 = arith.constant 16 : index
      %get3A_602 = tpu.vector_load %arg10[%get3A_600, %get3A_601] {strides = array<i32>} : memref<8x128xi32, #tpu.memory_space<vmem>>, vector<16xi32>,
      %shift_right_logical3A_603 = arith.constant 7 : i32
      %shift_right_logical3A_604 = vector.broadcast %shift_right_logical3A_603 : i32 to vector<16xi32>
      %shift_right_logical3A_605 = arith.shrui %get3A_602, %shift_right_logical3A_604 : vector<16xi32>
      %and3A_606 = arith.constant 127 : i32
      %and3A_607 = vector.broadcast %and3A_606 : i32 to vector<16xi32>
      %and3A_608 = arith.andi %get3A_602, %and3A_607 : vector<16xi32>
      tpu.vector_store_idx %arg14[%shift_right_logical3A_605, %and3A_608], %broadcast_in_dim3A_3 {add = true} : memref<79x128xf32, #tpu.memory_space<vmem>>[vector<16xi32>, vector<16xi32>], vector<16xf32>,
      %get3A_609 = arith.constant 5 : i32
      %get3A_610 = arith.index_cast %get3A_609 : i32 to index
      %get3A_611 = arith.constant 32 : index
      %get3A_612 = tpu.vector_load %arg10[%get3A_610, %get3A_611] {strides = array<i32>} : memref<8x128xi32, #tpu.memory_space<vmem>>, vector<16xi32>,
      %shift_right_logical3A_613 = arith.constant 7 : i32
      %shift_right_logical3A_614 = vector.broadcast %shift_right_logical3A_613 : i32 to vector<16xi32>
      %shift_right_logical3A_615 = arith.shrui %get3A_612, %shift_right_logical3A_614 : vector<16xi32>
      %and3A_616 = arith.constant 127 : i32
      %and3A_617 = vector.broadcast %and3A_616 : i32 to vector<16xi32>
      %and3A_618 = arith.andi %get3A_612, %and3A_617 : vector<16xi32>
      tpu.vector_store_idx %arg14[%shift_right_logical3A_615, %and3A_618], %broadcast_in_dim3A_3 {add = true} : memref<79x128xf32, #tpu.memory_space<vmem>>[vector<16xi32>, vector<16xi32>], vector<16xf32>,
      %get3A_619 = arith.constant 5 : i32
      %get3A_620 = arith.index_cast %get3A_619 : i32 to index
      %get3A_621 = arith.constant 48 : index
      %get3A_622 = tpu.vector_load %arg10[%get3A_620, %get3A_621] {strides = array<i32>} : memref<8x128xi32, #tpu.memory_space<vmem>>, vector<16xi32>,
      %shift_right_logical3A_623 = arith.constant 7 : i32
      %shift_right_logical3A_624 = vector.broadcast %shift_right_logical3A_623 : i32 to vector<16xi32>
      %shift_right_logical3A_625 = arith.shrui %get3A_622, %shift_right_logical3A_624 : vector<16xi32>
      %and3A_626 = arith.constant 127 : i32
      %and3A_627 = vector.broadcast %and3A_626 : i32 to vector<16xi32>
      %and3A_628 = arith.andi %get3A_622, %and3A_627 : vector<16xi32>
      tpu.vector_store_idx %arg14[%shift_right_logical3A_625, %and3A_628], %broadcast_in_dim3A_3 {add = true} : memref<79x128xf32, #tpu.memory_space<vmem>>[vector<16xi32>, vector<16xi32>], vector<16xf32>,
      %get3A_629 = arith.constant 5 : i32
      %get3A_630 = arith.index_cast %get3A_629 : i32 to index
      %get3A_631 = arith.constant 64 : index
      %get3A_632 = tpu.vector_load %arg10[%get3A_630, %get3A_631] {strides = array<i32>} : memref<8x128xi32, #tpu.memory_space<vmem>>, vector<16xi32>,
      %shift_right_logical3A_633 = arith.constant 7 : i32
      %shift_right_logical3A_634 = vector.broadcast %shift_right_logical3A_633 : i32 to vector<16xi32>
      %shift_right_logical3A_635 = arith.shrui %get3A_632, %shift_right_logical3A_634 : vector<16xi32>
      %and3A_636 = arith.constant 127 : i32
      %and3A_637 = vector.broadcast %and3A_636 : i32 to vector<16xi32>
      %and3A_638 = arith.andi %get3A_632, %and3A_637 : vector<16xi32>
      tpu.vector_store_idx %arg14[%shift_right_logical3A_635, %and3A_638], %broadcast_in_dim3A_3 {add = true} : memref<79x128xf32, #tpu.memory_space<vmem>>[vector<16xi32>, vector<16xi32>], vector<16xf32>,
      %get3A_639 = arith.constant 5 : i32
      %get3A_640 = arith.index_cast %get3A_639 : i32 to index
      %get3A_641 = arith.constant 80 : index
      %get3A_642 = tpu.vector_load %arg10[%get3A_640, %get3A_641] {strides = array<i32>} : memref<8x128xi32, #tpu.memory_space<vmem>>, vector<16xi32>,
      %shift_right_logical3A_643 = arith.constant 7 : i32
      %shift_right_logical3A_644 = vector.broadcast %shift_right_logical3A_643 : i32 to vector<16xi32>
      %shift_right_logical3A_645 = arith.shrui %get3A_642, %shift_right_logical3A_644 : vector<16xi32>
      %and3A_646 = arith.constant 127 : i32
      %and3A_647 = vector.broadcast %and3A_646 : i32 to vector<16xi32>
      %and3A_648 = arith.andi %get3A_642, %and3A_647 : vector<16xi32>
      tpu.vector_store_idx %arg14[%shift_right_logical3A_645, %and3A_648], %broadcast_in_dim3A_3 {add = true} : memref<79x128xf32, #tpu.memory_space<vmem>>[vector<16xi32>, vector<16xi32>], vector<16xf32>,
      %get3A_649 = arith.constant 5 : i32
      %get3A_650 = arith.index_cast %get3A_649 : i32 to index
      %get3A_651 = arith.constant 96 : index
      %get3A_652 = tpu.vector_load %arg10[%get3A_650, %get3A_651] {strides = array<i32>} : memref<8x128xi32, #tpu.memory_space<vmem>>, vector<16xi32>,
      %shift_right_logical3A_653 = arith.constant 7 : i32
      %shift_right_logical3A_654 = vector.broadcast %shift_right_logical3A_653 : i32 to vector<16xi32>
      %shift_right_logical3A_655 = arith.shrui %get3A_652, %shift_right_logical3A_654 : vector<16xi32>
      %and3A_656 = arith.constant 127 : i32
      %and3A_657 = vector.broadcast %and3A_656 : i32 to vector<16xi32>
      %and3A_658 = arith.andi %get3A_652, %and3A_657 : vector<16xi32>
      tpu.vector_store_idx %arg14[%shift_right_logical3A_655, %and3A_658], %broadcast_in_dim3A_3 {add = true} : memref<79x128xf32, #tpu.memory_space<vmem>>[vector<16xi32>, vector<16xi32>], vector<16xf32>,
      %get3A_659 = arith.constant 5 : i32
      %get3A_660 = arith.index_cast %get3A_659 : i32 to index
      %get3A_661 = arith.constant 112 : index
      %get3A_662 = tpu.vector_load %arg10[%get3A_660, %get3A_661] {strides = array<i32>} : memref<8x128xi32, #tpu.memory_space<vmem>>, vector<16xi32>,
      %shift_right_logical3A_663 = arith.constant 7 : i32
      %shift_right_logical3A_664 = vector.broadcast %shift_right_logical3A_663 : i32 to vector<16xi32>
      %shift_right_logical3A_665 = arith.shrui %get3A_662, %shift_right_logical3A_664 : vector<16xi32>
      %and3A_666 = arith.constant 127 : i32
      %and3A_667 = vector.broadcast %and3A_666 : i32 to vector<16xi32>
      %and3A_668 = arith.andi %get3A_662, %and3A_667 : vector<16xi32>
      tpu.vector_store_idx %arg14[%shift_right_logical3A_665, %and3A_668], %broadcast_in_dim3A_3 {add = true} : memref<79x128xf32, #tpu.memory_space<vmem>>[vector<16xi32>, vector<16xi32>], vector<16xf32>,
      %dma_start3A_669 = arith.constant 6 : i32
      %dma_start3A_670 = arith.constant 0 : i32
      %dma_start3A_671 = tpu.memref_slice %arg9[%dma_start3A_669, %dma_start3A_670] : memref<8x128xi32, #tpu.memory_space<vmem>> -> memref<1x128xi32, #tpu.memory_space<vmem>>
      %dma_start3A_672 = tpu.memref_squeeze %dma_start3A_671 : memref<1x128xi32, #tpu.memory_space<vmem>> -> memref<128xi32, #tpu.memory_space<vmem>>
      %dma_start3A_673 = arith.constant 0 : i32
      %dma_start3A_674 = arith.constant 0 : i32
      %dma_start3A_675 = tpu.memref_slice %arg2[%dma_start3A_673, %dma_start3A_674] : memref<10112x128xf32, #tpu.memory_space<hbm>> -> memref<10112x128xf32, #tpu.memory_space<hbm>>
      tpu.enqueue_indirect_dma source(%dma_start3A_675 : memref<10112x128xf32, #tpu.memory_space<hbm>>) target(%arg11 : memref<128x128xf32, #tpu.memory_space<vmem>>) offsets(%dma_start3A_672 : memref<128xi32, #tpu.memory_space<vmem>>) semaphore(%arg12 : memref<!tpu.dma_semaphore, #tpu.memory_space<semaphore_mem>>)
      %dma_wait3A_676 = arith.constant 6 : i32
      %dma_wait3A_677 = arith.constant 0 : i32
      %dma_wait3A_678 = tpu.memref_slice %arg9[%dma_wait3A_676, %dma_wait3A_677] : memref<8x128xi32, #tpu.memory_space<vmem>> -> memref<1x128xi32, #tpu.memory_space<vmem>>
      %dma_wait3A_679 = tpu.memref_squeeze %dma_wait3A_678 : memref<1x128xi32, #tpu.memory_space<vmem>> -> memref<128xi32, #tpu.memory_space<vmem>>
      %dma_wait3A_680 = arith.constant 0 : i32
      %dma_wait3A_681 = arith.constant 0 : i32
      %dma_wait3A_682 = tpu.memref_slice %arg2[%dma_wait3A_680, %dma_wait3A_681] : memref<10112x128xf32, #tpu.memory_space<hbm>> -> memref<10112x128xf32, #tpu.memory_space<hbm>>
      tpu.wait_indirect_dma semaphore(%arg12 : memref<!tpu.dma_semaphore, #tpu.memory_space<semaphore_mem>>) src(%dma_wait3A_682 : memref<10112x128xf32, #tpu.memory_space<hbm>>) dst(%arg11 : memref<128x128xf32, #tpu.memory_space<vmem>>)
      %dma_start3A_683 = arith.constant 6 : i32
      %dma_start3A_684 = arith.constant 0 : i32
      %dma_start3A_685 = tpu.memref_slice %arg10[%dma_start3A_683, %dma_start3A_684] : memref<8x128xi32, #tpu.memory_space<vmem>> -> memref<1x128xi32, #tpu.memory_space<vmem>>
      %dma_start3A_686 = tpu.memref_squeeze %dma_start3A_685 : memref<1x128xi32, #tpu.memory_space<vmem>> -> memref<128xi32, #tpu.memory_space<vmem>>
      %dma_start3A_687 = arith.constant 0 : i32
      %dma_start3A_688 = arith.constant 0 : i32
      %dma_start3A_689 = tpu.memref_slice %arg8[%dma_start3A_687, %dma_start3A_688] : memref<10112x128xf32, #tpu.memory_space<vmem_shared>> -> memref<10112x128xf32, #tpu.memory_space<vmem_shared>>
      tpu.enqueue_indirect_dma source(%arg11 : memref<128x128xf32, #tpu.memory_space<vmem>>) target(%dma_start3A_689 : memref<10112x128xf32, #tpu.memory_space<vmem_shared>>) offsets(%dma_start3A_686 : memref<128xi32, #tpu.memory_space<vmem>>) semaphore(%arg13 : memref<!tpu.dma_semaphore, #tpu.memory_space<semaphore_mem>>) {add = true}
      %dma_wait3A_690 = arith.constant 6 : i32
      %dma_wait3A_691 = arith.constant 0 : i32
      %dma_wait3A_692 = tpu.memref_slice %arg10[%dma_wait3A_690, %dma_wait3A_691] : memref<8x128xi32, #tpu.memory_space<vmem>> -> memref<1x128xi32, #tpu.memory_space<vmem>>
      %dma_wait3A_693 = tpu.memref_squeeze %dma_wait3A_692 : memref<1x128xi32, #tpu.memory_space<vmem>> -> memref<128xi32, #tpu.memory_space<vmem>>
      %dma_wait3A_694 = arith.constant 0 : i32
      %dma_wait3A_695 = arith.constant 0 : i32
      %dma_wait3A_696 = tpu.memref_slice %arg8[%dma_wait3A_694, %dma_wait3A_695] : memref<10112x128xf32, #tpu.memory_space<vmem_shared>> -> memref<10112x128xf32, #tpu.memory_space<vmem_shared>>
      tpu.wait_indirect_dma semaphore(%arg13 : memref<!tpu.dma_semaphore, #tpu.memory_space<semaphore_mem>>) src(%arg11 : memref<128x128xf32, #tpu.memory_space<vmem>>) dst(%dma_wait3A_696 : memref<10112x128xf32, #tpu.memory_space<vmem_shared>>)
      %get3A_697 = arith.constant 6 : i32
      %get3A_698 = arith.index_cast %get3A_697 : i32 to index
      %get3A_699 = arith.constant 0 : index
      %get3A_700 = tpu.vector_load %arg10[%get3A_698, %get3A_699] {strides = array<i32>} : memref<8x128xi32, #tpu.memory_space<vmem>>, vector<16xi32>,
      %shift_right_logical3A_701 = arith.constant 7 : i32
      %shift_right_logical3A_702 = vector.broadcast %shift_right_logical3A_701 : i32 to vector<16xi32>
      %shift_right_logical3A_703 = arith.shrui %get3A_700, %shift_right_logical3A_702 : vector<16xi32>
      %and3A_704 = arith.constant 127 : i32
      %and3A_705 = vector.broadcast %and3A_704 : i32 to vector<16xi32>
      %and3A_706 = arith.andi %get3A_700, %and3A_705 : vector<16xi32>
      tpu.vector_store_idx %arg14[%shift_right_logical3A_703, %and3A_706], %broadcast_in_dim3A_3 {add = true} : memref<79x128xf32, #tpu.memory_space<vmem>>[vector<16xi32>, vector<16xi32>], vector<16xf32>,
      %get3A_707 = arith.constant 6 : i32
      %get3A_708 = arith.index_cast %get3A_707 : i32 to index
      %get3A_709 = arith.constant 16 : index
      %get3A_710 = tpu.vector_load %arg10[%get3A_708, %get3A_709] {strides = array<i32>} : memref<8x128xi32, #tpu.memory_space<vmem>>, vector<16xi32>,
      %shift_right_logical3A_711 = arith.constant 7 : i32
      %shift_right_logical3A_712 = vector.broadcast %shift_right_logical3A_711 : i32 to vector<16xi32>
      %shift_right_logical3A_713 = arith.shrui %get3A_710, %shift_right_logical3A_712 : vector<16xi32>
      %and3A_714 = arith.constant 127 : i32
      %and3A_715 = vector.broadcast %and3A_714 : i32 to vector<16xi32>
      %and3A_716 = arith.andi %get3A_710, %and3A_715 : vector<16xi32>
      tpu.vector_store_idx %arg14[%shift_right_logical3A_713, %and3A_716], %broadcast_in_dim3A_3 {add = true} : memref<79x128xf32, #tpu.memory_space<vmem>>[vector<16xi32>, vector<16xi32>], vector<16xf32>,
      %get3A_717 = arith.constant 6 : i32
      %get3A_718 = arith.index_cast %get3A_717 : i32 to index
      %get3A_719 = arith.constant 32 : index
      %get3A_720 = tpu.vector_load %arg10[%get3A_718, %get3A_719] {strides = array<i32>} : memref<8x128xi32, #tpu.memory_space<vmem>>, vector<16xi32>,
      %shift_right_logical3A_721 = arith.constant 7 : i32
      %shift_right_logical3A_722 = vector.broadcast %shift_right_logical3A_721 : i32 to vector<16xi32>
      %shift_right_logical3A_723 = arith.shrui %get3A_720, %shift_right_logical3A_722 : vector<16xi32>
      %and3A_724 = arith.constant 127 : i32
      %and3A_725 = vector.broadcast %and3A_724 : i32 to vector<16xi32>
      %and3A_726 = arith.andi %get3A_720, %and3A_725 : vector<16xi32>
      tpu.vector_store_idx %arg14[%shift_right_logical3A_723, %and3A_726], %broadcast_in_dim3A_3 {add = true} : memref<79x128xf32, #tpu.memory_space<vmem>>[vector<16xi32>, vector<16xi32>], vector<16xf32>,
      %get3A_727 = arith.constant 6 : i32
      %get3A_728 = arith.index_cast %get3A_727 : i32 to index
      %get3A_729 = arith.constant 48 : index
      %get3A_730 = tpu.vector_load %arg10[%get3A_728, %get3A_729] {strides = array<i32>} : memref<8x128xi32, #tpu.memory_space<vmem>>, vector<16xi32>,
      %shift_right_logical3A_731 = arith.constant 7 : i32
      %shift_right_logical3A_732 = vector.broadcast %shift_right_logical3A_731 : i32 to vector<16xi32>
      %shift_right_logical3A_733 = arith.shrui %get3A_730, %shift_right_logical3A_732 : vector<16xi32>
      %and3A_734 = arith.constant 127 : i32
      %and3A_735 = vector.broadcast %and3A_734 : i32 to vector<16xi32>
      %and3A_736 = arith.andi %get3A_730, %and3A_735 : vector<16xi32>
      tpu.vector_store_idx %arg14[%shift_right_logical3A_733, %and3A_736], %broadcast_in_dim3A_3 {add = true} : memref<79x128xf32, #tpu.memory_space<vmem>>[vector<16xi32>, vector<16xi32>], vector<16xf32>,
      %get3A_737 = arith.constant 6 : i32
      %get3A_738 = arith.index_cast %get3A_737 : i32 to index
      %get3A_739 = arith.constant 64 : index
      %get3A_740 = tpu.vector_load %arg10[%get3A_738, %get3A_739] {strides = array<i32>} : memref<8x128xi32, #tpu.memory_space<vmem>>, vector<16xi32>,
      %shift_right_logical3A_741 = arith.constant 7 : i32
      %shift_right_logical3A_742 = vector.broadcast %shift_right_logical3A_741 : i32 to vector<16xi32>
      %shift_right_logical3A_743 = arith.shrui %get3A_740, %shift_right_logical3A_742 : vector<16xi32>
      %and3A_744 = arith.constant 127 : i32
      %and3A_745 = vector.broadcast %and3A_744 : i32 to vector<16xi32>
      %and3A_746 = arith.andi %get3A_740, %and3A_745 : vector<16xi32>
      tpu.vector_store_idx %arg14[%shift_right_logical3A_743, %and3A_746], %broadcast_in_dim3A_3 {add = true} : memref<79x128xf32, #tpu.memory_space<vmem>>[vector<16xi32>, vector<16xi32>], vector<16xf32>,
      %get3A_747 = arith.constant 6 : i32
      %get3A_748 = arith.index_cast %get3A_747 : i32 to index
      %get3A_749 = arith.constant 80 : index
      %get3A_750 = tpu.vector_load %arg10[%get3A_748, %get3A_749] {strides = array<i32>} : memref<8x128xi32, #tpu.memory_space<vmem>>, vector<16xi32>,
      %shift_right_logical3A_751 = arith.constant 7 : i32
      %shift_right_logical3A_752 = vector.broadcast %shift_right_logical3A_751 : i32 to vector<16xi32>
      %shift_right_logical3A_753 = arith.shrui %get3A_750, %shift_right_logical3A_752 : vector<16xi32>
      %and3A_754 = arith.constant 127 : i32
      %and3A_755 = vector.broadcast %and3A_754 : i32 to vector<16xi32>
      %and3A_756 = arith.andi %get3A_750, %and3A_755 : vector<16xi32>
      tpu.vector_store_idx %arg14[%shift_right_logical3A_753, %and3A_756], %broadcast_in_dim3A_3 {add = true} : memref<79x128xf32, #tpu.memory_space<vmem>>[vector<16xi32>, vector<16xi32>], vector<16xf32>,
      %get3A_757 = arith.constant 6 : i32
      %get3A_758 = arith.index_cast %get3A_757 : i32 to index
      %get3A_759 = arith.constant 96 : index
      %get3A_760 = tpu.vector_load %arg10[%get3A_758, %get3A_759] {strides = array<i32>} : memref<8x128xi32, #tpu.memory_space<vmem>>, vector<16xi32>,
      %shift_right_logical3A_761 = arith.constant 7 : i32
      %shift_right_logical3A_762 = vector.broadcast %shift_right_logical3A_761 : i32 to vector<16xi32>
      %shift_right_logical3A_763 = arith.shrui %get3A_760, %shift_right_logical3A_762 : vector<16xi32>
      %and3A_764 = arith.constant 127 : i32
      %and3A_765 = vector.broadcast %and3A_764 : i32 to vector<16xi32>
      %and3A_766 = arith.andi %get3A_760, %and3A_765 : vector<16xi32>
      tpu.vector_store_idx %arg14[%shift_right_logical3A_763, %and3A_766], %broadcast_in_dim3A_3 {add = true} : memref<79x128xf32, #tpu.memory_space<vmem>>[vector<16xi32>, vector<16xi32>], vector<16xf32>,
      %get3A_767 = arith.constant 6 : i32
      %get3A_768 = arith.index_cast %get3A_767 : i32 to index
      %get3A_769 = arith.constant 112 : index
      %get3A_770 = tpu.vector_load %arg10[%get3A_768, %get3A_769] {strides = array<i32>} : memref<8x128xi32, #tpu.memory_space<vmem>>, vector<16xi32>,
      %shift_right_logical3A_771 = arith.constant 7 : i32
      %shift_right_logical3A_772 = vector.broadcast %shift_right_logical3A_771 : i32 to vector<16xi32>
      %shift_right_logical3A_773 = arith.shrui %get3A_770, %shift_right_logical3A_772 : vector<16xi32>
      %and3A_774 = arith.constant 127 : i32
      %and3A_775 = vector.broadcast %and3A_774 : i32 to vector<16xi32>
      %and3A_776 = arith.andi %get3A_770, %and3A_775 : vector<16xi32>
      tpu.vector_store_idx %arg14[%shift_right_logical3A_773, %and3A_776], %broadcast_in_dim3A_3 {add = true} : memref<79x128xf32, #tpu.memory_space<vmem>>[vector<16xi32>, vector<16xi32>], vector<16xf32>,
      %dma_start3A_777 = arith.constant 7 : i32
      %dma_start3A_778 = arith.constant 0 : i32
      %dma_start3A_779 = tpu.memref_slice %arg9[%dma_start3A_777, %dma_start3A_778] : memref<8x128xi32, #tpu.memory_space<vmem>> -> memref<1x128xi32, #tpu.memory_space<vmem>>
      %dma_start3A_780 = tpu.memref_squeeze %dma_start3A_779 : memref<1x128xi32, #tpu.memory_space<vmem>> -> memref<128xi32, #tpu.memory_space<vmem>>
      %dma_start3A_781 = arith.constant 0 : i32
      %dma_start3A_782 = arith.constant 0 : i32
      %dma_start3A_783 = tpu.memref_slice %arg2[%dma_start3A_781, %dma_start3A_782] : memref<10112x128xf32, #tpu.memory_space<hbm>> -> memref<10112x128xf32, #tpu.memory_space<hbm>>
      tpu.enqueue_indirect_dma source(%dma_start3A_783 : memref<10112x128xf32, #tpu.memory_space<hbm>>) target(%arg11 : memref<128x128xf32, #tpu.memory_space<vmem>>) offsets(%dma_start3A_780 : memref<128xi32, #tpu.memory_space<vmem>>) semaphore(%arg12 : memref<!tpu.dma_semaphore, #tpu.memory_space<semaphore_mem>>)
      %dma_wait3A_784 = arith.constant 7 : i32
      %dma_wait3A_785 = arith.constant 0 : i32
      %dma_wait3A_786 = tpu.memref_slice %arg9[%dma_wait3A_784, %dma_wait3A_785] : memref<8x128xi32, #tpu.memory_space<vmem>> -> memref<1x128xi32, #tpu.memory_space<vmem>>
      %dma_wait3A_787 = tpu.memref_squeeze %dma_wait3A_786 : memref<1x128xi32, #tpu.memory_space<vmem>> -> memref<128xi32, #tpu.memory_space<vmem>>
      %dma_wait3A_788 = arith.constant 0 : i32
      %dma_wait3A_789 = arith.constant 0 : i32
      %dma_wait3A_790 = tpu.memref_slice %arg2[%dma_wait3A_788, %dma_wait3A_789] : memref<10112x128xf32, #tpu.memory_space<hbm>> -> memref<10112x128xf32, #tpu.memory_space<hbm>>
      tpu.wait_indirect_dma semaphore(%arg12 : memref<!tpu.dma_semaphore, #tpu.memory_space<semaphore_mem>>) src(%dma_wait3A_790 : memref<10112x128xf32, #tpu.memory_space<hbm>>) dst(%arg11 : memref<128x128xf32, #tpu.memory_space<vmem>>)
      %dma_start3A_791 = arith.constant 7 : i32
      %dma_start3A_792 = arith.constant 0 : i32
      %dma_start3A_793 = tpu.memref_slice %arg10[%dma_start3A_791, %dma_start3A_792] : memref<8x128xi32, #tpu.memory_space<vmem>> -> memref<1x128xi32, #tpu.memory_space<vmem>>
      %dma_start3A_794 = tpu.memref_squeeze %dma_start3A_793 : memref<1x128xi32, #tpu.memory_space<vmem>> -> memref<128xi32, #tpu.memory_space<vmem>>
      %dma_start3A_795 = arith.constant 0 : i32
      %dma_start3A_796 = arith.constant 0 : i32
      %dma_start3A_797 = tpu.memref_slice %arg8[%dma_start3A_795, %dma_start3A_796] : memref<10112x128xf32, #tpu.memory_space<vmem_shared>> -> memref<10112x128xf32, #tpu.memory_space<vmem_shared>>
      tpu.enqueue_indirect_dma source(%arg11 : memref<128x128xf32, #tpu.memory_space<vmem>>) target(%dma_start3A_797 : memref<10112x128xf32, #tpu.memory_space<vmem_shared>>) offsets(%dma_start3A_794 : memref<128xi32, #tpu.memory_space<vmem>>) semaphore(%arg13 : memref<!tpu.dma_semaphore, #tpu.memory_space<semaphore_mem>>) {add = true}
      %dma_wait3A_798 = arith.constant 7 : i32
      %dma_wait3A_799 = arith.constant 0 : i32
      %dma_wait3A_800 = tpu.memref_slice %arg10[%dma_wait3A_798, %dma_wait3A_799] : memref<8x128xi32, #tpu.memory_space<vmem>> -> memref<1x128xi32, #tpu.memory_space<vmem>>
      %dma_wait3A_801 = tpu.memref_squeeze %dma_wait3A_800 : memref<1x128xi32, #tpu.memory_space<vmem>> -> memref<128xi32, #tpu.memory_space<vmem>>
      %dma_wait3A_802 = arith.constant 0 : i32
      %dma_wait3A_803 = arith.constant 0 : i32
      %dma_wait3A_804 = tpu.memref_slice %arg8[%dma_wait3A_802, %dma_wait3A_803] : memref<10112x128xf32, #tpu.memory_space<vmem_shared>> -> memref<10112x128xf32, #tpu.memory_space<vmem_shared>>
      tpu.wait_indirect_dma semaphore(%arg13 : memref<!tpu.dma_semaphore, #tpu.memory_space<semaphore_mem>>) src(%arg11 : memref<128x128xf32, #tpu.memory_space<vmem>>) dst(%dma_wait3A_804 : memref<10112x128xf32, #tpu.memory_space<vmem_shared>>)
      %get3A_805 = arith.constant 7 : i32
      %get3A_806 = arith.index_cast %get3A_805 : i32 to index
      %get3A_807 = arith.constant 0 : index
      %get3A_808 = tpu.vector_load %arg10[%get3A_806, %get3A_807] {strides = array<i32>} : memref<8x128xi32, #tpu.memory_space<vmem>>, vector<16xi32>,
      %shift_right_logical3A_809 = arith.constant 7 : i32
      %shift_right_logical3A_810 = vector.broadcast %shift_right_logical3A_809 : i32 to vector<16xi32>
      %shift_right_logical3A_811 = arith.shrui %get3A_808, %shift_right_logical3A_810 : vector<16xi32>
      %and3A_812 = arith.constant 127 : i32
      %and3A_813 = vector.broadcast %and3A_812 : i32 to vector<16xi32>
      %and3A_814 = arith.andi %get3A_808, %and3A_813 : vector<16xi32>
      tpu.vector_store_idx %arg14[%shift_right_logical3A_811, %and3A_814], %broadcast_in_dim3A_3 {add = true} : memref<79x128xf32, #tpu.memory_space<vmem>>[vector<16xi32>, vector<16xi32>], vector<16xf32>,
      %get3A_815 = arith.constant 7 : i32
      %get3A_816 = arith.index_cast %get3A_815 : i32 to index
      %get3A_817 = arith.constant 16 : index
      %get3A_818 = tpu.vector_load %arg10[%get3A_816, %get3A_817] {strides = array<i32>} : memref<8x128xi32, #tpu.memory_space<vmem>>, vector<16xi32>,
      %shift_right_logical3A_819 = arith.constant 7 : i32
      %shift_right_logical3A_820 = vector.broadcast %shift_right_logical3A_819 : i32 to vector<16xi32>
      %shift_right_logical3A_821 = arith.shrui %get3A_818, %shift_right_logical3A_820 : vector<16xi32>
      %and3A_822 = arith.constant 127 : i32
      %and3A_823 = vector.broadcast %and3A_822 : i32 to vector<16xi32>
      %and3A_824 = arith.andi %get3A_818, %and3A_823 : vector<16xi32>
      tpu.vector_store_idx %arg14[%shift_right_logical3A_821, %and3A_824], %broadcast_in_dim3A_3 {add = true} : memref<79x128xf32, #tpu.memory_space<vmem>>[vector<16xi32>, vector<16xi32>], vector<16xf32>,
      %get3A_825 = arith.constant 7 : i32
      %get3A_826 = arith.index_cast %get3A_825 : i32 to index
      %get3A_827 = arith.constant 32 : index
      %get3A_828 = tpu.vector_load %arg10[%get3A_826, %get3A_827] {strides = array<i32>} : memref<8x128xi32, #tpu.memory_space<vmem>>, vector<16xi32>,
      %shift_right_logical3A_829 = arith.constant 7 : i32
      %shift_right_logical3A_830 = vector.broadcast %shift_right_logical3A_829 : i32 to vector<16xi32>
      %shift_right_logical3A_831 = arith.shrui %get3A_828, %shift_right_logical3A_830 : vector<16xi32>
      %and3A_832 = arith.constant 127 : i32
      %and3A_833 = vector.broadcast %and3A_832 : i32 to vector<16xi32>
      %and3A_834 = arith.andi %get3A_828, %and3A_833 : vector<16xi32>
      tpu.vector_store_idx %arg14[%shift_right_logical3A_831, %and3A_834], %broadcast_in_dim3A_3 {add = true} : memref<79x128xf32, #tpu.memory_space<vmem>>[vector<16xi32>, vector<16xi32>], vector<16xf32>,
      %get3A_835 = arith.constant 7 : i32
      %get3A_836 = arith.index_cast %get3A_835 : i32 to index
      %get3A_837 = arith.constant 48 : index
      %get3A_838 = tpu.vector_load %arg10[%get3A_836, %get3A_837] {strides = array<i32>} : memref<8x128xi32, #tpu.memory_space<vmem>>, vector<16xi32>,
      %shift_right_logical3A_839 = arith.constant 7 : i32
      %shift_right_logical3A_840 = vector.broadcast %shift_right_logical3A_839 : i32 to vector<16xi32>
      %shift_right_logical3A_841 = arith.shrui %get3A_838, %shift_right_logical3A_840 : vector<16xi32>
      %and3A_842 = arith.constant 127 : i32
      %and3A_843 = vector.broadcast %and3A_842 : i32 to vector<16xi32>
      %and3A_844 = arith.andi %get3A_838, %and3A_843 : vector<16xi32>
      tpu.vector_store_idx %arg14[%shift_right_logical3A_841, %and3A_844], %broadcast_in_dim3A_3 {add = true} : memref<79x128xf32, #tpu.memory_space<vmem>>[vector<16xi32>, vector<16xi32>], vector<16xf32>,
      %get3A_845 = arith.constant 7 : i32
      %get3A_846 = arith.index_cast %get3A_845 : i32 to index
      %get3A_847 = arith.constant 64 : index
      %get3A_848 = tpu.vector_load %arg10[%get3A_846, %get3A_847] {strides = array<i32>} : memref<8x128xi32, #tpu.memory_space<vmem>>, vector<16xi32>,
      %shift_right_logical3A_849 = arith.constant 7 : i32
      %shift_right_logical3A_850 = vector.broadcast %shift_right_logical3A_849 : i32 to vector<16xi32>
      %shift_right_logical3A_851 = arith.shrui %get3A_848, %shift_right_logical3A_850 : vector<16xi32>
      %and3A_852 = arith.constant 127 : i32
      %and3A_853 = vector.broadcast %and3A_852 : i32 to vector<16xi32>
      %and3A_854 = arith.andi %get3A_848, %and3A_853 : vector<16xi32>
      tpu.vector_store_idx %arg14[%shift_right_logical3A_851, %and3A_854], %broadcast_in_dim3A_3 {add = true} : memref<79x128xf32, #tpu.memory_space<vmem>>[vector<16xi32>, vector<16xi32>], vector<16xf32>,
      %get3A_855 = arith.constant 7 : i32
      %get3A_856 = arith.index_cast %get3A_855 : i32 to index
      %get3A_857 = arith.constant 80 : index
      %get3A_858 = tpu.vector_load %arg10[%get3A_856, %get3A_857] {strides = array<i32>} : memref<8x128xi32, #tpu.memory_space<vmem>>, vector<16xi32>,
      %shift_right_logical3A_859 = arith.constant 7 : i32
      %shift_right_logical3A_860 = vector.broadcast %shift_right_logical3A_859 : i32 to vector<16xi32>
      %shift_right_logical3A_861 = arith.shrui %get3A_858, %shift_right_logical3A_860 : vector<16xi32>
      %and3A_862 = arith.constant 127 : i32
      %and3A_863 = vector.broadcast %and3A_862 : i32 to vector<16xi32>
      %and3A_864 = arith.andi %get3A_858, %and3A_863 : vector<16xi32>
      tpu.vector_store_idx %arg14[%shift_right_logical3A_861, %and3A_864], %broadcast_in_dim3A_3 {add = true} : memref<79x128xf32, #tpu.memory_space<vmem>>[vector<16xi32>, vector<16xi32>], vector<16xf32>,
      %get3A_865 = arith.constant 7 : i32
      %get3A_866 = arith.index_cast %get3A_865 : i32 to index
      %get3A_867 = arith.constant 96 : index
      %get3A_868 = tpu.vector_load %arg10[%get3A_866, %get3A_867] {strides = array<i32>} : memref<8x128xi32, #tpu.memory_space<vmem>>, vector<16xi32>,
      %shift_right_logical3A_869 = arith.constant 7 : i32
      %shift_right_logical3A_870 = vector.broadcast %shift_right_logical3A_869 : i32 to vector<16xi32>
      %shift_right_logical3A_871 = arith.shrui %get3A_868, %shift_right_logical3A_870 : vector<16xi32>
      %and3A_872 = arith.constant 127 : i32
      %and3A_873 = vector.broadcast %and3A_872 : i32 to vector<16xi32>
      %and3A_874 = arith.andi %get3A_868, %and3A_873 : vector<16xi32>
      tpu.vector_store_idx %arg14[%shift_right_logical3A_871, %and3A_874], %broadcast_in_dim3A_3 {add = true} : memref<79x128xf32, #tpu.memory_space<vmem>>[vector<16xi32>, vector<16xi32>], vector<16xf32>,
      %get3A_875 = arith.constant 7 : i32
      %get3A_876 = arith.index_cast %get3A_875 : i32 to index
      %get3A_877 = arith.constant 112 : index
      %get3A_878 = tpu.vector_load %arg10[%get3A_876, %get3A_877] {strides = array<i32>} : memref<8x128xi32, #tpu.memory_space<vmem>>, vector<16xi32>,
      %shift_right_logical3A_879 = arith.constant 7 : i32
      %shift_right_logical3A_880 = vector.broadcast %shift_right_logical3A_879 : i32 to vector<16xi32>
      %shift_right_logical3A_881 = arith.shrui %get3A_878, %shift_right_logical3A_880 : vector<16xi32>
      %and3A_882 = arith.constant 127 : i32
      %and3A_883 = vector.broadcast %and3A_882 : i32 to vector<16xi32>
      %and3A_884 = arith.andi %get3A_878, %and3A_883 : vector<16xi32>
      tpu.vector_store_idx %arg14[%shift_right_logical3A_881, %and3A_884], %broadcast_in_dim3A_3 {add = true} : memref<79x128xf32, #tpu.memory_space<vmem>>[vector<16xi32>, vector<16xi32>], vector<16xf32>,
    }
    %scan3A_16 = arith.constant 10 : i32
    %barrier3A_17 = arith.constant 0 : index
    tpu.barrier barrier_id(%barrier3A_17)
    "tpu.region"() ({
      %run_scoped3A = tpu.sem_alloc : memref<!tpu.dma_semaphore, #tpu.memory_space<semaphore_mem>>
      %dma_start3A = arith.constant 0 : i32
      %dma_start3A_18 = tpu.memref_slice %arg6[%arg0, %mul3A_2, %dma_start3A] : memref<2x10112x128xf32, #tpu.memory_space<hbm>> -> memref<1x632x128xf32, #tpu.memory_space<hbm>>
      %dma_start3A_19 = tpu.memref_squeeze %dma_start3A_18 : memref<1x632x128xf32, #tpu.memory_space<hbm>> -> memref<632x128xf32, #tpu.memory_space<hbm>>
      %dma_start3A_20 = arith.constant 0 : i32
      %dma_start3A_21 = tpu.memref_slice %arg8[%mul3A_2, %dma_start3A_20] : memref<10112x128xf32, #tpu.memory_space<vmem_shared>> -> memref<632x128xf32, #tpu.memory_space<vmem_shared>>
      tpu.enqueue_dma source(%dma_start3A_21 : memref<632x128xf32, #tpu.memory_space<vmem_shared>>) target(%dma_start3A_19 : memref<632x128xf32, #tpu.memory_space<hbm>>) target_semaphore(%run_scoped3A : memref<!tpu.dma_semaphore, #tpu.memory_space<semaphore_mem>>)
      %dma_wait3A = arith.constant 0 : i32
      %dma_wait3A_22 = tpu.memref_slice %arg6[%arg0, %mul3A_2, %dma_wait3A] : memref<2x10112x128xf32, #tpu.memory_space<hbm>> -> memref<1x632x128xf32, #tpu.memory_space<hbm>>
      %dma_wait3A_23 = tpu.memref_squeeze %dma_wait3A_22 : memref<1x632x128xf32, #tpu.memory_space<hbm>> -> memref<632x128xf32, #tpu.memory_space<hbm>>
      %dma_wait3A_24 = arith.constant 0 : i32
      %dma_wait3A_25 = tpu.memref_slice %arg8[%mul3A_2, %dma_wait3A_24] : memref<10112x128xf32, #tpu.memory_space<vmem_shared>> -> memref<632x128xf32, #tpu.memory_space<vmem_shared>>
      tpu.wait_dma2 semaphore(%run_scoped3A : memref<!tpu.dma_semaphore, #tpu.memory_space<semaphore_mem>>) src(%dma_wait3A_25 : memref<632x128xf32, #tpu.memory_space<vmem_shared>>) dst(%dma_wait3A_23 : memref<632x128xf32, #tpu.memory_space<hbm>>)
      tpu.yield
    }) : () -> ()
    "tpu.region"() ({
      %run_scoped3A = tpu.sem_alloc : memref<!tpu.dma_semaphore, #tpu.memory_space<semaphore_mem>>
      %dma_start3A = arith.constant 0 : i32
      %dma_start3A_18 = arith.constant 0 : i32
      %dma_start3A_19 = tpu.memref_slice %arg7[%add3A, %dma_start3A, %dma_start3A_18] : memref<32x79x128xf32, #tpu.memory_space<hbm>> -> memref<1x79x128xf32, #tpu.memory_space<hbm>>
      %dma_start3A_20 = tpu.memref_squeeze %dma_start3A_19 : memref<1x79x128xf32, #tpu.memory_space<hbm>> -> memref<79x128xf32, #tpu.memory_space<hbm>>
      %dma_start3A_21 = arith.constant 0 : i32
      %dma_start3A_22 = arith.constant 0 : i32
      %dma_start3A_23 = tpu.memref_slice %arg7[%add3A, %dma_start3A_21, %dma_start3A_22] : memref<32x79x128xf32, #tpu.memory_space<hbm>> -> memref<1x79x128xf32, #tpu.memory_space<hbm>>
      %dma_start3A_24 = tpu.memref_squeeze %dma_start3A_23 : memref<1x79x128xf32, #tpu.memory_space<hbm>> -> memref<79x128xf32, #tpu.memory_space<hbm>>
      tpu.enqueue_dma source(%arg14 : memref<79x128xf32, #tpu.memory_space<vmem>>) target(%dma_start3A_24 : memref<79x128xf32, #tpu.memory_space<hbm>>) target_semaphore(%run_scoped3A : memref<!tpu.dma_semaphore, #tpu.memory_space<semaphore_mem>>)
      %dma_wait3A = arith.constant 0 : i32
      %dma_wait3A_25 = arith.constant 0 : i32
      %dma_wait3A_26 = tpu.memref_slice %arg7[%add3A, %dma_wait3A, %dma_wait3A_25] : memref<32x79x128xf32, #tpu.memory_space<hbm>> -> memref<1x79x128xf32, #tpu.memory_space<hbm>>
      %dma_wait3A_27 = tpu.memref_squeeze %dma_wait3A_26 : memref<1x79x128xf32, #tpu.memory_space<hbm>> -> memref<79x128xf32, #tpu.memory_space<hbm>>
      %dma_wait3A_28 = arith.constant 0 : i32
      %dma_wait3A_29 = arith.constant 0 : i32
      %dma_wait3A_30 = tpu.memref_slice %arg7[%add3A, %dma_wait3A_28, %dma_wait3A_29] : memref<32x79x128xf32, #tpu.memory_space<hbm>> -> memref<1x79x128xf32, #tpu.memory_space<hbm>>
      %dma_wait3A_31 = tpu.memref_squeeze %dma_wait3A_30 : memref<1x79x128xf32, #tpu.memory_space<hbm>> -> memref<79x128xf32, #tpu.memory_space<hbm>>
      tpu.wait_dma2 semaphore(%run_scoped3A : memref<!tpu.dma_semaphore, #tpu.memory_space<semaphore_mem>>) src(%arg14 : memref<79x128xf32, #tpu.memory_space<vmem>>) dst(%dma_wait3A_31 : memref<79x128xf32, #tpu.memory_space<hbm>>)
      tpu.yield
    }) : () -> ()
    return
  }
}

#map = affine_map<(d0, d1) -> (0, 0)>
#map1 = affine_map<(d0, d1) -> (0, 0, 0)>
module attributes {stable_mosaic.version = 14 : i64} {
  func.func @sc_seg_sum(%arg0: i32, %arg1: i32, %arg2: memref<10112x128xf32, #tpu.memory_space<hbm>>, %arg3: memref<2560x128xi32, #tpu.memory_space<hbm>>, %arg4: memref<2560x128xi32, #tpu.memory_space<hbm>>, %arg5: memref<10112x128xf32, #tpu.memory_space<hbm>>, %arg6: memref<2x10112x128xf32, #tpu.memory_space<hbm>>, %arg7: memref<10112x128xf32, #tpu.memory_space<vmem_shared>>, %arg8: memref<8x128xi32, #tpu.memory_space<vmem>>, %arg9: memref<8x128xi32, #tpu.memory_space<vmem>>, %arg10: memref<128x128xf32, #tpu.memory_space<vmem>>, %arg11: memref<!tpu.dma_semaphore, #tpu.memory_space<semaphore_mem>>, %arg12: memref<!tpu.dma_semaphore, #tpu.memory_space<semaphore_mem>>) attributes {dimension_semantics = [#tpu.dimension_semantics<core_parallel>, #tpu.dimension_semantics<subcore_parallel>], iteration_bounds = array<i64: 2, 16>, scalar_prefetch = 0 : i64, scratch_operands = 6 : i64, tpu.core_type = #tpu.core_type<sc_vector_subcore>, window_params = [{transform_indices = #map}, {transform_indices = #map}, {transform_indices = #map}, {transform_indices = #map}, {transform_indices = #map1}]} {
    %mul3A = arith.constant 16 : i32
    %mul3A_0 = arith.muli %arg0, %mul3A : i32
    %add3A = arith.addi %mul3A_0, %arg1 : i32
    %mul3A_1 = arith.constant 632 : i32
    %mul3A_2 = arith.muli %arg1, %mul3A_1 : i32
    %broadcast_in_dim3A = arith.constant 1.000000e+00 : f32
    %broadcast_in_dim3A_3 = vector.broadcast %broadcast_in_dim3A : f32 to vector<16xf32>
    "tpu.region"() ({
      %run_scoped3A = tpu.sem_alloc : memref<!tpu.dma_semaphore, #tpu.memory_space<semaphore_mem>>
      %dma_start3A = arith.constant 0 : i32
      %dma_start3A_11 = tpu.memref_slice %arg7[%mul3A_2, %dma_start3A] : memref<10112x128xf32, #tpu.memory_space<vmem_shared>> -> memref<632x128xf32, #tpu.memory_space<vmem_shared>>
      %dma_start3A_12 = arith.constant 0 : i32
      %dma_start3A_13 = tpu.memref_slice %arg5[%mul3A_2, %dma_start3A_12] : memref<10112x128xf32, #tpu.memory_space<hbm>> -> memref<632x128xf32, #tpu.memory_space<hbm>>
      tpu.enqueue_dma source(%dma_start3A_13 : memref<632x128xf32, #tpu.memory_space<hbm>>) target(%dma_start3A_11 : memref<632x128xf32, #tpu.memory_space<vmem_shared>>) target_semaphore(%run_scoped3A : memref<!tpu.dma_semaphore, #tpu.memory_space<semaphore_mem>>)
      %dma_wait3A = arith.constant 0 : i32
      %dma_wait3A_14 = tpu.memref_slice %arg7[%mul3A_2, %dma_wait3A] : memref<10112x128xf32, #tpu.memory_space<vmem_shared>> -> memref<632x128xf32, #tpu.memory_space<vmem_shared>>
      %dma_wait3A_15 = arith.constant 0 : i32
      %dma_wait3A_16 = tpu.memref_slice %arg5[%mul3A_2, %dma_wait3A_15] : memref<10112x128xf32, #tpu.memory_space<hbm>> -> memref<632x128xf32, #tpu.memory_space<hbm>>
      tpu.wait_dma2 semaphore(%run_scoped3A : memref<!tpu.dma_semaphore, #tpu.memory_space<semaphore_mem>>) src(%dma_wait3A_16 : memref<632x128xf32, #tpu.memory_space<hbm>>) dst(%dma_wait3A_14 : memref<632x128xf32, #tpu.memory_space<vmem_shared>>)
      tpu.yield
    }) : () -> ()
    %mul3A_4 = arith.constant 80 : i32
    %mul3A_5 = arith.muli %add3A, %mul3A_4 : i32
    %barrier3A = arith.constant 0 : index
    tpu.barrier barrier_id(%barrier3A)
    %scan3A = arith.constant 0 : i32
    %scan3A_6 = arith.constant 10 : i32
    %scan3A_7 = arith.addi %scan3A, %scan3A_6 : i32
    %scan3A_8 = arith.constant 1 : i32
    scf.for %scan3A_11 = %scan3A to %scan3A_7 step %scan3A_8  : i32 {
      %mul3A_12 = arith.constant 1 : i32
      %mul3A_13 = arith.muli %scan3A_11, %mul3A_12 : i32
      %add3A_14 = arith.constant 0 : i32
      %add3A_15 = arith.addi %add3A_14, %mul3A_13 : i32
      %mul3A_16 = arith.constant 8 : i32
      %mul3A_17 = arith.muli %add3A_15, %mul3A_16 : i32
      %add3A_18 = arith.addi %mul3A_5, %mul3A_17 : i32
      %multiple_of3A = tpu.assume_multiple %add3A_18, 8 : i32
      "tpu.region"() ({
        %run_scoped3A = tpu.sem_alloc : memref<!tpu.dma_semaphore, #tpu.memory_space<semaphore_mem>>
        %dma_start3A_241 = arith.constant 0 : i32
        %dma_start3A_242 = tpu.memref_slice %arg3[%multiple_of3A, %dma_start3A_241] : memref<2560x128xi32, #tpu.memory_space<hbm>> -> memref<8x128xi32, #tpu.memory_space<hbm>>
        %dma_start3A_243 = arith.constant 0 : i32
        %dma_start3A_244 = tpu.memref_slice %arg3[%multiple_of3A, %dma_start3A_243] : memref<2560x128xi32, #tpu.memory_space<hbm>> -> memref<8x128xi32, #tpu.memory_space<hbm>>
        tpu.enqueue_dma source(%dma_start3A_244 : memref<8x128xi32, #tpu.memory_space<hbm>>) target(%arg8 : memref<8x128xi32, #tpu.memory_space<vmem>>) target_semaphore(%run_scoped3A : memref<!tpu.dma_semaphore, #tpu.memory_space<semaphore_mem>>)
        %dma_wait3A_245 = arith.constant 0 : i32
        %dma_wait3A_246 = tpu.memref_slice %arg3[%multiple_of3A, %dma_wait3A_245] : memref<2560x128xi32, #tpu.memory_space<hbm>> -> memref<8x128xi32, #tpu.memory_space<hbm>>
        %dma_wait3A_247 = arith.constant 0 : i32
        %dma_wait3A_248 = tpu.memref_slice %arg3[%multiple_of3A, %dma_wait3A_247] : memref<2560x128xi32, #tpu.memory_space<hbm>> -> memref<8x128xi32, #tpu.memory_space<hbm>>
        tpu.wait_dma2 semaphore(%run_scoped3A : memref<!tpu.dma_semaphore, #tpu.memory_space<semaphore_mem>>) src(%dma_wait3A_248 : memref<8x128xi32, #tpu.memory_space<hbm>>) dst(%arg8 : memref<8x128xi32, #tpu.memory_space<vmem>>)
        tpu.yield
      }) : () -> ()
      "tpu.region"() ({
        %run_scoped3A = tpu.sem_alloc : memref<!tpu.dma_semaphore, #tpu.memory_space<semaphore_mem>>
        %dma_start3A_241 = arith.constant 0 : i32
        %dma_start3A_242 = tpu.memref_slice %arg4[%multiple_of3A, %dma_start3A_241] : memref<2560x128xi32, #tpu.memory_space<hbm>> -> memref<8x128xi32, #tpu.memory_space<hbm>>
        %dma_start3A_243 = arith.constant 0 : i32
        %dma_start3A_244 = tpu.memref_slice %arg4[%multiple_of3A, %dma_start3A_243] : memref<2560x128xi32, #tpu.memory_space<hbm>> -> memref<8x128xi32, #tpu.memory_space<hbm>>
        tpu.enqueue_dma source(%dma_start3A_244 : memref<8x128xi32, #tpu.memory_space<hbm>>) target(%arg9 : memref<8x128xi32, #tpu.memory_space<vmem>>) target_semaphore(%run_scoped3A : memref<!tpu.dma_semaphore, #tpu.memory_space<semaphore_mem>>)
        %dma_wait3A_245 = arith.constant 0 : i32
        %dma_wait3A_246 = tpu.memref_slice %arg4[%multiple_of3A, %dma_wait3A_245] : memref<2560x128xi32, #tpu.memory_space<hbm>> -> memref<8x128xi32, #tpu.memory_space<hbm>>
        %dma_wait3A_247 = arith.constant 0 : i32
        %dma_wait3A_248 = tpu.memref_slice %arg4[%multiple_of3A, %dma_wait3A_247] : memref<2560x128xi32, #tpu.memory_space<hbm>> -> memref<8x128xi32, #tpu.memory_space<hbm>>
        tpu.wait_dma2 semaphore(%run_scoped3A : memref<!tpu.dma_semaphore, #tpu.memory_space<semaphore_mem>>) src(%dma_wait3A_248 : memref<8x128xi32, #tpu.memory_space<hbm>>) dst(%arg9 : memref<8x128xi32, #tpu.memory_space<vmem>>)
        tpu.yield
      }) : () -> ()
      %dma_start3A = arith.constant 0 : i32
      %dma_start3A_19 = arith.constant 0 : i32
      %dma_start3A_20 = tpu.memref_slice %arg8[%dma_start3A, %dma_start3A_19] : memref<8x128xi32, #tpu.memory_space<vmem>> -> memref<1x128xi32, #tpu.memory_space<vmem>>
      %dma_start3A_21 = tpu.memref_squeeze %dma_start3A_20 : memref<1x128xi32, #tpu.memory_space<vmem>> -> memref<128xi32, #tpu.memory_space<vmem>>
      %dma_start3A_22 = arith.constant 0 : i32
      %dma_start3A_23 = arith.constant 0 : i32
      %dma_start3A_24 = tpu.memref_slice %arg2[%dma_start3A_22, %dma_start3A_23] : memref<10112x128xf32, #tpu.memory_space<hbm>> -> memref<10112x128xf32, #tpu.memory_space<hbm>>
      tpu.enqueue_indirect_dma source(%dma_start3A_24 : memref<10112x128xf32, #tpu.memory_space<hbm>>) target(%arg10 : memref<128x128xf32, #tpu.memory_space<vmem>>) offsets(%dma_start3A_21 : memref<128xi32, #tpu.memory_space<vmem>>) semaphore(%arg11 : memref<!tpu.dma_semaphore, #tpu.memory_space<semaphore_mem>>)
      %dma_wait3A = arith.constant 0 : i32
      %dma_wait3A_25 = arith.constant 0 : i32
      %dma_wait3A_26 = tpu.memref_slice %arg8[%dma_wait3A, %dma_wait3A_25] : memref<8x128xi32, #tpu.memory_space<vmem>> -> memref<1x128xi32, #tpu.memory_space<vmem>>
      %dma_wait3A_27 = tpu.memref_squeeze %dma_wait3A_26 : memref<1x128xi32, #tpu.memory_space<vmem>> -> memref<128xi32, #tpu.memory_space<vmem>>
      %dma_wait3A_28 = arith.constant 0 : i32
      %dma_wait3A_29 = arith.constant 0 : i32
      %dma_wait3A_30 = tpu.memref_slice %arg2[%dma_wait3A_28, %dma_wait3A_29] : memref<10112x128xf32, #tpu.memory_space<hbm>> -> memref<10112x128xf32, #tpu.memory_space<hbm>>
      tpu.wait_indirect_dma semaphore(%arg11 : memref<!tpu.dma_semaphore, #tpu.memory_space<semaphore_mem>>) src(%dma_wait3A_30 : memref<10112x128xf32, #tpu.memory_space<hbm>>) dst(%arg10 : memref<128x128xf32, #tpu.memory_space<vmem>>)
      %dma_start3A_31 = arith.constant 0 : i32
      %dma_start3A_32 = arith.constant 0 : i32
      %dma_start3A_33 = tpu.memref_slice %arg9[%dma_start3A_31, %dma_start3A_32] : memref<8x128xi32, #tpu.memory_space<vmem>> -> memref<1x128xi32, #tpu.memory_space<vmem>>
      %dma_start3A_34 = tpu.memref_squeeze %dma_start3A_33 : memref<1x128xi32, #tpu.memory_space<vmem>> -> memref<128xi32, #tpu.memory_space<vmem>>
      %dma_start3A_35 = arith.constant 0 : i32
      %dma_start3A_36 = arith.constant 0 : i32
      %dma_start3A_37 = tpu.memref_slice %arg7[%dma_start3A_35, %dma_start3A_36] : memref<10112x128xf32, #tpu.memory_space<vmem_shared>> -> memref<10112x128xf32, #tpu.memory_space<vmem_shared>>
      tpu.enqueue_indirect_dma source(%arg10 : memref<128x128xf32, #tpu.memory_space<vmem>>) target(%dma_start3A_37 : memref<10112x128xf32, #tpu.memory_space<vmem_shared>>) offsets(%dma_start3A_34 : memref<128xi32, #tpu.memory_space<vmem>>) semaphore(%arg12 : memref<!tpu.dma_semaphore, #tpu.memory_space<semaphore_mem>>) {add = true}
      %dma_wait3A_38 = arith.constant 0 : i32
      %dma_wait3A_39 = arith.constant 0 : i32
      %dma_wait3A_40 = tpu.memref_slice %arg9[%dma_wait3A_38, %dma_wait3A_39] : memref<8x128xi32, #tpu.memory_space<vmem>> -> memref<1x128xi32, #tpu.memory_space<vmem>>
      %dma_wait3A_41 = tpu.memref_squeeze %dma_wait3A_40 : memref<1x128xi32, #tpu.memory_space<vmem>> -> memref<128xi32, #tpu.memory_space<vmem>>
      %dma_wait3A_42 = arith.constant 0 : i32
      %dma_wait3A_43 = arith.constant 0 : i32
      %dma_wait3A_44 = tpu.memref_slice %arg7[%dma_wait3A_42, %dma_wait3A_43] : memref<10112x128xf32, #tpu.memory_space<vmem_shared>> -> memref<10112x128xf32, #tpu.memory_space<vmem_shared>>
      tpu.wait_indirect_dma semaphore(%arg12 : memref<!tpu.dma_semaphore, #tpu.memory_space<semaphore_mem>>) src(%arg10 : memref<128x128xf32, #tpu.memory_space<vmem>>) dst(%dma_wait3A_44 : memref<10112x128xf32, #tpu.memory_space<vmem_shared>>)
      %dma_start3A_45 = arith.constant 1 : i32
      %dma_start3A_46 = arith.constant 0 : i32
      %dma_start3A_47 = tpu.memref_slice %arg8[%dma_start3A_45, %dma_start3A_46] : memref<8x128xi32, #tpu.memory_space<vmem>> -> memref<1x128xi32, #tpu.memory_space<vmem>>
      %dma_start3A_48 = tpu.memref_squeeze %dma_start3A_47 : memref<1x128xi32, #tpu.memory_space<vmem>> -> memref<128xi32, #tpu.memory_space<vmem>>
      %dma_start3A_49 = arith.constant 0 : i32
      %dma_start3A_50 = arith.constant 0 : i32
      %dma_start3A_51 = tpu.memref_slice %arg2[%dma_start3A_49, %dma_start3A_50] : memref<10112x128xf32, #tpu.memory_space<hbm>> -> memref<10112x128xf32, #tpu.memory_space<hbm>>
      tpu.enqueue_indirect_dma source(%dma_start3A_51 : memref<10112x128xf32, #tpu.memory_space<hbm>>) target(%arg10 : memref<128x128xf32, #tpu.memory_space<vmem>>) offsets(%dma_start3A_48 : memref<128xi32, #tpu.memory_space<vmem>>) semaphore(%arg11 : memref<!tpu.dma_semaphore, #tpu.memory_space<semaphore_mem>>)
      %dma_wait3A_52 = arith.constant 1 : i32
      %dma_wait3A_53 = arith.constant 0 : i32
      %dma_wait3A_54 = tpu.memref_slice %arg8[%dma_wait3A_52, %dma_wait3A_53] : memref<8x128xi32, #tpu.memory_space<vmem>> -> memref<1x128xi32, #tpu.memory_space<vmem>>
      %dma_wait3A_55 = tpu.memref_squeeze %dma_wait3A_54 : memref<1x128xi32, #tpu.memory_space<vmem>> -> memref<128xi32, #tpu.memory_space<vmem>>
      %dma_wait3A_56 = arith.constant 0 : i32
      %dma_wait3A_57 = arith.constant 0 : i32
      %dma_wait3A_58 = tpu.memref_slice %arg2[%dma_wait3A_56, %dma_wait3A_57] : memref<10112x128xf32, #tpu.memory_space<hbm>> -> memref<10112x128xf32, #tpu.memory_space<hbm>>
      tpu.wait_indirect_dma semaphore(%arg11 : memref<!tpu.dma_semaphore, #tpu.memory_space<semaphore_mem>>) src(%dma_wait3A_58 : memref<10112x128xf32, #tpu.memory_space<hbm>>) dst(%arg10 : memref<128x128xf32, #tpu.memory_space<vmem>>)
      %dma_start3A_59 = arith.constant 1 : i32
      %dma_start3A_60 = arith.constant 0 : i32
      %dma_start3A_61 = tpu.memref_slice %arg9[%dma_start3A_59, %dma_start3A_60] : memref<8x128xi32, #tpu.memory_space<vmem>> -> memref<1x128xi32, #tpu.memory_space<vmem>>
      %dma_start3A_62 = tpu.memref_squeeze %dma_start3A_61 : memref<1x128xi32, #tpu.memory_space<vmem>> -> memref<128xi32, #tpu.memory_space<vmem>>
      %dma_start3A_63 = arith.constant 0 : i32
      %dma_start3A_64 = arith.constant 0 : i32
      %dma_start3A_65 = tpu.memref_slice %arg7[%dma_start3A_63, %dma_start3A_64] : memref<10112x128xf32, #tpu.memory_space<vmem_shared>> -> memref<10112x128xf32, #tpu.memory_space<vmem_shared>>
      tpu.enqueue_indirect_dma source(%arg10 : memref<128x128xf32, #tpu.memory_space<vmem>>) target(%dma_start3A_65 : memref<10112x128xf32, #tpu.memory_space<vmem_shared>>) offsets(%dma_start3A_62 : memref<128xi32, #tpu.memory_space<vmem>>) semaphore(%arg12 : memref<!tpu.dma_semaphore, #tpu.memory_space<semaphore_mem>>) {add = true}
      %dma_wait3A_66 = arith.constant 1 : i32
      %dma_wait3A_67 = arith.constant 0 : i32
      %dma_wait3A_68 = tpu.memref_slice %arg9[%dma_wait3A_66, %dma_wait3A_67] : memref<8x128xi32, #tpu.memory_space<vmem>> -> memref<1x128xi32, #tpu.memory_space<vmem>>
      %dma_wait3A_69 = tpu.memref_squeeze %dma_wait3A_68 : memref<1x128xi32, #tpu.memory_space<vmem>> -> memref<128xi32, #tpu.memory_space<vmem>>
      %dma_wait3A_70 = arith.constant 0 : i32
      %dma_wait3A_71 = arith.constant 0 : i32
      %dma_wait3A_72 = tpu.memref_slice %arg7[%dma_wait3A_70, %dma_wait3A_71] : memref<10112x128xf32, #tpu.memory_space<vmem_shared>> -> memref<10112x128xf32, #tpu.memory_space<vmem_shared>>
      tpu.wait_indirect_dma semaphore(%arg12 : memref<!tpu.dma_semaphore, #tpu.memory_space<semaphore_mem>>) src(%arg10 : memref<128x128xf32, #tpu.memory_space<vmem>>) dst(%dma_wait3A_72 : memref<10112x128xf32, #tpu.memory_space<vmem_shared>>)
      %dma_start3A_73 = arith.constant 2 : i32
      %dma_start3A_74 = arith.constant 0 : i32
      %dma_start3A_75 = tpu.memref_slice %arg8[%dma_start3A_73, %dma_start3A_74] : memref<8x128xi32, #tpu.memory_space<vmem>> -> memref<1x128xi32, #tpu.memory_space<vmem>>
      %dma_start3A_76 = tpu.memref_squeeze %dma_start3A_75 : memref<1x128xi32, #tpu.memory_space<vmem>> -> memref<128xi32, #tpu.memory_space<vmem>>
      %dma_start3A_77 = arith.constant 0 : i32
      %dma_start3A_78 = arith.constant 0 : i32
      %dma_start3A_79 = tpu.memref_slice %arg2[%dma_start3A_77, %dma_start3A_78] : memref<10112x128xf32, #tpu.memory_space<hbm>> -> memref<10112x128xf32, #tpu.memory_space<hbm>>
      tpu.enqueue_indirect_dma source(%dma_start3A_79 : memref<10112x128xf32, #tpu.memory_space<hbm>>) target(%arg10 : memref<128x128xf32, #tpu.memory_space<vmem>>) offsets(%dma_start3A_76 : memref<128xi32, #tpu.memory_space<vmem>>) semaphore(%arg11 : memref<!tpu.dma_semaphore, #tpu.memory_space<semaphore_mem>>)
      %dma_wait3A_80 = arith.constant 2 : i32
      %dma_wait3A_81 = arith.constant 0 : i32
      %dma_wait3A_82 = tpu.memref_slice %arg8[%dma_wait3A_80, %dma_wait3A_81] : memref<8x128xi32, #tpu.memory_space<vmem>> -> memref<1x128xi32, #tpu.memory_space<vmem>>
      %dma_wait3A_83 = tpu.memref_squeeze %dma_wait3A_82 : memref<1x128xi32, #tpu.memory_space<vmem>> -> memref<128xi32, #tpu.memory_space<vmem>>
      %dma_wait3A_84 = arith.constant 0 : i32
      %dma_wait3A_85 = arith.constant 0 : i32
      %dma_wait3A_86 = tpu.memref_slice %arg2[%dma_wait3A_84, %dma_wait3A_85] : memref<10112x128xf32, #tpu.memory_space<hbm>> -> memref<10112x128xf32, #tpu.memory_space<hbm>>
      tpu.wait_indirect_dma semaphore(%arg11 : memref<!tpu.dma_semaphore, #tpu.memory_space<semaphore_mem>>) src(%dma_wait3A_86 : memref<10112x128xf32, #tpu.memory_space<hbm>>) dst(%arg10 : memref<128x128xf32, #tpu.memory_space<vmem>>)
      %dma_start3A_87 = arith.constant 2 : i32
      %dma_start3A_88 = arith.constant 0 : i32
      %dma_start3A_89 = tpu.memref_slice %arg9[%dma_start3A_87, %dma_start3A_88] : memref<8x128xi32, #tpu.memory_space<vmem>> -> memref<1x128xi32, #tpu.memory_space<vmem>>
      %dma_start3A_90 = tpu.memref_squeeze %dma_start3A_89 : memref<1x128xi32, #tpu.memory_space<vmem>> -> memref<128xi32, #tpu.memory_space<vmem>>
      %dma_start3A_91 = arith.constant 0 : i32
      %dma_start3A_92 = arith.constant 0 : i32
      %dma_start3A_93 = tpu.memref_slice %arg7[%dma_start3A_91, %dma_start3A_92] : memref<10112x128xf32, #tpu.memory_space<vmem_shared>> -> memref<10112x128xf32, #tpu.memory_space<vmem_shared>>
      tpu.enqueue_indirect_dma source(%arg10 : memref<128x128xf32, #tpu.memory_space<vmem>>) target(%dma_start3A_93 : memref<10112x128xf32, #tpu.memory_space<vmem_shared>>) offsets(%dma_start3A_90 : memref<128xi32, #tpu.memory_space<vmem>>) semaphore(%arg12 : memref<!tpu.dma_semaphore, #tpu.memory_space<semaphore_mem>>) {add = true}
      %dma_wait3A_94 = arith.constant 2 : i32
      %dma_wait3A_95 = arith.constant 0 : i32
      %dma_wait3A_96 = tpu.memref_slice %arg9[%dma_wait3A_94, %dma_wait3A_95] : memref<8x128xi32, #tpu.memory_space<vmem>> -> memref<1x128xi32, #tpu.memory_space<vmem>>
      %dma_wait3A_97 = tpu.memref_squeeze %dma_wait3A_96 : memref<1x128xi32, #tpu.memory_space<vmem>> -> memref<128xi32, #tpu.memory_space<vmem>>
      %dma_wait3A_98 = arith.constant 0 : i32
      %dma_wait3A_99 = arith.constant 0 : i32
      %dma_wait3A_100 = tpu.memref_slice %arg7[%dma_wait3A_98, %dma_wait3A_99] : memref<10112x128xf32, #tpu.memory_space<vmem_shared>> -> memref<10112x128xf32, #tpu.memory_space<vmem_shared>>
      tpu.wait_indirect_dma semaphore(%arg12 : memref<!tpu.dma_semaphore, #tpu.memory_space<semaphore_mem>>) src(%arg10 : memref<128x128xf32, #tpu.memory_space<vmem>>) dst(%dma_wait3A_100 : memref<10112x128xf32, #tpu.memory_space<vmem_shared>>)
      %dma_start3A_101 = arith.constant 3 : i32
      %dma_start3A_102 = arith.constant 0 : i32
      %dma_start3A_103 = tpu.memref_slice %arg8[%dma_start3A_101, %dma_start3A_102] : memref<8x128xi32, #tpu.memory_space<vmem>> -> memref<1x128xi32, #tpu.memory_space<vmem>>
      %dma_start3A_104 = tpu.memref_squeeze %dma_start3A_103 : memref<1x128xi32, #tpu.memory_space<vmem>> -> memref<128xi32, #tpu.memory_space<vmem>>
      %dma_start3A_105 = arith.constant 0 : i32
      %dma_start3A_106 = arith.constant 0 : i32
      %dma_start3A_107 = tpu.memref_slice %arg2[%dma_start3A_105, %dma_start3A_106] : memref<10112x128xf32, #tpu.memory_space<hbm>> -> memref<10112x128xf32, #tpu.memory_space<hbm>>
      tpu.enqueue_indirect_dma source(%dma_start3A_107 : memref<10112x128xf32, #tpu.memory_space<hbm>>) target(%arg10 : memref<128x128xf32, #tpu.memory_space<vmem>>) offsets(%dma_start3A_104 : memref<128xi32, #tpu.memory_space<vmem>>) semaphore(%arg11 : memref<!tpu.dma_semaphore, #tpu.memory_space<semaphore_mem>>)
      %dma_wait3A_108 = arith.constant 3 : i32
      %dma_wait3A_109 = arith.constant 0 : i32
      %dma_wait3A_110 = tpu.memref_slice %arg8[%dma_wait3A_108, %dma_wait3A_109] : memref<8x128xi32, #tpu.memory_space<vmem>> -> memref<1x128xi32, #tpu.memory_space<vmem>>
      %dma_wait3A_111 = tpu.memref_squeeze %dma_wait3A_110 : memref<1x128xi32, #tpu.memory_space<vmem>> -> memref<128xi32, #tpu.memory_space<vmem>>
      %dma_wait3A_112 = arith.constant 0 : i32
      %dma_wait3A_113 = arith.constant 0 : i32
      %dma_wait3A_114 = tpu.memref_slice %arg2[%dma_wait3A_112, %dma_wait3A_113] : memref<10112x128xf32, #tpu.memory_space<hbm>> -> memref<10112x128xf32, #tpu.memory_space<hbm>>
      tpu.wait_indirect_dma semaphore(%arg11 : memref<!tpu.dma_semaphore, #tpu.memory_space<semaphore_mem>>) src(%dma_wait3A_114 : memref<10112x128xf32, #tpu.memory_space<hbm>>) dst(%arg10 : memref<128x128xf32, #tpu.memory_space<vmem>>)
      %dma_start3A_115 = arith.constant 3 : i32
      %dma_start3A_116 = arith.constant 0 : i32
      %dma_start3A_117 = tpu.memref_slice %arg9[%dma_start3A_115, %dma_start3A_116] : memref<8x128xi32, #tpu.memory_space<vmem>> -> memref<1x128xi32, #tpu.memory_space<vmem>>
      %dma_start3A_118 = tpu.memref_squeeze %dma_start3A_117 : memref<1x128xi32, #tpu.memory_space<vmem>> -> memref<128xi32, #tpu.memory_space<vmem>>
      %dma_start3A_119 = arith.constant 0 : i32
      %dma_start3A_120 = arith.constant 0 : i32
      %dma_start3A_121 = tpu.memref_slice %arg7[%dma_start3A_119, %dma_start3A_120] : memref<10112x128xf32, #tpu.memory_space<vmem_shared>> -> memref<10112x128xf32, #tpu.memory_space<vmem_shared>>
      tpu.enqueue_indirect_dma source(%arg10 : memref<128x128xf32, #tpu.memory_space<vmem>>) target(%dma_start3A_121 : memref<10112x128xf32, #tpu.memory_space<vmem_shared>>) offsets(%dma_start3A_118 : memref<128xi32, #tpu.memory_space<vmem>>) semaphore(%arg12 : memref<!tpu.dma_semaphore, #tpu.memory_space<semaphore_mem>>) {add = true}
      %dma_wait3A_122 = arith.constant 3 : i32
      %dma_wait3A_123 = arith.constant 0 : i32
      %dma_wait3A_124 = tpu.memref_slice %arg9[%dma_wait3A_122, %dma_wait3A_123] : memref<8x128xi32, #tpu.memory_space<vmem>> -> memref<1x128xi32, #tpu.memory_space<vmem>>
      %dma_wait3A_125 = tpu.memref_squeeze %dma_wait3A_124 : memref<1x128xi32, #tpu.memory_space<vmem>> -> memref<128xi32, #tpu.memory_space<vmem>>
      %dma_wait3A_126 = arith.constant 0 : i32
      %dma_wait3A_127 = arith.constant 0 : i32
      %dma_wait3A_128 = tpu.memref_slice %arg7[%dma_wait3A_126, %dma_wait3A_127] : memref<10112x128xf32, #tpu.memory_space<vmem_shared>> -> memref<10112x128xf32, #tpu.memory_space<vmem_shared>>
      tpu.wait_indirect_dma semaphore(%arg12 : memref<!tpu.dma_semaphore, #tpu.memory_space<semaphore_mem>>) src(%arg10 : memref<128x128xf32, #tpu.memory_space<vmem>>) dst(%dma_wait3A_128 : memref<10112x128xf32, #tpu.memory_space<vmem_shared>>)
      %dma_start3A_129 = arith.constant 4 : i32
      %dma_start3A_130 = arith.constant 0 : i32
      %dma_start3A_131 = tpu.memref_slice %arg8[%dma_start3A_129, %dma_start3A_130] : memref<8x128xi32, #tpu.memory_space<vmem>> -> memref<1x128xi32, #tpu.memory_space<vmem>>
      %dma_start3A_132 = tpu.memref_squeeze %dma_start3A_131 : memref<1x128xi32, #tpu.memory_space<vmem>> -> memref<128xi32, #tpu.memory_space<vmem>>
      %dma_start3A_133 = arith.constant 0 : i32
      %dma_start3A_134 = arith.constant 0 : i32
      %dma_start3A_135 = tpu.memref_slice %arg2[%dma_start3A_133, %dma_start3A_134] : memref<10112x128xf32, #tpu.memory_space<hbm>> -> memref<10112x128xf32, #tpu.memory_space<hbm>>
      tpu.enqueue_indirect_dma source(%dma_start3A_135 : memref<10112x128xf32, #tpu.memory_space<hbm>>) target(%arg10 : memref<128x128xf32, #tpu.memory_space<vmem>>) offsets(%dma_start3A_132 : memref<128xi32, #tpu.memory_space<vmem>>) semaphore(%arg11 : memref<!tpu.dma_semaphore, #tpu.memory_space<semaphore_mem>>)
      %dma_wait3A_136 = arith.constant 4 : i32
      %dma_wait3A_137 = arith.constant 0 : i32
      %dma_wait3A_138 = tpu.memref_slice %arg8[%dma_wait3A_136, %dma_wait3A_137] : memref<8x128xi32, #tpu.memory_space<vmem>> -> memref<1x128xi32, #tpu.memory_space<vmem>>
      %dma_wait3A_139 = tpu.memref_squeeze %dma_wait3A_138 : memref<1x128xi32, #tpu.memory_space<vmem>> -> memref<128xi32, #tpu.memory_space<vmem>>
      %dma_wait3A_140 = arith.constant 0 : i32
      %dma_wait3A_141 = arith.constant 0 : i32
      %dma_wait3A_142 = tpu.memref_slice %arg2[%dma_wait3A_140, %dma_wait3A_141] : memref<10112x128xf32, #tpu.memory_space<hbm>> -> memref<10112x128xf32, #tpu.memory_space<hbm>>
      tpu.wait_indirect_dma semaphore(%arg11 : memref<!tpu.dma_semaphore, #tpu.memory_space<semaphore_mem>>) src(%dma_wait3A_142 : memref<10112x128xf32, #tpu.memory_space<hbm>>) dst(%arg10 : memref<128x128xf32, #tpu.memory_space<vmem>>)
      %dma_start3A_143 = arith.constant 4 : i32
      %dma_start3A_144 = arith.constant 0 : i32
      %dma_start3A_145 = tpu.memref_slice %arg9[%dma_start3A_143, %dma_start3A_144] : memref<8x128xi32, #tpu.memory_space<vmem>> -> memref<1x128xi32, #tpu.memory_space<vmem>>
      %dma_start3A_146 = tpu.memref_squeeze %dma_start3A_145 : memref<1x128xi32, #tpu.memory_space<vmem>> -> memref<128xi32, #tpu.memory_space<vmem>>
      %dma_start3A_147 = arith.constant 0 : i32
      %dma_start3A_148 = arith.constant 0 : i32
      %dma_start3A_149 = tpu.memref_slice %arg7[%dma_start3A_147, %dma_start3A_148] : memref<10112x128xf32, #tpu.memory_space<vmem_shared>> -> memref<10112x128xf32, #tpu.memory_space<vmem_shared>>
      tpu.enqueue_indirect_dma source(%arg10 : memref<128x128xf32, #tpu.memory_space<vmem>>) target(%dma_start3A_149 : memref<10112x128xf32, #tpu.memory_space<vmem_shared>>) offsets(%dma_start3A_146 : memref<128xi32, #tpu.memory_space<vmem>>) semaphore(%arg12 : memref<!tpu.dma_semaphore, #tpu.memory_space<semaphore_mem>>) {add = true}
      %dma_wait3A_150 = arith.constant 4 : i32
      %dma_wait3A_151 = arith.constant 0 : i32
      %dma_wait3A_152 = tpu.memref_slice %arg9[%dma_wait3A_150, %dma_wait3A_151] : memref<8x128xi32, #tpu.memory_space<vmem>> -> memref<1x128xi32, #tpu.memory_space<vmem>>
      %dma_wait3A_153 = tpu.memref_squeeze %dma_wait3A_152 : memref<1x128xi32, #tpu.memory_space<vmem>> -> memref<128xi32, #tpu.memory_space<vmem>>
      %dma_wait3A_154 = arith.constant 0 : i32
      %dma_wait3A_155 = arith.constant 0 : i32
      %dma_wait3A_156 = tpu.memref_slice %arg7[%dma_wait3A_154, %dma_wait3A_155] : memref<10112x128xf32, #tpu.memory_space<vmem_shared>> -> memref<10112x128xf32, #tpu.memory_space<vmem_shared>>
      tpu.wait_indirect_dma semaphore(%arg12 : memref<!tpu.dma_semaphore, #tpu.memory_space<semaphore_mem>>) src(%arg10 : memref<128x128xf32, #tpu.memory_space<vmem>>) dst(%dma_wait3A_156 : memref<10112x128xf32, #tpu.memory_space<vmem_shared>>)
      %dma_start3A_157 = arith.constant 5 : i32
      %dma_start3A_158 = arith.constant 0 : i32
      %dma_start3A_159 = tpu.memref_slice %arg8[%dma_start3A_157, %dma_start3A_158] : memref<8x128xi32, #tpu.memory_space<vmem>> -> memref<1x128xi32, #tpu.memory_space<vmem>>
      %dma_start3A_160 = tpu.memref_squeeze %dma_start3A_159 : memref<1x128xi32, #tpu.memory_space<vmem>> -> memref<128xi32, #tpu.memory_space<vmem>>
      %dma_start3A_161 = arith.constant 0 : i32
      %dma_start3A_162 = arith.constant 0 : i32
      %dma_start3A_163 = tpu.memref_slice %arg2[%dma_start3A_161, %dma_start3A_162] : memref<10112x128xf32, #tpu.memory_space<hbm>> -> memref<10112x128xf32, #tpu.memory_space<hbm>>
      tpu.enqueue_indirect_dma source(%dma_start3A_163 : memref<10112x128xf32, #tpu.memory_space<hbm>>) target(%arg10 : memref<128x128xf32, #tpu.memory_space<vmem>>) offsets(%dma_start3A_160 : memref<128xi32, #tpu.memory_space<vmem>>) semaphore(%arg11 : memref<!tpu.dma_semaphore, #tpu.memory_space<semaphore_mem>>)
      %dma_wait3A_164 = arith.constant 5 : i32
      %dma_wait3A_165 = arith.constant 0 : i32
      %dma_wait3A_166 = tpu.memref_slice %arg8[%dma_wait3A_164, %dma_wait3A_165] : memref<8x128xi32, #tpu.memory_space<vmem>> -> memref<1x128xi32, #tpu.memory_space<vmem>>
      %dma_wait3A_167 = tpu.memref_squeeze %dma_wait3A_166 : memref<1x128xi32, #tpu.memory_space<vmem>> -> memref<128xi32, #tpu.memory_space<vmem>>
      %dma_wait3A_168 = arith.constant 0 : i32
      %dma_wait3A_169 = arith.constant 0 : i32
      %dma_wait3A_170 = tpu.memref_slice %arg2[%dma_wait3A_168, %dma_wait3A_169] : memref<10112x128xf32, #tpu.memory_space<hbm>> -> memref<10112x128xf32, #tpu.memory_space<hbm>>
      tpu.wait_indirect_dma semaphore(%arg11 : memref<!tpu.dma_semaphore, #tpu.memory_space<semaphore_mem>>) src(%dma_wait3A_170 : memref<10112x128xf32, #tpu.memory_space<hbm>>) dst(%arg10 : memref<128x128xf32, #tpu.memory_space<vmem>>)
      %dma_start3A_171 = arith.constant 5 : i32
      %dma_start3A_172 = arith.constant 0 : i32
      %dma_start3A_173 = tpu.memref_slice %arg9[%dma_start3A_171, %dma_start3A_172] : memref<8x128xi32, #tpu.memory_space<vmem>> -> memref<1x128xi32, #tpu.memory_space<vmem>>
      %dma_start3A_174 = tpu.memref_squeeze %dma_start3A_173 : memref<1x128xi32, #tpu.memory_space<vmem>> -> memref<128xi32, #tpu.memory_space<vmem>>
      %dma_start3A_175 = arith.constant 0 : i32
      %dma_start3A_176 = arith.constant 0 : i32
      %dma_start3A_177 = tpu.memref_slice %arg7[%dma_start3A_175, %dma_start3A_176] : memref<10112x128xf32, #tpu.memory_space<vmem_shared>> -> memref<10112x128xf32, #tpu.memory_space<vmem_shared>>
      tpu.enqueue_indirect_dma source(%arg10 : memref<128x128xf32, #tpu.memory_space<vmem>>) target(%dma_start3A_177 : memref<10112x128xf32, #tpu.memory_space<vmem_shared>>) offsets(%dma_start3A_174 : memref<128xi32, #tpu.memory_space<vmem>>) semaphore(%arg12 : memref<!tpu.dma_semaphore, #tpu.memory_space<semaphore_mem>>) {add = true}
      %dma_wait3A_178 = arith.constant 5 : i32
      %dma_wait3A_179 = arith.constant 0 : i32
      %dma_wait3A_180 = tpu.memref_slice %arg9[%dma_wait3A_178, %dma_wait3A_179] : memref<8x128xi32, #tpu.memory_space<vmem>> -> memref<1x128xi32, #tpu.memory_space<vmem>>
      %dma_wait3A_181 = tpu.memref_squeeze %dma_wait3A_180 : memref<1x128xi32, #tpu.memory_space<vmem>> -> memref<128xi32, #tpu.memory_space<vmem>>
      %dma_wait3A_182 = arith.constant 0 : i32
      %dma_wait3A_183 = arith.constant 0 : i32
      %dma_wait3A_184 = tpu.memref_slice %arg7[%dma_wait3A_182, %dma_wait3A_183] : memref<10112x128xf32, #tpu.memory_space<vmem_shared>> -> memref<10112x128xf32, #tpu.memory_space<vmem_shared>>
      tpu.wait_indirect_dma semaphore(%arg12 : memref<!tpu.dma_semaphore, #tpu.memory_space<semaphore_mem>>) src(%arg10 : memref<128x128xf32, #tpu.memory_space<vmem>>) dst(%dma_wait3A_184 : memref<10112x128xf32, #tpu.memory_space<vmem_shared>>)
      %dma_start3A_185 = arith.constant 6 : i32
      %dma_start3A_186 = arith.constant 0 : i32
      %dma_start3A_187 = tpu.memref_slice %arg8[%dma_start3A_185, %dma_start3A_186] : memref<8x128xi32, #tpu.memory_space<vmem>> -> memref<1x128xi32, #tpu.memory_space<vmem>>
      %dma_start3A_188 = tpu.memref_squeeze %dma_start3A_187 : memref<1x128xi32, #tpu.memory_space<vmem>> -> memref<128xi32, #tpu.memory_space<vmem>>
      %dma_start3A_189 = arith.constant 0 : i32
      %dma_start3A_190 = arith.constant 0 : i32
      %dma_start3A_191 = tpu.memref_slice %arg2[%dma_start3A_189, %dma_start3A_190] : memref<10112x128xf32, #tpu.memory_space<hbm>> -> memref<10112x128xf32, #tpu.memory_space<hbm>>
      tpu.enqueue_indirect_dma source(%dma_start3A_191 : memref<10112x128xf32, #tpu.memory_space<hbm>>) target(%arg10 : memref<128x128xf32, #tpu.memory_space<vmem>>) offsets(%dma_start3A_188 : memref<128xi32, #tpu.memory_space<vmem>>) semaphore(%arg11 : memref<!tpu.dma_semaphore, #tpu.memory_space<semaphore_mem>>)
      %dma_wait3A_192 = arith.constant 6 : i32
      %dma_wait3A_193 = arith.constant 0 : i32
      %dma_wait3A_194 = tpu.memref_slice %arg8[%dma_wait3A_192, %dma_wait3A_193] : memref<8x128xi32, #tpu.memory_space<vmem>> -> memref<1x128xi32, #tpu.memory_space<vmem>>
      %dma_wait3A_195 = tpu.memref_squeeze %dma_wait3A_194 : memref<1x128xi32, #tpu.memory_space<vmem>> -> memref<128xi32, #tpu.memory_space<vmem>>
      %dma_wait3A_196 = arith.constant 0 : i32
      %dma_wait3A_197 = arith.constant 0 : i32
      %dma_wait3A_198 = tpu.memref_slice %arg2[%dma_wait3A_196, %dma_wait3A_197] : memref<10112x128xf32, #tpu.memory_space<hbm>> -> memref<10112x128xf32, #tpu.memory_space<hbm>>
      tpu.wait_indirect_dma semaphore(%arg11 : memref<!tpu.dma_semaphore, #tpu.memory_space<semaphore_mem>>) src(%dma_wait3A_198 : memref<10112x128xf32, #tpu.memory_space<hbm>>) dst(%arg10 : memref<128x128xf32, #tpu.memory_space<vmem>>)
      %dma_start3A_199 = arith.constant 6 : i32
      %dma_start3A_200 = arith.constant 0 : i32
      %dma_start3A_201 = tpu.memref_slice %arg9[%dma_start3A_199, %dma_start3A_200] : memref<8x128xi32, #tpu.memory_space<vmem>> -> memref<1x128xi32, #tpu.memory_space<vmem>>
      %dma_start3A_202 = tpu.memref_squeeze %dma_start3A_201 : memref<1x128xi32, #tpu.memory_space<vmem>> -> memref<128xi32, #tpu.memory_space<vmem>>
      %dma_start3A_203 = arith.constant 0 : i32
      %dma_start3A_204 = arith.constant 0 : i32
      %dma_start3A_205 = tpu.memref_slice %arg7[%dma_start3A_203, %dma_start3A_204] : memref<10112x128xf32, #tpu.memory_space<vmem_shared>> -> memref<10112x128xf32, #tpu.memory_space<vmem_shared>>
      tpu.enqueue_indirect_dma source(%arg10 : memref<128x128xf32, #tpu.memory_space<vmem>>) target(%dma_start3A_205 : memref<10112x128xf32, #tpu.memory_space<vmem_shared>>) offsets(%dma_start3A_202 : memref<128xi32, #tpu.memory_space<vmem>>) semaphore(%arg12 : memref<!tpu.dma_semaphore, #tpu.memory_space<semaphore_mem>>) {add = true}
      %dma_wait3A_206 = arith.constant 6 : i32
      %dma_wait3A_207 = arith.constant 0 : i32
      %dma_wait3A_208 = tpu.memref_slice %arg9[%dma_wait3A_206, %dma_wait3A_207] : memref<8x128xi32, #tpu.memory_space<vmem>> -> memref<1x128xi32, #tpu.memory_space<vmem>>
      %dma_wait3A_209 = tpu.memref_squeeze %dma_wait3A_208 : memref<1x128xi32, #tpu.memory_space<vmem>> -> memref<128xi32, #tpu.memory_space<vmem>>
      %dma_wait3A_210 = arith.constant 0 : i32
      %dma_wait3A_211 = arith.constant 0 : i32
      %dma_wait3A_212 = tpu.memref_slice %arg7[%dma_wait3A_210, %dma_wait3A_211] : memref<10112x128xf32, #tpu.memory_space<vmem_shared>> -> memref<10112x128xf32, #tpu.memory_space<vmem_shared>>
      tpu.wait_indirect_dma semaphore(%arg12 : memref<!tpu.dma_semaphore, #tpu.memory_space<semaphore_mem>>) src(%arg10 : memref<128x128xf32, #tpu.memory_space<vmem>>) dst(%dma_wait3A_212 : memref<10112x128xf32, #tpu.memory_space<vmem_shared>>)
      %dma_start3A_213 = arith.constant 7 : i32
      %dma_start3A_214 = arith.constant 0 : i32
      %dma_start3A_215 = tpu.memref_slice %arg8[%dma_start3A_213, %dma_start3A_214] : memref<8x128xi32, #tpu.memory_space<vmem>> -> memref<1x128xi32, #tpu.memory_space<vmem>>
      %dma_start3A_216 = tpu.memref_squeeze %dma_start3A_215 : memref<1x128xi32, #tpu.memory_space<vmem>> -> memref<128xi32, #tpu.memory_space<vmem>>
      %dma_start3A_217 = arith.constant 0 : i32
      %dma_start3A_218 = arith.constant 0 : i32
      %dma_start3A_219 = tpu.memref_slice %arg2[%dma_start3A_217, %dma_start3A_218] : memref<10112x128xf32, #tpu.memory_space<hbm>> -> memref<10112x128xf32, #tpu.memory_space<hbm>>
      tpu.enqueue_indirect_dma source(%dma_start3A_219 : memref<10112x128xf32, #tpu.memory_space<hbm>>) target(%arg10 : memref<128x128xf32, #tpu.memory_space<vmem>>) offsets(%dma_start3A_216 : memref<128xi32, #tpu.memory_space<vmem>>) semaphore(%arg11 : memref<!tpu.dma_semaphore, #tpu.memory_space<semaphore_mem>>)
      %dma_wait3A_220 = arith.constant 7 : i32
      %dma_wait3A_221 = arith.constant 0 : i32
      %dma_wait3A_222 = tpu.memref_slice %arg8[%dma_wait3A_220, %dma_wait3A_221] : memref<8x128xi32, #tpu.memory_space<vmem>> -> memref<1x128xi32, #tpu.memory_space<vmem>>
      %dma_wait3A_223 = tpu.memref_squeeze %dma_wait3A_222 : memref<1x128xi32, #tpu.memory_space<vmem>> -> memref<128xi32, #tpu.memory_space<vmem>>
      %dma_wait3A_224 = arith.constant 0 : i32
      %dma_wait3A_225 = arith.constant 0 : i32
      %dma_wait3A_226 = tpu.memref_slice %arg2[%dma_wait3A_224, %dma_wait3A_225] : memref<10112x128xf32, #tpu.memory_space<hbm>> -> memref<10112x128xf32, #tpu.memory_space<hbm>>
      tpu.wait_indirect_dma semaphore(%arg11 : memref<!tpu.dma_semaphore, #tpu.memory_space<semaphore_mem>>) src(%dma_wait3A_226 : memref<10112x128xf32, #tpu.memory_space<hbm>>) dst(%arg10 : memref<128x128xf32, #tpu.memory_space<vmem>>)
      %dma_start3A_227 = arith.constant 7 : i32
      %dma_start3A_228 = arith.constant 0 : i32
      %dma_start3A_229 = tpu.memref_slice %arg9[%dma_start3A_227, %dma_start3A_228] : memref<8x128xi32, #tpu.memory_space<vmem>> -> memref<1x128xi32, #tpu.memory_space<vmem>>
      %dma_start3A_230 = tpu.memref_squeeze %dma_start3A_229 : memref<1x128xi32, #tpu.memory_space<vmem>> -> memref<128xi32, #tpu.memory_space<vmem>>
      %dma_start3A_231 = arith.constant 0 : i32
      %dma_start3A_232 = arith.constant 0 : i32
      %dma_start3A_233 = tpu.memref_slice %arg7[%dma_start3A_231, %dma_start3A_232] : memref<10112x128xf32, #tpu.memory_space<vmem_shared>> -> memref<10112x128xf32, #tpu.memory_space<vmem_shared>>
      tpu.enqueue_indirect_dma source(%arg10 : memref<128x128xf32, #tpu.memory_space<vmem>>) target(%dma_start3A_233 : memref<10112x128xf32, #tpu.memory_space<vmem_shared>>) offsets(%dma_start3A_230 : memref<128xi32, #tpu.memory_space<vmem>>) semaphore(%arg12 : memref<!tpu.dma_semaphore, #tpu.memory_space<semaphore_mem>>) {add = true}
      %dma_wait3A_234 = arith.constant 7 : i32
      %dma_wait3A_235 = arith.constant 0 : i32
      %dma_wait3A_236 = tpu.memref_slice %arg9[%dma_wait3A_234, %dma_wait3A_235] : memref<8x128xi32, #tpu.memory_space<vmem>> -> memref<1x128xi32, #tpu.memory_space<vmem>>
      %dma_wait3A_237 = tpu.memref_squeeze %dma_wait3A_236 : memref<1x128xi32, #tpu.memory_space<vmem>> -> memref<128xi32, #tpu.memory_space<vmem>>
      %dma_wait3A_238 = arith.constant 0 : i32
      %dma_wait3A_239 = arith.constant 0 : i32
      %dma_wait3A_240 = tpu.memref_slice %arg7[%dma_wait3A_238, %dma_wait3A_239] : memref<10112x128xf32, #tpu.memory_space<vmem_shared>> -> memref<10112x128xf32, #tpu.memory_space<vmem_shared>>
      tpu.wait_indirect_dma semaphore(%arg12 : memref<!tpu.dma_semaphore, #tpu.memory_space<semaphore_mem>>) src(%arg10 : memref<128x128xf32, #tpu.memory_space<vmem>>) dst(%dma_wait3A_240 : memref<10112x128xf32, #tpu.memory_space<vmem_shared>>)
    }
    %scan3A_9 = arith.constant 10 : i32
    %barrier3A_10 = arith.constant 0 : index
    tpu.barrier barrier_id(%barrier3A_10)
    "tpu.region"() ({
      %run_scoped3A = tpu.sem_alloc : memref<!tpu.dma_semaphore, #tpu.memory_space<semaphore_mem>>
      %dma_start3A = arith.constant 0 : i32
      %dma_start3A_11 = tpu.memref_slice %arg6[%arg0, %mul3A_2, %dma_start3A] : memref<2x10112x128xf32, #tpu.memory_space<hbm>> -> memref<1x632x128xf32, #tpu.memory_space<hbm>>
      %dma_start3A_12 = tpu.memref_squeeze %dma_start3A_11 : memref<1x632x128xf32, #tpu.memory_space<hbm>> -> memref<632x128xf32, #tpu.memory_space<hbm>>
      %dma_start3A_13 = arith.constant 0 : i32
      %dma_start3A_14 = tpu.memref_slice %arg7[%mul3A_2, %dma_start3A_13] : memref<10112x128xf32, #tpu.memory_space<vmem_shared>> -> memref<632x128xf32, #tpu.memory_space<vmem_shared>>
      tpu.enqueue_dma source(%dma_start3A_14 : memref<632x128xf32, #tpu.memory_space<vmem_shared>>) target(%dma_start3A_12 : memref<632x128xf32, #tpu.memory_space<hbm>>) target_semaphore(%run_scoped3A : memref<!tpu.dma_semaphore, #tpu.memory_space<semaphore_mem>>)
      %dma_wait3A = arith.constant 0 : i32
      %dma_wait3A_15 = tpu.memref_slice %arg6[%arg0, %mul3A_2, %dma_wait3A] : memref<2x10112x128xf32, #tpu.memory_space<hbm>> -> memref<1x632x128xf32, #tpu.memory_space<hbm>>
      %dma_wait3A_16 = tpu.memref_squeeze %dma_wait3A_15 : memref<1x632x128xf32, #tpu.memory_space<hbm>> -> memref<632x128xf32, #tpu.memory_space<hbm>>
      %dma_wait3A_17 = arith.constant 0 : i32
      %dma_wait3A_18 = tpu.memref_slice %arg7[%mul3A_2, %dma_wait3A_17] : memref<10112x128xf32, #tpu.memory_space<vmem_shared>> -> memref<632x128xf32, #tpu.memory_space<vmem_shared>>
      tpu.wait_dma2 semaphore(%run_scoped3A : memref<!tpu.dma_semaphore, #tpu.memory_space<semaphore_mem>>) src(%dma_wait3A_18 : memref<632x128xf32, #tpu.memory_space<vmem_shared>>) dst(%dma_wait3A_16 : memref<632x128xf32, #tpu.memory_space<hbm>>)
      tpu.yield
    }) : () -> ()
    return
  }
}

#map = affine_map<(d0, d1) -> (0, 0)>
module attributes {stable_mosaic.version = 14 : i64} {
  func.func @sc_decode(%arg0: i32, %arg1: i32, %arg2: memref<10000x128xf32, #tpu.memory_space<hbm>>, %arg3: memref<2560x128xi32, #tpu.memory_space<hbm>>, %arg4: memref<2560x128xi32, #tpu.memory_space<hbm>>, %arg5: memref<2560x128xf32, #tpu.memory_space<hbm>>, %arg6: memref<80x128xi32, #tpu.memory_space<vmem>>, %arg7: memref<80x128xi32, #tpu.memory_space<vmem>>, %arg8: memref<128x128xf32, #tpu.memory_space<vmem>>, %arg9: memref<128x128xf32, #tpu.memory_space<vmem>>, %arg10: memref<80x128xf32, #tpu.memory_space<vmem>>, %arg11: memref<!tpu.dma_semaphore, #tpu.memory_space<semaphore_mem>>, %arg12: memref<!tpu.dma_semaphore, #tpu.memory_space<semaphore_mem>>) attributes {dimension_semantics = [#tpu.dimension_semantics<core_parallel>, #tpu.dimension_semantics<subcore_parallel>], iteration_bounds = array<i64: 2, 16>, scalar_prefetch = 0 : i64, scratch_operands = 7 : i64, tpu.core_type = #tpu.core_type<sc_vector_subcore>, window_params = [{transform_indices = #map}, {transform_indices = #map}, {transform_indices = #map}, {transform_indices = #map}]} {
    %mul3A = arith.constant 16 : i32
    %mul3A_0 = arith.muli %arg0, %mul3A : i32
    %add3A = arith.addi %mul3A_0, %arg1 : i32
    %mul3A_1 = arith.constant 80 : i32
    %mul3A_2 = arith.muli %add3A, %mul3A_1 : i32
    "tpu.region"() ({
      %run_scoped3A = tpu.sem_alloc : memref<!tpu.dma_semaphore, #tpu.memory_space<semaphore_mem>>
      %dma_start3A = arith.constant 0 : i32
      %dma_start3A_34 = tpu.memref_slice %arg3[%mul3A_2, %dma_start3A] : memref<2560x128xi32, #tpu.memory_space<hbm>> -> memref<80x128xi32, #tpu.memory_space<hbm>>
      %dma_start3A_35 = arith.constant 0 : i32
      %dma_start3A_36 = tpu.memref_slice %arg3[%mul3A_2, %dma_start3A_35] : memref<2560x128xi32, #tpu.memory_space<hbm>> -> memref<80x128xi32, #tpu.memory_space<hbm>>
      tpu.enqueue_dma source(%dma_start3A_36 : memref<80x128xi32, #tpu.memory_space<hbm>>) target(%arg6 : memref<80x128xi32, #tpu.memory_space<vmem>>) target_semaphore(%run_scoped3A : memref<!tpu.dma_semaphore, #tpu.memory_space<semaphore_mem>>)
      %dma_wait3A = arith.constant 0 : i32
      %dma_wait3A_37 = tpu.memref_slice %arg3[%mul3A_2, %dma_wait3A] : memref<2560x128xi32, #tpu.memory_space<hbm>> -> memref<80x128xi32, #tpu.memory_space<hbm>>
      %dma_wait3A_38 = arith.constant 0 : i32
      %dma_wait3A_39 = tpu.memref_slice %arg3[%mul3A_2, %dma_wait3A_38] : memref<2560x128xi32, #tpu.memory_space<hbm>> -> memref<80x128xi32, #tpu.memory_space<hbm>>
      tpu.wait_dma2 semaphore(%run_scoped3A : memref<!tpu.dma_semaphore, #tpu.memory_space<semaphore_mem>>) src(%dma_wait3A_39 : memref<80x128xi32, #tpu.memory_space<hbm>>) dst(%arg6 : memref<80x128xi32, #tpu.memory_space<vmem>>)
      tpu.yield
    }) : () -> ()
    "tpu.region"() ({
      %run_scoped3A = tpu.sem_alloc : memref<!tpu.dma_semaphore, #tpu.memory_space<semaphore_mem>>
      %dma_start3A = arith.constant 0 : i32
      %dma_start3A_34 = tpu.memref_slice %arg4[%mul3A_2, %dma_start3A] : memref<2560x128xi32, #tpu.memory_space<hbm>> -> memref<80x128xi32, #tpu.memory_space<hbm>>
      %dma_start3A_35 = arith.constant 0 : i32
      %dma_start3A_36 = tpu.memref_slice %arg4[%mul3A_2, %dma_start3A_35] : memref<2560x128xi32, #tpu.memory_space<hbm>> -> memref<80x128xi32, #tpu.memory_space<hbm>>
      tpu.enqueue_dma source(%dma_start3A_36 : memref<80x128xi32, #tpu.memory_space<hbm>>) target(%arg7 : memref<80x128xi32, #tpu.memory_space<vmem>>) target_semaphore(%run_scoped3A : memref<!tpu.dma_semaphore, #tpu.memory_space<semaphore_mem>>)
      %dma_wait3A = arith.constant 0 : i32
      %dma_wait3A_37 = tpu.memref_slice %arg4[%mul3A_2, %dma_wait3A] : memref<2560x128xi32, #tpu.memory_space<hbm>> -> memref<80x128xi32, #tpu.memory_space<hbm>>
      %dma_wait3A_38 = arith.constant 0 : i32
      %dma_wait3A_39 = tpu.memref_slice %arg4[%mul3A_2, %dma_wait3A_38] : memref<2560x128xi32, #tpu.memory_space<hbm>> -> memref<80x128xi32, #tpu.memory_space<hbm>>
      tpu.wait_dma2 semaphore(%run_scoped3A : memref<!tpu.dma_semaphore, #tpu.memory_space<semaphore_mem>>) src(%dma_wait3A_39 : memref<80x128xi32, #tpu.memory_space<hbm>>) dst(%arg7 : memref<80x128xi32, #tpu.memory_space<vmem>>)
      tpu.yield
    }) : () -> ()
    %iota3A = tpu.iota {dimensions = array<i32: 0>} : vector<16xi32>
    %add3A_3 = arith.constant 0 : i32
    %add3A_4 = vector.broadcast %add3A_3 : i32 to vector<16xi32>
    %add3A_5 = arith.addi %iota3A, %add3A_4 : vector<16xi32>
    %add3A_6 = arith.constant 16 : i32
    %add3A_7 = vector.broadcast %add3A_6 : i32 to vector<16xi32>
    %add3A_8 = arith.addi %iota3A, %add3A_7 : vector<16xi32>
    %add3A_9 = arith.constant 32 : i32
    %add3A_10 = vector.broadcast %add3A_9 : i32 to vector<16xi32>
    %add3A_11 = arith.addi %iota3A, %add3A_10 : vector<16xi32>
    %add3A_12 = arith.constant 48 : i32
    %add3A_13 = vector.broadcast %add3A_12 : i32 to vector<16xi32>
    %add3A_14 = arith.addi %iota3A, %add3A_13 : vector<16xi32>
    %add3A_15 = arith.constant 64 : i32
    %add3A_16 = vector.broadcast %add3A_15 : i32 to vector<16xi32>
    %add3A_17 = arith.addi %iota3A, %add3A_16 : vector<16xi32>
    %add3A_18 = arith.constant 80 : i32
    %add3A_19 = vector.broadcast %add3A_18 : i32 to vector<16xi32>
    %add3A_20 = arith.addi %iota3A, %add3A_19 : vector<16xi32>
    %add3A_21 = arith.constant 96 : i32
    %add3A_22 = vector.broadcast %add3A_21 : i32 to vector<16xi32>
    %add3A_23 = arith.addi %iota3A, %add3A_22 : vector<16xi32>
    %add3A_24 = arith.constant 112 : i32
    %add3A_25 = vector.broadcast %add3A_24 : i32 to vector<16xi32>
    %add3A_26 = arith.addi %iota3A, %add3A_25 : vector<16xi32>
    %broadcast_in_dim3A = arith.constant 0.000000e+00 : f32
    %broadcast_in_dim3A_27 = vector.broadcast %broadcast_in_dim3A : f32 to vector<16xf32>
    %scan3A = arith.constant 0 : i32
    %scan3A_28 = arith.constant 80 : i32
    %scan3A_29 = arith.addi %scan3A, %scan3A_28 : i32
    %scan3A_30 = arith.constant 1 : i32
    scf.for %scan3A_34 = %scan3A to %scan3A_29 step %scan3A_30  : i32 {
      %mul3A_35 = arith.constant 1 : i32
      %mul3A_36 = arith.muli %scan3A_34, %mul3A_35 : i32
      %add3A_37 = arith.constant 0 : i32
      %add3A_38 = arith.addi %add3A_37, %mul3A_36 : i32
      %dma_start3A = arith.constant 0 : i32
      %dma_start3A_39 = tpu.memref_slice %arg6[%add3A_38, %dma_start3A] : memref<80x128xi32, #tpu.memory_space<vmem>> -> memref<1x128xi32, #tpu.memory_space<vmem>>
      %dma_start3A_40 = tpu.memref_squeeze %dma_start3A_39 : memref<1x128xi32, #tpu.memory_space<vmem>> -> memref<128xi32, #tpu.memory_space<vmem>>
      %dma_start3A_41 = arith.constant 0 : i32
      %dma_start3A_42 = arith.constant 0 : i32
      %dma_start3A_43 = tpu.memref_slice %arg2[%dma_start3A_41, %dma_start3A_42] : memref<10000x128xf32, #tpu.memory_space<hbm>> -> memref<10000x128xf32, #tpu.memory_space<hbm>>
      tpu.enqueue_indirect_dma source(%dma_start3A_43 : memref<10000x128xf32, #tpu.memory_space<hbm>>) target(%arg8 : memref<128x128xf32, #tpu.memory_space<vmem>>) offsets(%dma_start3A_40 : memref<128xi32, #tpu.memory_space<vmem>>) semaphore(%arg11 : memref<!tpu.dma_semaphore, #tpu.memory_space<semaphore_mem>>)
      %dma_start3A_44 = arith.constant 0 : i32
      %dma_start3A_45 = tpu.memref_slice %arg7[%add3A_38, %dma_start3A_44] : memref<80x128xi32, #tpu.memory_space<vmem>> -> memref<1x128xi32, #tpu.memory_space<vmem>>
      %dma_start3A_46 = tpu.memref_squeeze %dma_start3A_45 : memref<1x128xi32, #tpu.memory_space<vmem>> -> memref<128xi32, #tpu.memory_space<vmem>>
      %dma_start3A_47 = arith.constant 0 : i32
      %dma_start3A_48 = arith.constant 0 : i32
      %dma_start3A_49 = tpu.memref_slice %arg2[%dma_start3A_47, %dma_start3A_48] : memref<10000x128xf32, #tpu.memory_space<hbm>> -> memref<10000x128xf32, #tpu.memory_space<hbm>>
      tpu.enqueue_indirect_dma source(%dma_start3A_49 : memref<10000x128xf32, #tpu.memory_space<hbm>>) target(%arg9 : memref<128x128xf32, #tpu.memory_space<vmem>>) offsets(%dma_start3A_46 : memref<128xi32, #tpu.memory_space<vmem>>) semaphore(%arg12 : memref<!tpu.dma_semaphore, #tpu.memory_space<semaphore_mem>>)
      %dma_wait3A = arith.constant 0 : i32
      %dma_wait3A_50 = tpu.memref_slice %arg6[%add3A_38, %dma_wait3A] : memref<80x128xi32, #tpu.memory_space<vmem>> -> memref<1x128xi32, #tpu.memory_space<vmem>>
      %dma_wait3A_51 = tpu.memref_squeeze %dma_wait3A_50 : memref<1x128xi32, #tpu.memory_space<vmem>> -> memref<128xi32, #tpu.memory_space<vmem>>
      %dma_wait3A_52 = arith.constant 0 : i32
      %dma_wait3A_53 = arith.constant 0 : i32
      %dma_wait3A_54 = tpu.memref_slice %arg2[%dma_wait3A_52, %dma_wait3A_53] : memref<10000x128xf32, #tpu.memory_space<hbm>> -> memref<10000x128xf32, #tpu.memory_space<hbm>>
      tpu.wait_indirect_dma semaphore(%arg11 : memref<!tpu.dma_semaphore, #tpu.memory_space<semaphore_mem>>) src(%dma_wait3A_54 : memref<10000x128xf32, #tpu.memory_space<hbm>>) dst(%arg8 : memref<128x128xf32, #tpu.memory_space<vmem>>)
      %dma_wait3A_55 = arith.constant 0 : i32
      %dma_wait3A_56 = tpu.memref_slice %arg7[%add3A_38, %dma_wait3A_55] : memref<80x128xi32, #tpu.memory_space<vmem>> -> memref<1x128xi32, #tpu.memory_space<vmem>>
      %dma_wait3A_57 = tpu.memref_squeeze %dma_wait3A_56 : memref<1x128xi32, #tpu.memory_space<vmem>> -> memref<128xi32, #tpu.memory_space<vmem>>
      %dma_wait3A_58 = arith.constant 0 : i32
      %dma_wait3A_59 = arith.constant 0 : i32
      %dma_wait3A_60 = tpu.memref_slice %arg2[%dma_wait3A_58, %dma_wait3A_59] : memref<10000x128xf32, #tpu.memory_space<hbm>> -> memref<10000x128xf32, #tpu.memory_space<hbm>>
      tpu.wait_indirect_dma semaphore(%arg12 : memref<!tpu.dma_semaphore, #tpu.memory_space<semaphore_mem>>) src(%dma_wait3A_60 : memref<10000x128xf32, #tpu.memory_space<hbm>>) dst(%arg9 : memref<128x128xf32, #tpu.memory_space<vmem>>)
      %scan3A_61 = arith.constant 0 : i32
      %scan3A_62 = arith.constant 128 : i32
      %scan3A_63 = arith.addi %scan3A_61, %scan3A_62 : i32
      %scan3A_64 = arith.constant 1 : i32
      %scan3A_65:8 = scf.for %scan3A_114 = %scan3A_61 to %scan3A_63 step %scan3A_64 iter_args(%scan3A_115 = %broadcast_in_dim3A_27, %scan3A_116 = %broadcast_in_dim3A_27, %scan3A_117 = %broadcast_in_dim3A_27, %scan3A_118 = %broadcast_in_dim3A_27, %scan3A_119 = %broadcast_in_dim3A_27, %scan3A_120 = %broadcast_in_dim3A_27, %scan3A_121 = %broadcast_in_dim3A_27, %scan3A_122 = %broadcast_in_dim3A_27) -> (vector<16xf32>, vector<16xf32>, vector<16xf32>, vector<16xf32>, vector<16xf32>, vector<16xf32>, vector<16xf32>, vector<16xf32>)  : i32 {
        %mul3A_123 = arith.constant 1 : i32
        %mul3A_124 = arith.muli %scan3A_114, %mul3A_123 : i32
        %add3A_125 = arith.constant 0 : i32
        %add3A_126 = arith.addi %add3A_125, %mul3A_124 : i32
        %broadcast_in_dim3A_127 = vector.broadcast %add3A_126 : i32 to vector<16xi32>
        %gather3A = tpu.vector_load_idx %arg8[%add3A_5, %broadcast_in_dim3A_127] : memref<128x128xf32, #tpu.memory_space<vmem>>[vector<16xi32>, vector<16xi32>], vector<16xf32>,
        %gather3A_128 = tpu.vector_load_idx %arg9[%add3A_5, %broadcast_in_dim3A_127] : memref<128x128xf32, #tpu.memory_space<vmem>>[vector<16xi32>, vector<16xi32>], vector<16xf32>,
        %mul3A_129 = arith.mulf %gather3A, %gather3A_128 : vector<16xf32>
        %add3A_130 = arith.addf %scan3A_115, %mul3A_129 : vector<16xf32>
        %gather3A_131 = tpu.vector_load_idx %arg8[%add3A_8, %broadcast_in_dim3A_127] : memref<128x128xf32, #tpu.memory_space<vmem>>[vector<16xi32>, vector<16xi32>], vector<16xf32>,
        %gather3A_132 = tpu.vector_load_idx %arg9[%add3A_8, %broadcast_in_dim3A_127] : memref<128x128xf32, #tpu.memory_space<vmem>>[vector<16xi32>, vector<16xi32>], vector<16xf32>,
        %mul3A_133 = arith.mulf %gather3A_131, %gather3A_132 : vector<16xf32>
        %add3A_134 = arith.addf %scan3A_116, %mul3A_133 : vector<16xf32>
        %gather3A_135 = tpu.vector_load_idx %arg8[%add3A_11, %broadcast_in_dim3A_127] : memref<128x128xf32, #tpu.memory_space<vmem>>[vector<16xi32>, vector<16xi32>], vector<16xf32>,
        %gather3A_136 = tpu.vector_load_idx %arg9[%add3A_11, %broadcast_in_dim3A_127] : memref<128x128xf32, #tpu.memory_space<vmem>>[vector<16xi32>, vector<16xi32>], vector<16xf32>,
        %mul3A_137 = arith.mulf %gather3A_135, %gather3A_136 : vector<16xf32>
        %add3A_138 = arith.addf %scan3A_117, %mul3A_137 : vector<16xf32>
        %gather3A_139 = tpu.vector_load_idx %arg8[%add3A_14, %broadcast_in_dim3A_127] : memref<128x128xf32, #tpu.memory_space<vmem>>[vector<16xi32>, vector<16xi32>], vector<16xf32>,
        %gather3A_140 = tpu.vector_load_idx %arg9[%add3A_14, %broadcast_in_dim3A_127] : memref<128x128xf32, #tpu.memory_space<vmem>>[vector<16xi32>, vector<16xi32>], vector<16xf32>,
        %mul3A_141 = arith.mulf %gather3A_139, %gather3A_140 : vector<16xf32>
        %add3A_142 = arith.addf %scan3A_118, %mul3A_141 : vector<16xf32>
        %gather3A_143 = tpu.vector_load_idx %arg8[%add3A_17, %broadcast_in_dim3A_127] : memref<128x128xf32, #tpu.memory_space<vmem>>[vector<16xi32>, vector<16xi32>], vector<16xf32>,
        %gather3A_144 = tpu.vector_load_idx %arg9[%add3A_17, %broadcast_in_dim3A_127] : memref<128x128xf32, #tpu.memory_space<vmem>>[vector<16xi32>, vector<16xi32>], vector<16xf32>,
        %mul3A_145 = arith.mulf %gather3A_143, %gather3A_144 : vector<16xf32>
        %add3A_146 = arith.addf %scan3A_119, %mul3A_145 : vector<16xf32>
        %gather3A_147 = tpu.vector_load_idx %arg8[%add3A_20, %broadcast_in_dim3A_127] : memref<128x128xf32, #tpu.memory_space<vmem>>[vector<16xi32>, vector<16xi32>], vector<16xf32>,
        %gather3A_148 = tpu.vector_load_idx %arg9[%add3A_20, %broadcast_in_dim3A_127] : memref<128x128xf32, #tpu.memory_space<vmem>>[vector<16xi32>, vector<16xi32>], vector<16xf32>,
        %mul3A_149 = arith.mulf %gather3A_147, %gather3A_148 : vector<16xf32>
        %add3A_150 = arith.addf %scan3A_120, %mul3A_149 : vector<16xf32>
        %gather3A_151 = tpu.vector_load_idx %arg8[%add3A_23, %broadcast_in_dim3A_127] : memref<128x128xf32, #tpu.memory_space<vmem>>[vector<16xi32>, vector<16xi32>], vector<16xf32>,
        %gather3A_152 = tpu.vector_load_idx %arg9[%add3A_23, %broadcast_in_dim3A_127] : memref<128x128xf32, #tpu.memory_space<vmem>>[vector<16xi32>, vector<16xi32>], vector<16xf32>,
        %mul3A_153 = arith.mulf %gather3A_151, %gather3A_152 : vector<16xf32>
        %add3A_154 = arith.addf %scan3A_121, %mul3A_153 : vector<16xf32>
        %gather3A_155 = tpu.vector_load_idx %arg8[%add3A_26, %broadcast_in_dim3A_127] : memref<128x128xf32, #tpu.memory_space<vmem>>[vector<16xi32>, vector<16xi32>], vector<16xf32>,
        %gather3A_156 = tpu.vector_load_idx %arg9[%add3A_26, %broadcast_in_dim3A_127] : memref<128x128xf32, #tpu.memory_space<vmem>>[vector<16xi32>, vector<16xi32>], vector<16xf32>,
        %mul3A_157 = arith.mulf %gather3A_155, %gather3A_156 : vector<16xf32>
        %add3A_158 = arith.addf %scan3A_122, %mul3A_157 : vector<16xf32>
        scf.yield %add3A_130, %add3A_134, %add3A_138, %add3A_142, %add3A_146, %add3A_150, %add3A_154, %add3A_158 : vector<16xf32>, vector<16xf32>, vector<16xf32>, vector<16xf32>, vector<16xf32>, vector<16xf32>, vector<16xf32>, vector<16xf32>
      }
      %scan3A_66 = arith.constant 128 : i32
      %mul3A_67 = arith.constant 0.0883883461 : f32
      %mul3A_68 = vector.broadcast %mul3A_67 : f32 to vector<16xf32>
      %mul3A_69 = arith.mulf %scan3A_65#0, %mul3A_68 : vector<16xf32>
      %swap3A = arith.index_cast %add3A_38 : i32 to index
      %swap3A_70 = arith.constant 0 : index
      %swap3A_71 = tpu.vector_load %arg10[%swap3A, %swap3A_70] {strides = array<i32>} : memref<80x128xf32, #tpu.memory_space<vmem>>, vector<16xf32>,
      tpu.vector_store %arg10[%swap3A, %swap3A_70], %mul3A_69 {strides = array<i32>} : memref<80x128xf32, #tpu.memory_space<vmem>>, vector<16xf32>,
      %mul3A_72 = arith.constant 0.0883883461 : f32
      %mul3A_73 = vector.broadcast %mul3A_72 : f32 to vector<16xf32>
      %mul3A_74 = arith.mulf %scan3A_65#1, %mul3A_73 : vector<16xf32>
      %swap3A_75 = arith.index_cast %add3A_38 : i32 to index
      %swap3A_76 = arith.constant 16 : index
      %swap3A_77 = tpu.vector_load %arg10[%swap3A_75, %swap3A_76] {strides = array<i32>} : memref<80x128xf32, #tpu.memory_space<vmem>>, vector<16xf32>,
      tpu.vector_store %arg10[%swap3A_75, %swap3A_76], %mul3A_74 {strides = array<i32>} : memref<80x128xf32, #tpu.memory_space<vmem>>, vector<16xf32>,
      %mul3A_78 = arith.constant 0.0883883461 : f32
      %mul3A_79 = vector.broadcast %mul3A_78 : f32 to vector<16xf32>
      %mul3A_80 = arith.mulf %scan3A_65#2, %mul3A_79 : vector<16xf32>
      %swap3A_81 = arith.index_cast %add3A_38 : i32 to index
      %swap3A_82 = arith.constant 32 : index
      %swap3A_83 = tpu.vector_load %arg10[%swap3A_81, %swap3A_82] {strides = array<i32>} : memref<80x128xf32, #tpu.memory_space<vmem>>, vector<16xf32>,
      tpu.vector_store %arg10[%swap3A_81, %swap3A_82], %mul3A_80 {strides = array<i32>} : memref<80x128xf32, #tpu.memory_space<vmem>>, vector<16xf32>,
      %mul3A_84 = arith.constant 0.0883883461 : f32
      %mul3A_85 = vector.broadcast %mul3A_84 : f32 to vector<16xf32>
      %mul3A_86 = arith.mulf %scan3A_65#3, %mul3A_85 : vector<16xf32>
      %swap3A_87 = arith.index_cast %add3A_38 : i32 to index
      %swap3A_88 = arith.constant 48 : index
      %swap3A_89 = tpu.vector_load %arg10[%swap3A_87, %swap3A_88] {strides = array<i32>} : memref<80x128xf32, #tpu.memory_space<vmem>>, vector<16xf32>,
      tpu.vector_store %arg10[%swap3A_87, %swap3A_88], %mul3A_86 {strides = array<i32>} : memref<80x128xf32, #tpu.memory_space<vmem>>, vector<16xf32>,
      %mul3A_90 = arith.constant 0.0883883461 : f32
      %mul3A_91 = vector.broadcast %mul3A_90 : f32 to vector<16xf32>
      %mul3A_92 = arith.mulf %scan3A_65#4, %mul3A_91 : vector<16xf32>
      %swap3A_93 = arith.index_cast %add3A_38 : i32 to index
      %swap3A_94 = arith.constant 64 : index
      %swap3A_95 = tpu.vector_load %arg10[%swap3A_93, %swap3A_94] {strides = array<i32>} : memref<80x128xf32, #tpu.memory_space<vmem>>, vector<16xf32>,
      tpu.vector_store %arg10[%swap3A_93, %swap3A_94], %mul3A_92 {strides = array<i32>} : memref<80x128xf32, #tpu.memory_space<vmem>>, vector<16xf32>,
      %mul3A_96 = arith.constant 0.0883883461 : f32
      %mul3A_97 = vector.broadcast %mul3A_96 : f32 to vector<16xf32>
      %mul3A_98 = arith.mulf %scan3A_65#5, %mul3A_97 : vector<16xf32>
      %swap3A_99 = arith.index_cast %add3A_38 : i32 to index
      %swap3A_100 = arith.constant 80 : index
      %swap3A_101 = tpu.vector_load %arg10[%swap3A_99, %swap3A_100] {strides = array<i32>} : memref<80x128xf32, #tpu.memory_space<vmem>>, vector<16xf32>,
      tpu.vector_store %arg10[%swap3A_99, %swap3A_100], %mul3A_98 {strides = array<i32>} : memref<80x128xf32, #tpu.memory_space<vmem>>, vector<16xf32>,
      %mul3A_102 = arith.constant 0.0883883461 : f32
      %mul3A_103 = vector.broadcast %mul3A_102 : f32 to vector<16xf32>
      %mul3A_104 = arith.mulf %scan3A_65#6, %mul3A_103 : vector<16xf32>
      %swap3A_105 = arith.index_cast %add3A_38 : i32 to index
      %swap3A_106 = arith.constant 96 : index
      %swap3A_107 = tpu.vector_load %arg10[%swap3A_105, %swap3A_106] {strides = array<i32>} : memref<80x128xf32, #tpu.memory_space<vmem>>, vector<16xf32>,
      tpu.vector_store %arg10[%swap3A_105, %swap3A_106], %mul3A_104 {strides = array<i32>} : memref<80x128xf32, #tpu.memory_space<vmem>>, vector<16xf32>,
      %mul3A_108 = arith.constant 0.0883883461 : f32
      %mul3A_109 = vector.broadcast %mul3A_108 : f32 to vector<16xf32>
      %mul3A_110 = arith.mulf %scan3A_65#7, %mul3A_109 : vector<16xf32>
      %swap3A_111 = arith.index_cast %add3A_38 : i32 to index
      %swap3A_112 = arith.constant 112 : index
      %swap3A_113 = tpu.vector_load %arg10[%swap3A_111, %swap3A_112] {strides = array<i32>} : memref<80x128xf32, #tpu.memory_space<vmem>>, vector<16xf32>,
      tpu.vector_store %arg10[%swap3A_111, %swap3A_112], %mul3A_110 {strides = array<i32>} : memref<80x128xf32, #tpu.memory_space<vmem>>, vector<16xf32>,
    }
    %scan3A_31 = arith.constant 80 : i32
    %mul3A_32 = arith.constant 80 : i32
    %mul3A_33 = arith.muli %add3A, %mul3A_32 : i32
    "tpu.region"() ({
      %run_scoped3A = tpu.sem_alloc : memref<!tpu.dma_semaphore, #tpu.memory_space<semaphore_mem>>
      %dma_start3A = arith.constant 0 : i32
      %dma_start3A_34 = tpu.memref_slice %arg5[%mul3A_33, %dma_start3A] : memref<2560x128xf32, #tpu.memory_space<hbm>> -> memref<80x128xf32, #tpu.memory_space<hbm>>
      %dma_start3A_35 = arith.constant 0 : i32
      %dma_start3A_36 = tpu.memref_slice %arg5[%mul3A_33, %dma_start3A_35] : memref<2560x128xf32, #tpu.memory_space<hbm>> -> memref<80x128xf32, #tpu.memory_space<hbm>>
      tpu.enqueue_dma source(%arg10 : memref<80x128xf32, #tpu.memory_space<vmem>>) target(%dma_start3A_36 : memref<80x128xf32, #tpu.memory_space<hbm>>) target_semaphore(%run_scoped3A : memref<!tpu.dma_semaphore, #tpu.memory_space<semaphore_mem>>)
      %dma_wait3A = arith.constant 0 : i32
      %dma_wait3A_37 = tpu.memref_slice %arg5[%mul3A_33, %dma_wait3A] : memref<2560x128xf32, #tpu.memory_space<hbm>> -> memref<80x128xf32, #tpu.memory_space<hbm>>
      %dma_wait3A_38 = arith.constant 0 : i32
      %dma_wait3A_39 = tpu.memref_slice %arg5[%mul3A_33, %dma_wait3A_38] : memref<2560x128xf32, #tpu.memory_space<hbm>> -> memref<80x128xf32, #tpu.memory_space<hbm>>
      tpu.wait_dma2 semaphore(%run_scoped3A : memref<!tpu.dma_semaphore, #tpu.memory_space<semaphore_mem>>) src(%arg10 : memref<80x128xf32, #tpu.memory_space<vmem>>) dst(%dma_wait3A_39 : memref<80x128xf32, #tpu.memory_space<hbm>>)
      tpu.yield
    }) : () -> ()
    return
  }
}

module attributes {stable_mosaic.version = 14 : i64} {
  func.func @body(%arg0: memref<2x10112x128xf32, #tpu.memory_space<vmem>>, %arg1: memref<32x79x128xf32, #tpu.memory_space<vmem>>, %arg2: memref<10000x128xf32, #tpu.memory_space<vmem>>, %arg3: memref<128x128xf32, #tpu.memory_space<vmem>>, %arg4: memref<1x128xf32, #tpu.memory_space<vmem>>, %arg5: memref<128x128xf32, #tpu.memory_space<vmem>>, %arg6: memref<10000x128xf32, #tpu.memory_space<vmem>>) attributes {dimension_semantics = [], scalar_prefetch = 0 : i64, scratch_operands = 0 : i64, tpu.core_type = #tpu.core_type<tc>} {
    %get3A = arith.constant 0 : index
    %get3A_0 = arith.constant 0 : index
    %get3A_1 = arith.constant 0 : index
    %get3A_2 = vector.load %arg0[%get3A, %get3A_0, %get3A_1] : memref<2x10112x128xf32, #tpu.memory_space<vmem>>, vector<1x10112x128xf32>
    %get3A_3 = vector.shape_cast %get3A_2 : vector<1x10112x128xf32> to vector<10112x128xf32>
    %get3A_4 = arith.constant 1 : index
    %get3A_5 = arith.constant 0 : index
    %get3A_6 = arith.constant 0 : index
    %get3A_7 = vector.load %arg0[%get3A_4, %get3A_5, %get3A_6] : memref<2x10112x128xf32, #tpu.memory_space<vmem>>, vector<1x10112x128xf32>
    %get3A_8 = vector.shape_cast %get3A_7 : vector<1x10112x128xf32> to vector<10112x128xf32>
    %add3A = arith.addf %get3A_3, %get3A_8 : vector<10112x128xf32>
    %get3A_9 = arith.constant 0 : index
    %get3A_10 = arith.constant 0 : index
    %get3A_11 = arith.constant 0 : index
    %get3A_12 = vector.load %arg1[%get3A_9, %get3A_10, %get3A_11] : memref<32x79x128xf32, #tpu.memory_space<vmem>>, vector<32x79x128xf32>
    %reduce_sum3A = arith.constant dense<0.000000e+00> : vector<79x128xf32>
    %reduce_sum3A_13 = vector.multi_reduction <add>, %get3A_12, %reduce_sum3A [0] : vector<32x79x128xf32> to vector<79x128xf32>
    %max3A = arith.constant 1.000000e+00 : f32
    %max3A_14 = vector.broadcast %max3A : f32 to vector<79x128xf32>
    %max3A_15 = arith.maximumf %reduce_sum3A_13, %max3A_14 : vector<79x128xf32>
    %reshape3A = vector.shape_cast %add3A : vector<10112x128xf32> to vector<79x128x128xf32>
    %reshape3A_16 = vector.shape_cast %max3A_15 : vector<79x128xf32> to vector<79x128x1xf32>
    %div3A = vector.broadcast %reshape3A_16 : vector<79x128x1xf32> to vector<79x128x128xf32>
    %div3A_17 = arith.divf %reshape3A, %div3A : vector<79x128x128xf32>
    %reshape3A_18 = vector.shape_cast %div3A_17 : vector<79x128x128xf32> to vector<10112x128xf32>
    %slice3A = vector.extract_strided_slice %reshape3A_18 {offsets = [0, 0], sizes = [10000, 128], strides = [1, 1]} : vector<10112x128xf32> to vector<10000x128xf32>
    %get3A_19 = arith.constant 0 : index
    %get3A_20 = arith.constant 0 : index
    %get3A_21 = vector.load %arg3[%get3A_19, %get3A_20] : memref<128x128xf32, #tpu.memory_space<vmem>>, vector<128x128xf32>
    %dot_general3A = arith.constant dense<0.000000e+00> : vector<10000x128xf32>
    %dot_general3A_22 = tpu.matmul %slice3A, %get3A_21, %dot_general3A {dimension_numbers = #tpu.dot_dimension_numbers<[1], [0], [0], [1], [0, 0, 1, 1], [], []>, transpose_lhs_hint = false} : vector<10000x128xf32>, vector<128x128xf32>, vector<10000x128xf32> -> vector<10000x128xf32>
    %get3A_23 = arith.constant 0 : index
    %get3A_24 = arith.constant 0 : index
    %get3A_25 = vector.load %arg4[%get3A_23, %get3A_24] : memref<1x128xf32, #tpu.memory_space<vmem>>, vector<1x128xf32>
    %add3A_26 = vector.broadcast %get3A_25 : vector<1x128xf32> to vector<10000x128xf32>
    %add3A_27 = arith.addf %dot_general3A_22, %add3A_26 : vector<10000x128xf32>
    %get3A_28 = arith.constant 0 : index
    %get3A_29 = arith.constant 0 : index
    %get3A_30 = vector.load %arg2[%get3A_28, %get3A_29] : memref<10000x128xf32, #tpu.memory_space<vmem>>, vector<10000x128xf32>
    %get3A_31 = arith.constant 0 : index
    %get3A_32 = arith.constant 0 : index
    %get3A_33 = vector.load %arg5[%get3A_31, %get3A_32] : memref<128x128xf32, #tpu.memory_space<vmem>>, vector<128x128xf32>
    %dot_general3A_34 = arith.constant dense<0.000000e+00> : vector<10000x128xf32>
    %dot_general3A_35 = tpu.matmul %get3A_30, %get3A_33, %dot_general3A_34 {dimension_numbers = #tpu.dot_dimension_numbers<[1], [0], [0], [1], [0, 0, 1, 1], [], []>, transpose_lhs_hint = false} : vector<10000x128xf32>, vector<128x128xf32>, vector<10000x128xf32> -> vector<10000x128xf32>
    %add3A_36 = arith.addf %add3A_27, %dot_general3A_35 : vector<10000x128xf32>
    %max3A_37 = arith.constant 0.000000e+00 : f32
    %max3A_38 = vector.broadcast %max3A_37 : f32 to vector<10000x128xf32>
    %max3A_39 = arith.maximumf %add3A_36, %max3A_38 : vector<10000x128xf32>
    %swap3A = arith.constant 0 : index
    %swap3A_40 = arith.constant 0 : index
    %swap3A_41 = vector.load %arg6[%swap3A, %swap3A_40] : memref<10000x128xf32, #tpu.memory_space<vmem>>, vector<10000x128xf32>
    tpu.vector_store %arg6[%swap3A, %swap3A_40], %max3A_39 {strides = array<i32>} : memref<10000x128xf32, #tpu.memory_space<vmem>>, vector<10000x128xf32>,
    return
  }
}

module attributes {stable_mosaic.version = 14 : i64} {
  func.func @body(%arg0: memref<2x10112x128xf32, #tpu.memory_space<vmem>>, %arg1: memref<32x79x128xf32, #tpu.memory_space<vmem>>, %arg2: memref<10000x128xf32, #tpu.memory_space<vmem>>, %arg3: memref<128x128xf32, #tpu.memory_space<vmem>>, %arg4: memref<1x128xf32, #tpu.memory_space<vmem>>, %arg5: memref<128x128xf32, #tpu.memory_space<vmem>>, %arg6: memref<10000x128xf32, #tpu.memory_space<vmem>>) attributes {dimension_semantics = [], scalar_prefetch = 0 : i64, scratch_operands = 0 : i64, tpu.core_type = #tpu.core_type<tc>} {
    %get3A = arith.constant 0 : index
    %get3A_0 = arith.constant 0 : index
    %get3A_1 = arith.constant 0 : index
    %get3A_2 = vector.load %arg0[%get3A, %get3A_0, %get3A_1] : memref<2x10112x128xf32, #tpu.memory_space<vmem>>, vector<1x10112x128xf32>
    %get3A_3 = vector.shape_cast %get3A_2 : vector<1x10112x128xf32> to vector<10112x128xf32>
    %get3A_4 = arith.constant 1 : index
    %get3A_5 = arith.constant 0 : index
    %get3A_6 = arith.constant 0 : index
    %get3A_7 = vector.load %arg0[%get3A_4, %get3A_5, %get3A_6] : memref<2x10112x128xf32, #tpu.memory_space<vmem>>, vector<1x10112x128xf32>
    %get3A_8 = vector.shape_cast %get3A_7 : vector<1x10112x128xf32> to vector<10112x128xf32>
    %add3A = arith.addf %get3A_3, %get3A_8 : vector<10112x128xf32>
    %get3A_9 = arith.constant 0 : index
    %get3A_10 = arith.constant 0 : index
    %get3A_11 = arith.constant 0 : index
    %get3A_12 = vector.load %arg1[%get3A_9, %get3A_10, %get3A_11] : memref<32x79x128xf32, #tpu.memory_space<vmem>>, vector<32x79x128xf32>
    %reduce_sum3A = arith.constant dense<0.000000e+00> : vector<79x128xf32>
    %reduce_sum3A_13 = vector.multi_reduction <add>, %get3A_12, %reduce_sum3A [0] : vector<32x79x128xf32> to vector<79x128xf32>
    %max3A = arith.constant 1.000000e+00 : f32
    %max3A_14 = vector.broadcast %max3A : f32 to vector<79x128xf32>
    %max3A_15 = arith.maximumf %reduce_sum3A_13, %max3A_14 : vector<79x128xf32>
    %reshape3A = vector.shape_cast %add3A : vector<10112x128xf32> to vector<79x128x128xf32>
    %reshape3A_16 = vector.shape_cast %max3A_15 : vector<79x128xf32> to vector<79x128x1xf32>
    %div3A = vector.broadcast %reshape3A_16 : vector<79x128x1xf32> to vector<79x128x128xf32>
    %div3A_17 = arith.divf %reshape3A, %div3A : vector<79x128x128xf32>
    %reshape3A_18 = vector.shape_cast %div3A_17 : vector<79x128x128xf32> to vector<10112x128xf32>
    %slice3A = vector.extract_strided_slice %reshape3A_18 {offsets = [0, 0], sizes = [10000, 128], strides = [1, 1]} : vector<10112x128xf32> to vector<10000x128xf32>
    %get3A_19 = arith.constant 0 : index
    %get3A_20 = arith.constant 0 : index
    %get3A_21 = vector.load %arg3[%get3A_19, %get3A_20] : memref<128x128xf32, #tpu.memory_space<vmem>>, vector<128x128xf32>
    %dot_general3A = arith.constant dense<0.000000e+00> : vector<10000x128xf32>
    %dot_general3A_22 = tpu.matmul %slice3A, %get3A_21, %dot_general3A {dimension_numbers = #tpu.dot_dimension_numbers<[1], [0], [0], [1], [0, 0, 1, 1], [], []>, transpose_lhs_hint = false} : vector<10000x128xf32>, vector<128x128xf32>, vector<10000x128xf32> -> vector<10000x128xf32>
    %get3A_23 = arith.constant 0 : index
    %get3A_24 = arith.constant 0 : index
    %get3A_25 = vector.load %arg4[%get3A_23, %get3A_24] : memref<1x128xf32, #tpu.memory_space<vmem>>, vector<1x128xf32>
    %add3A_26 = vector.broadcast %get3A_25 : vector<1x128xf32> to vector<10000x128xf32>
    %add3A_27 = arith.addf %dot_general3A_22, %add3A_26 : vector<10000x128xf32>
    %get3A_28 = arith.constant 0 : index
    %get3A_29 = arith.constant 0 : index
    %get3A_30 = vector.load %arg2[%get3A_28, %get3A_29] : memref<10000x128xf32, #tpu.memory_space<vmem>>, vector<10000x128xf32>
    %get3A_31 = arith.constant 0 : index
    %get3A_32 = arith.constant 0 : index
    %get3A_33 = vector.load %arg5[%get3A_31, %get3A_32] : memref<128x128xf32, #tpu.memory_space<vmem>>, vector<128x128xf32>
    %dot_general3A_34 = arith.constant dense<0.000000e+00> : vector<10000x128xf32>
    %dot_general3A_35 = tpu.matmul %get3A_30, %get3A_33, %dot_general3A_34 {dimension_numbers = #tpu.dot_dimension_numbers<[1], [0], [0], [1], [0, 0, 1, 1], [], []>, transpose_lhs_hint = false} : vector<10000x128xf32>, vector<128x128xf32>, vector<10000x128xf32> -> vector<10000x128xf32>
    %add3A_36 = arith.addf %add3A_27, %dot_general3A_35 : vector<10000x128xf32>
    %swap3A = arith.constant 0 : index
    %swap3A_37 = arith.constant 0 : index
    %swap3A_38 = vector.load %arg6[%swap3A, %swap3A_37] : memref<10000x128xf32, #tpu.memory_space<vmem>>, vector<10000x128xf32>
    tpu.vector_store %arg6[%swap3A, %swap3A_37], %add3A_36 {strides = array<i32>} : memref<10000x128xf32, #tpu.memory_space<vmem>>, vector<10000x128xf32>,
    return
  }
}

</mosaic_0001>

<sc_bundles>
// kernel: sc_decode.3.cloned.1.call-start
scs
__scs_entry_jumppad:
0x0: {  	(pc) =	sbr.rel $0x88, $3  }
0x1: {  	(tag) =	ssettag $0x0;
	lr =	simm.s32 $0x1  }
0x2: {  	[smem:$0x3F98] =	sst lr;
	_ =	strace $0xD0000000  }
0x3: {  	_ = 	snop  }
0x4: {  	_ = 	snop  }
0x5: {  	_ = 	snop  }
0x6: {  	_ = 	snop  }
0x7: {  	_ = 	snop  }
__scs_overlays_trampoline_lowered:
0x8: {  	[smem:$0x3FA7] =	sst s0  }
0x9: {  	[smem:$0x3FA8] =	sst s1  }
0xa: {  	[smem:$0x3FA9] =	sst s2  }
0xb: {  	[smem:$0x3FAA] =	sst s3  }
0xc: {  	[smem:$0x3FAB] =	sst s4  }
0xd: {  	[smem:$0x3FAC] =	sst s5  }
0xe: {  	[smem:$0x3FAD] =	sst s6  }
0xf: {  	[smem:$0x3FAE] =	sst s7  }
0x10: {  	[smem:$0x3FAF] =	sst s8  }
0x11: {  	[smem:$0x3FB0] =	sst s9;
	s0 =	simm.s32 @!p0 $0x0  }
0x12: {  	s1 =	sld [smem:$0x3F96];
	s0 =	simm.s32 @p0 $0x1  }
0x13: {  	[smem:$0x3FB1] =	sst s0;
	s0 =	simm.s32 @!p1 $0x0  }
0x14: {  	s2 =	sld [smem:$0x3F95];
	s0 =	simm.s32 @p1 $0x1  }
0x15: {  	[smem:$0x3FB2] =	sst s0;
	s0 =	simm.s32 @!p2 $0x0  }
0x16: {  	s3 =	sld [smem:$0x3FDB];
	s0 =	simm.s32 @p2 $0x1  }
0x17: {  	s4 =	simm.s32 $0x1BF5;
	[smem:$0x3FB4] =	sst s0  }
0x18: {  	s0 =	sld [smem:$0x3F97];
	_ =	swait.ge [sflag:s4], $0x0  }
0x19: {  	s7 =	sld [smem:$0x3F98]  }
0x1a: {  	s8 =	sadd.s32 $0xFFFFE003, lr  }
0x1b: {  	s9 =	sadd.s32 $0xFFFFFEF7, lr;
	s5 =	simm.s32 $0xFFFFFFFF;
	p2 =	slt.u32 s8, $0xFFFFF086  }
0x1c: {  	p1 =	slt.u32 s9, $0xF7A;
	s5 =	simm.s32 @!p2 $0x0  }
0x1d: {  	s5 =	simm.s32 @p1 $0x1;
	p0 =	seq.s32 s7, s2  }
0x1e: {  	s7 =	smul.u32 @!p0 $0xF7A, s2;
	p2 =	seq.s32 @!p0 s5, $0x0  }
0x1f: {  	s9 =	smul.u32 $0xF7A, s1;
	s8 =	simm.s32 @!p0 $0x1BF5;
	p2 =	por !p2, p0  }
0x20: {  	[sflag:s8] =	ssyncset.s32 @!p0 $0xFFFFF086;
	s6 =	sadd.s32 @!p0 s3, s7;
	s7 =	simm.s32 @!p0 $0x108  }
0x21: {  	s3 =	sadd.s32 s3, s9;
	s6 =	sadd.s32 @!p0 $0x88, s6;
	s7 =	simm.s32 @p2 $0x1082  }
0x22: {  	[simem:s7], [sflag:s8] =	dma.local @!p0 [hbm:s6], $0xF7A  }
0x23: {  	s9 =	sor.u32 $0xD0000000, s2;
	s6 =	simm.s32 $0x108;
	_ =	swait.ge @!p0 [sflag:s8], $0x0  }
0x24: {  	s3 =	sadd.s32 $0x88, s3;
	s6 =	simm.s32 @!p1 $0x1082;
	[sflag:s4] =	ssyncset.s32 $0xFFFFF086  }
0x25: {  	[simem:s6], [sflag:s4] =	dma.local [hbm:s3], $0xF7A  }
0x26: {  	[smem:$0x3F98] =	sst s1;
	(tag) =	ssettag s2;
	_ =	strace s9  }
0x27: {  	s1 =	sld [smem:$0x3FA8]  }
0x28: {  	s2 =	sld [smem:$0x3FA9]  }
0x29: {  	s4 =	sld [smem:$0x3FAB]  }
0x2a: {  	p0 =	seq.s32 s5, $0x0;
	s5 =	sld [smem:$0x3FAC]  }
0x2b: {  	s6 =	sld [smem:$0x3FAD]  }
0x2c: {  	s7 =	sld [smem:$0x3FAE]  }
0x2d: {  	s3 =	simm.s32 $0x108;
	s8 =	sld [smem:$0x3FAF]  }
0x2e: {  	s3 =	simm.s32 @!p0 $0x1082;
	s9 =	sld [smem:$0x3FB0]  }
0x2f: {  	lr =	sadd.s32 s0, s3;
	s0 =	sld [smem:$0x3FA7]  }
0x30: {  	s3 =	sld [smem:$0x3FAA]  }
0x31: {  	[smem:$0x3FB3] =	sst s10  }
0x32: {  	s10 =	sld [smem:$0x3FB1];
	_ =	sdelay $0x3  }
0x33: {  	p0 =	seq.s32 s10, $0x1;
	s10 =	sld [smem:$0x3FB3];
	_ =	sdelay $0x3  }
0x34: {  	[smem:$0x3FB3] =	sst s10  }
0x35: {  	s10 =	sld [smem:$0x3FB2];
	_ =	sdelay $0x3  }
0x36: {  	p1 =	seq.s32 s10, $0x1;
	s10 =	sld [smem:$0x3FB3];
	_ =	sdelay $0x3  }
0x37: {  	[smem:$0x3FB3] =	sst s10  }
0x38: {  	s10 =	sld [smem:$0x3FB4]  }
0x39: {  	_ = 	snop;
	(pc) =	sbr.ind lr, $3  }
0x3a: {  	_ = 	snop  }
0x3b: {  	_ = 	snop  }
0x3c: {  	p2 =	seq.s32 s10, $0x1;
	s10 =	sld [smem:$0x3FB3]  }
0x3d: {  	_ =	shalt  }
0x3e: {  	_ =	shalt  }
0x3f: {  	_ =	shalt  }
0x40: {  	_ =	shalt  }
0x41: {  	_ =	shalt  }
0x42: {  	_ =	shalt  }
0x43: {  	_ =	shalt  }
0x44: {  	_ =	shalt  }
0x45: {  	_ =	shalt  }
0x46: {  	_ =	shalt  }
0x47: {  	_ =	shalt  }
0x48: {  	_ =	shalt  }
0x49: {  	_ =	shalt  }
0x4a: {  	_ =	shalt  }
0x4b: {  	_ =	shalt  }
0x4c: {  	_ =	shalt  }
0x4d: {  	_ =	shalt  }
0x4e: {  	_ =	shalt  }
0x4f: {  	_ =	shalt  }
0x50: {  	_ =	shalt  }
0x51: {  	_ =	shalt  }
0x52: {  	_ =	shalt  }
0x53: {  	_ =	shalt  }
0x54: {  	_ =	shalt  }
0x55: {  	_ =	shalt  }
0x56: {  	_ =	shalt  }
0x57: {  	_ =	shalt  }
0x58: {  	_ =	shalt  }
0x59: {  	_ =	shalt  }
0x5a: {  	_ =	shalt  }
0x5b: {  	_ =	shalt  }
0x5c: {  	_ =	shalt  }
0x5d: {  	_ =	shalt  }
0x5e: {  	_ =	shalt  }
0x5f: {  	_ =	shalt  }
0x60: {  	_ =	shalt  }
0x61: {  	_ =	shalt  }
0x62: {  	_ =	shalt  }
0x63: {  	_ =	shalt  }
0x64: {  	_ =	shalt  }
0x65: {  	_ =	shalt  }
0x66: {  	_ =	shalt  }
0x67: {  	_ =	shalt  }
0x68: {  	_ =	shalt  }
0x69: {  	_ =	shalt  }
0x6a: {  	_ =	shalt  }
0x6b: {  	_ =	shalt  }
0x6c: {  	_ =	shalt  }
0x6d: {  	_ =	shalt  }
0x6e: {  	_ =	shalt  }
0x6f: {  	_ =	shalt  }
0x70: {  	_ =	shalt  }
0x71: {  	_ =	shalt  }
0x72: {  	_ =	shalt  }
0x73: {  	_ =	shalt  }
0x74: {  	_ =	shalt  }
0x75: {  	_ =	shalt  }
0x76: {  	_ =	shalt  }
0x77: {  	_ =	shalt  }
0x78: {  	_ =	shalt  }
0x79: {  	_ =	shalt  }
0x7a: {  	_ =	shalt  }
0x7b: {  	_ =	shalt  }
0x7c: {  	_ =	shalt  }
0x7d: {  	_ =	shalt  }
0x7e: {  	_ =	shalt  }
0x7f: {  	_ =	shalt  }
0x80: {  	_ =	shalt  }
0x81: {  	_ =	shalt  }
0x82: {  	_ =	shalt  }
0x83: {  	_ =	shalt  }
0x84: {  	_ =	shalt  }
0x85: {  	_ =	shalt  }
0x86: {  	_ =	shalt  }
0x87: {  	_ =	shalt  }
.Lfunc_end0:
.L_simem_size_0:
called_computation.2_lowered:
.L_overlay_start_0:
0x88: {  	s2 =	sld [smem:$0x3FD9]  }
0x89: {  	s3 =	sld [smem:$0x3FFE];
	_ =	sdelay $0x1  }
0x8a: {  	s1 =	srdreg.scid  }
0x8b: {  	s0 =	sand.u32 $0x1, s1  }
0x8c: {  	s16 =	sshll.u32 s0, $0xA;
	s2 =	sadd.s32 s3, s2  }
0x8d: {  	s2 =	sadd.s32 s2, s16  }
0x8e: {  	[smem:$0x3FBF] =	sst s2  }
0x8f: {  	_ = 	snop  }
0x90: {  	(tm) =	ssettm $0x1  }
0x91: {  	s17 =	sld [smem:$0x3FFB];
	_ =	sdelay $0x3  }
0x92: {  	_ =	strace s17  }
0x93: {  	s2 =	sld [smem:$0x3FFC];
	_ =	sdelay $0x3  }
0x94: {  	_ =	strace s2  }
0x95: {  	s2 =	sld [smem:$0x3FFD];
	_ =	sdelay $0x3  }
0x96: {  	_ =	strace s2  }
0x97: {  	_ =	strace $0x8FFFFFFF  }
0x98: {  	s18 =	sld [smem:$0x3FDB];
	_ =	sdelay $0x1  }
0x99: {  	s19 =	simm.s32 $_scs_section_size  }
0x9a: {  	s4 =	simm.s32 $_size__tile_overlayer_lowered;
	s5 =	simm.s32 $_tile_overlayer_lowered  }
0x9b: {  	s22 =	simm.s32 $0x1BFF;
	s21 =	sshll.u32 s5, $0x1;
	s2 =	sadd.s32 s19, s18  }
0x9c: {  	s6 =	simm.s32 $0x0;
	s20 =	sshll.u32 s4, $0x1;
	s4 =	sadd.s32 s21, s2  }
0x9d: {  	[timem:s6], [sflag:s22] =	dma.local [hbm:s4], s20  }
0x9e: {  	_ =	swait.ge [sflag:s22], s20  }
0x9f: {  	s3 =	ssub.s32 $0x0, s20;
	[sflag:s22] =	ssyncset.done $0x0  }
0xa0: {  	[sflag:s22] =	ssyncadd.s32 s3;
	_ =	sdelay $0x1  }
0xa1: {  	s23 =	simm.s32 $0x1B8B  }
0xa2: {  	_ =	swait.ge [sflag:s23], $0x1  }
0xa3: {  	[sflag:s23] =	ssyncset.done $0x0  }
0xa4: {  	s25 =	simm.s32 $0x1B8E;
	s24 =	sld [smem:$0x3FFE];
	[sflag:s23] =	ssyncadd.s32 $0xFFFFFFFF  }
0xa5: {  	s26 =	simm.s32 $execute0_lowered;
	[smem:$0x3FD2] =	sst s25  }
0xa6: {  	s4 =	sshll.u32 s26, $0x1;
	_ =	strace $0x8000004C;
	[dreg:$0x1] =	wrdreg $0xFFFFFFFF  }
0xa7: {  	s28 =	simm.s32 $_size_execute0_lowered;
	s2 =	sadd.s32 s2, s4;
	[dreg:$0x0] =	wrdreg $0x0  }
0xa8: {  	s4 =	sshll.u32 s28, $0x1;
	[dreg:$0x2] =	wrdreg s2  }
0xa9: {  	[dreg:$0x3] =	wrdreg s4  }
0xaa: {  	[dreg:$0x4] =	wrdreg $0xC0  }
0xab: {  	_ =	task [dreg:s6], $0x5FFFF  }
0xac: {  	[dreg:$0x1] =	wrdreg $0xFFFFFFFF  }
0xad: {  	[dreg:$0x0] =	wrdreg $0x60  }
0xae: {  	[dreg:$0x2] =	wrdreg s24  }
0xaf: {  	[dreg:$0x3] =	wrdreg $0x9  }
0xb0: {  	_ =	task.clear_ibuf [dreg:s6], $0x4FFFF;
	_ =	strace $0x9000004C  }
0xb1: {  	s29 =	simm.s32 $0x9;
	_ =	strace $0x8000004E  }
0xb2: {  	_ =	swait.ge [sflag:s29], $0x1  }
0xb3: {  	[sflag:s29] =	ssyncadd.s32 $0xFFFFFFFF  }
0xb4: {  	_ =	strace $0x9000004E  }
0xb5: {  	_ =	sfence  }
0xb6: {  	s30 =	sld [smem:$0x0];
	_ =	sdelay $0x2  }
0xb7: {  	s31 =	sshll.u32 s1, $0xD;
	s1 =	sshrl.u32 s1, $0x2  }
0xb8: {  	s3 =	sand.u32 $0x4000, s31;
	s1 =	sadd.s32 s1, s30  }
0xb9: {  	s0 =	sor.u32 s3, s0;
	s1 =	sshll.u32 s1, $0x11  }
0xba: {  	s0 =	sor.u32 s1, s0  }
0xbb: {  	s0 =	sadd.s32 $0x8F2B, s0  }
0xbc: {  	[sflag:s0] =	ssyncadd.remote.s32 $0x1  }
0xbd: {  	_ =	sfence.sel $0xFFFF  }
0xbe: {  	[dreg:$0x0] =	wrdreg $0xFFFFFFFF;
	(pc) =	sbr.abs _section_cstart, $3  }
0xbf: {  	[dreg:$0x1] =	wrdreg $0xFFFFFFFF  }
0xc0: {  	_ =	task.clear_ibuf [dreg:s6], $0x2FFFF;
	_ =	strace $0x9FFFFFFF  }
0xc1: {  	(tm) =	ssettm $0x7FFFFFFF  }
tec
execute0_lowered:
.L_overlay_start_1:
0x0: {  	(tag) =	ssettag $0x1  }
0x1: {  	s0 =	srdreg.scid;
	s4 =	rddreg [dreg:$0x0]  }
0x2: {  	s2 =	simm.s32 $0x0;
	s9 =	simm.s32 $0x2800;
	s10 =	simm.s32 $0x80  }
0x3: {  	s11 =	simm.s32 $0x5000;
	s12 =	simm.s32 $0x9000;
	s3 =	sand.u32 $0x1, s0  }
0x4: {  	s13 =	simm.s32 $0x1;
	s0 =	stileid.u32;
	s1 =	sshll.u32 s3, $0x4  }
0x5: {  	v0 =	vlaneseq.u32;
	s14 =	simm.s32 $0x2;
	s15 =	simm.s32 $0xD000;
	s5 =	sor.u32 s0, s1  }
0x6: {  	s16 =	simm.s32 $0x0;
	[smem:$0x7FF] =	sst s2;
	v0 =	vmul.u32 $0x80, v0;
	s5 =	smul.u32 $0x500, s5  }
0x7: {  	s6 =	ssub.s32 $0x2, s3;
	s3 =	sadd.s32 $0x1C00, s4;
	s1 =	rddreg [dreg:$0x1]  }
0x8: {  	_ =	strace $0x8000004D;
	s31 =	sshrl.u32 s6, $0x1;
	v1 =	vor.u32 $0x800, v0;
	s7 =	sadd.s32 s5, s4  }
0x9: {  	v2 =	vor.u32 $0x1000, v0;
	v3 =	vor.u32 $0x1800, v0;
	v4 =	vor.u32 $0x2000, v0;
	s8 =	ssub.s32 s6, s31;
	s4 =	sadd.s32 $0xC7C00, s7;
	s5 =	sadd.s32 $0xBDC00, s7  }
0xa: {  	v5 =	vor.u32 $0x2800, v0;
	v6 =	vor.u32 $0x3000, v0;
	v7 =	vor.u32 $0x3800, v0;
	s6 =	sadd.s32 $0x28E00, s7;
	s7 =	smax.u32 s8, $0x1;
	s8 =	simm.s32 $0x3  }
.LBB2_1:
0xb: {  	[tilespmem:s2], [sflag:$0x3] =	stream.linear.gather [hbm4b:s4+s2], $0x2800, $0x38;
	[tilespmem:$0xF800] =	vst v63  }
0xc: {  	_ =	swait.ge [sflag:s8], $0x2800  }
0xd: {  	[sflag:s8] =	ssyncset.done $0x0  }
0xe: {  	[sflag:s8] =	ssyncadd.s32 $0xFFFFD800  }
0xf: {  	[tilespmem:s9], [sflag:$0x3] =	stream.linear.gather [hbm4b:s5+s2], $0x2800, $0x38;
	[tilespmem:$0xF800] =	vst v63  }
0x10: {  	_ =	swait.ge [sflag:s8], $0x2800  }
0x11: {  	[sflag:s8] =	ssyncset.done $0x0  }
0x12: {  	s17 =	simm.s32 $0x0;
	[sflag:s8] =	ssyncadd.s32 $0xFFFFD800  }
.LBB2_2:
0x13: {  	s18 =	sshll.u32 s17, $0x7;
	s19 =	simm.s32 $0x0  }
0x14: {  	[tilespmem:s11], [sflag:$0x1] =	stream.indirect.gather [hbm4b:s3+s10], $0x80, s18, s10, $0xb8;
	v8 =	vmov s19;
	[tilespmem:$0xF800] =	vst v63  }
0x15: {  	s30 =	sadd.s32 $0x2800, s18;
	v8 =	vand.u32 $0x7F, v8  }
0x16: {  	[tilespmem:s12], [sflag:$0x2] =	stream.indirect.gather [hbm4b:s3+s10], $0x80, s30, s10, $0xb8;
	v9 =	vbroadcast v8, $0x0;
	[tilespmem:$0xF800] =	vst v63  }
0x17: {  	_ =	swait.ge [sflag:s13], $0x4000  }
0x18: {  	[sflag:s13] =	ssyncset.done $0x0;
	v8 =	vor.u32 v7, v9  }
0x19: {  	[sflag:s13] =	ssyncadd.s32 $0xFFFFC000  }
0x1a: {  	v10 =	vor.u32 v0, v9;
	_ =	swait.ge [sflag:s14], $0x4000  }
0x1b: {  	[sflag:s14] =	ssyncset.done $0x0  }
0x1c: {  	v11 =	vor.u32 v1, v9;
	[sflag:s14] =	ssyncadd.s32 $0xFFFFC000  }
0x1d: {  	v12 =	vld.idx.msk [tilespmem:v8+s11+$0x0], $0xffff  }
0x1e: {  	v13 =	vor.u32 v2, v9;
	v14 =	vld.idx.msk [tilespmem:v8+s12+$0x0], $0xffff  }
0x1f: {  	v23 =	vld.idx.msk [tilespmem:v10+s11+$0x0], $0xffff  }
0x20: {  	v22 =	vor.u32 v3, v9;
	v24 =	vld.idx.msk [tilespmem:v10+s12+$0x0], $0xffff  }
0x21: {  	s31 =	simm.s32 $0x1;
	v15 =	vimm.f32 $0.0e+00;
	v18 =	vor.u32 v4, v9;
	v19 =	vld.idx.msk [tilespmem:v11+s11+$0x0], $0xffff  }
0x22: {  	v17 =	vor.u32 v5, v9;
	v16 =	vor.u32 v6, v9;
	v9 =	vmov s31;
	v20 =	vld.idx.msk [tilespmem:v11+s12+$0x0], $0xffff  }
0x23: {  	v28 =	vand.u32 $0x7F, v9;
	v9 =	vimm.f32 $0.0e+00;
	v8 =	vimm.f32 $0.0e+00;
	v21 =	vld.idx.msk [tilespmem:v13+s11+$0x0], $0xffff  }
0x24: {  	v25 =	vld.idx.msk [tilespmem:v13+s12+$0x0], $0xffff;
	v13 =	vimm.f32 $0.0e+00;
	v11 =	vimm.f32 $0.0e+00;
	v27 =	vmul.f32 v14, v12  }
0x25: {  	s19 =	simm.s32 $0x2;
	v26 =	vld.idx.msk [tilespmem:v22+s11+$0x0], $0xffff;
	v10 =	vimm.f32 $0.0e+00;
	v14 =	vimm.f32 $0.0e+00;
	v12 =	vimm.f32 $0.0e+00  }
.LBB2_3:
0x26: {  	p0 =	sne.s32 s19, $0x7F;
	v28 =	vbroadcast v28, $0x0;
	v23 =	vmul.f32 v24, v23;
	v24 =	vld.idx.msk [tilespmem:v22+s12+$0x0], $0xffff;
	v8 =	vadd.f32 v27, v8  }
0x27: {  	v27 =	vld.idx.msk [tilespmem:v18+s11+$0x0], $0xffff  }
0x28: {  	v29 =	vor.u32 v0, v28;
	v30 =	vor.u32 v1, v28;
	v31 =	vor.u32 v7, v28;
	v32 =	vld.idx.msk [tilespmem:v18+s12+$0x0], $0xffff  }
0x29: {  	v33 =	vor.u32 v2, v28;
	v22 =	vor.u32 v3, v28;
	v18 =	vor.u32 v4, v28;
	v34 =	vld.idx.msk [tilespmem:v17+s11+$0x0], $0xffff  }
0x2a: {  	v19 =	vmul.f32 v20, v19;
	v35 =	vor.u32 v6, v28;
	v20 =	vld.idx.msk [tilespmem:v17+s12+$0x0], $0xffff;
	v17 =	vor.u32 v5, v28  }
0x2b: {  	v15 =	vadd.f32 v23, v15;
	v21 =	vmul.f32 v25, v21;
	v25 =	vld.idx.msk [tilespmem:v16+s11+$0x0], $0xffff  }
0x2c: {  	v13 =	vadd.f32 v19, v13;
	v19 =	vmul.f32 v24, v26;
	v26 =	vld.idx.msk [tilespmem:v16+s12+$0x0], $0xffff;
	v16 =	vmov v35  }
0x2d: {  	v14 =	vadd.f32 v21, v14;
	v28 =	vld.idx.msk [tilespmem:v31+s11+$0x0], $0xffff  }
0x2e: {  	v12 =	vadd.f32 v19, v12;
	v19 =	vmul.f32 v32, v27;
	v31 =	vld.idx.msk [tilespmem:v31+s12+$0x0], $0xffff  }
0x2f: {  	v23 =	vld.idx.msk [tilespmem:v29+s11+$0x0], $0xffff  }
0x30: {  	v11 =	vadd.f32 v19, v11;
	v21 =	vmul.f32 v20, v34;
	v24 =	vld.idx.msk [tilespmem:v29+s12+$0x0], $0xffff  }
.Ltmp0:
0x31: {  	v19 =	vld.idx.msk [tilespmem:v30+s11+$0x0], $0xffff;
	(pc) =	sbr.rel @p0 .LBB2_3-.Ltmp0, $4  }
0x32: {  	v10 =	vadd.f32 v21, v10;
	v26 =	vmul.f32 v26, v25;
	v20 =	vld.idx.msk [tilespmem:v30+s12+$0x0], $0xffff  }
0x33: {  	v21 =	vld.idx.msk [tilespmem:v33+s11+$0x0], $0xffff  }
0x34: {  	v29 =	vmov s19;
	v27 =	vmul.f32 v31, v28;
	v9 =	vadd.f32 v26, v9;
	v25 =	vld.idx.msk [tilespmem:v33+s12+$0x0], $0xffff  }
0x35: {  	s19 =	sadd.s32 $0x1, s19;
	v28 =	vand.u32 $0x7F, v29;
	v26 =	vld.idx.msk [tilespmem:v22+s11+$0x0], $0xffff  }
0x36: {  	_ =	sdelay $0x3  }
0x37: {  	v28 =	vbroadcast v28, $0x0;
	v22 =	vld.idx.msk [tilespmem:v22+s12+$0x0], $0xffff  }
0x38: {  	v29 =	vld.idx.msk [tilespmem:v18+s11+$0x0], $0xffff  }
0x39: {  	v45 =	vld.idx.msk [tilespmem:v18+s12+$0x0], $0xffff;
	v30 =	vor.u32 v7, v28  }
0x3a: {  	v32 =	vld.idx.msk [tilespmem:v17+s11+$0x0], $0xffff;
	v31 =	vor.u32 v0, v28  }
0x3b: {  	v46 =	vld.idx.msk [tilespmem:v17+s12+$0x0], $0xffff  }
0x3c: {  	v34 =	vld.idx.msk [tilespmem:v16+s11+$0x0], $0xffff;
	v33 =	vor.u32 v1, v28  }
0x3d: {  	v47 =	vld.idx.msk [tilespmem:v16+s12+$0x0], $0xffff  }
0x3e: {  	v35 =	vor.u32 v2, v28;
	v36 =	vld.idx.msk [tilespmem:v30+s11+$0x0], $0xffff  }
0x3f: {  	v37 =	vld.idx.msk [tilespmem:v31+s11+$0x0], $0xffff  }
0x40: {  	v38 =	vor.u32 v3, v28;
	v31 =	vld.idx.msk [tilespmem:v31+s12+$0x0], $0xffff  }
0x41: {  	v39 =	vld.idx.msk [tilespmem:v33+s11+$0x0], $0xffff  }
0x42: {  	v40 =	vor.u32 v4, v28;
	v33 =	vld.idx.msk [tilespmem:v33+s12+$0x0], $0xffff  }
0x43: {  	v41 =	vld.idx.msk [tilespmem:v35+s11+$0x0], $0xffff  }
0x44: {  	v42 =	vor.u32 v5, v28;
	v35 =	vld.idx.msk [tilespmem:v35+s12+$0x0], $0xffff  }
0x45: {  	v43 =	vld.idx.msk [tilespmem:v38+s11+$0x0], $0xffff  }
0x46: {  	v28 =	vor.u32 v6, v28;
	v38 =	vld.idx.msk [tilespmem:v38+s12+$0x0], $0xffff  }
0x47: {  	v23 =	vmul.f32 v24, v23;
	v48 =	vld.idx.msk [tilespmem:v40+s11+$0x0], $0xffff  }
0x48: {  	v8 =	vadd.f32 v27, v8;
	v19 =	vmul.f32 v20, v19;
	v50 =	vld.idx.msk [tilespmem:v40+s12+$0x0], $0xffff  }
0x49: {  	v15 =	vadd.f32 v23, v15;
	v49 =	vmul.f32 v25, v21;
	v22 =	vmul.f32 v22, v26;
	v51 =	vld.idx.msk [tilespmem:v42+s11+$0x0], $0xffff  }
0x4a: {  	v13 =	vadd.f32 v19, v13;
	v18 =	vmul.f32 v45, v29;
	v17 =	vmul.f32 v46, v32;
	v52 =	vld.idx.msk [tilespmem:v42+s12+$0x0], $0xffff  }
0x4b: {  	v14 =	vadd.f32 v49, v14;
	v16 =	vmul.f32 v47, v34;
	v54 =	vld.idx.msk [tilespmem:v28+s11+$0x0], $0xffff;
	v53 =	vmul.f32 v31, v37  }
0x4c: {  	v12 =	vadd.f32 v22, v12;
	v11 =	vadd.f32 v18, v11;
	v56 =	vld.idx.msk [tilespmem:v28+s12+$0x0], $0xffff;
	v55 =	vmul.f32 v33, v39  }
0x4d: {  	v57 =	vld.idx.msk [tilespmem:v30+s12+$0x0], $0xffff;
	v10 =	vadd.f32 v17, v10;
	v58 =	vmul.f32 v35, v41;
	v15 =	vadd.f32 v53, v15  }
0x4e: {  	v9 =	vadd.f32 v16, v9;
	v59 =	vmul.f32 v38, v43;
	v13 =	vadd.f32 v55, v13  }
0x4f: {  	v60 =	vmul.f32 v50, v48;
	v14 =	vadd.f32 v58, v14;
	v15 =	vmul.f32 $8.838834610e-02, v15  }
0x50: {  	v61 =	vmul.f32 v52, v51;
	v12 =	vadd.f32 v59, v12;
	v13 =	vmul.f32 $8.838834610e-02, v13  }
0x51: {  	v62 =	vmul.f32 v56, v54;
	v11 =	vadd.f32 v60, v11;
	v14 =	vmul.f32 $8.838834610e-02, v14;
	[tilespmem:s18+$0xD000] =	vst v15  }
0x52: {  	s17 =	sadd.s32 $0x1, s17;
	v63 =	vmul.f32 v57, v36;
	v10 =	vadd.f32 v61, v10;
	v12 =	vmul.f32 $8.838834610e-02, v12;
	[tilespmem:s18+$0xD010] =	vst v13  }
0x53: {  	p0 =	sne.s32 s17, $0x50;
	v9 =	vadd.f32 v62, v9;
	v11 =	vmul.f32 $8.838834610e-02, v11;
	[tilespmem:s18+$0xD020] =	vst v14  }
.Ltmp1:
0x54: {  	v8 =	vadd.f32 v63, v8;
	v10 =	vmul.f32 $8.838834610e-02, v10;
	[tilespmem:s18+$0xD030] =	vst v12;
	(pc) =	sbr.rel @p0 .LBB2_2-.Ltmp1, $4  }
0x55: {  	v9 =	vmul.f32 $8.838834610e-02, v9;
	[tilespmem:s18+$0xD040] =	vst v11  }
0x56: {  	v8 =	vmul.f32 $8.838834610e-02, v8;
	[tilespmem:s18+$0xD050] =	vst v10  }
0x57: {  	[tilespmem:s18+$0xD060] =	vst v9  }
0x58: {  	[tilespmem:s18+$0xD070] =	vst v8  }
0x59: {  	s16 =	sadd.s32 $0x1, s16  }
0x5a: {  	p0 =	sne.s32 s16, s7  }
.Ltmp2:
0x5b: {  	_ = 	snop;
	(pc) =	sbr.rel @p0 .LBB2_1-.Ltmp2, $4  }
0x5c: {  	[hbm4b:s6+s2] =	stream.linear.scatter [tilespmem:s15], [sflag:$0x3], $0x2800, $0x38;
	[tilespmem:$0xF800] =	vst v63  }
0x5d: {  	_ =	swait.ge [sflag:s8], $0x2800  }
0x5e: {  	[sflag:s8] =	ssyncset.done $0x0  }
0x5f: {  	[sflag:s8] =	ssyncadd.s32 $0xFFFFD800  }
0x60: {  	_ =	sfence.sel $0x180000  }
0x61: {  	[bflag:$0x0] =	sbarrier.arrive $0xFFFF  }
0x62: {  	p0 =	sne.s32 s0, $0x0;
	_ =	strace $0x9000004D  }
0x63: {  	s0 =	sadd.s32 @!p0 $0x100000, s1;
	[bflag:$0x2] =	sbarrier.arrive $0xFFFF  }
0x64: {  	[sflag:s0] =	ssyncadd.tile.s32 @!p0 $0x1;
	_ =	shalt  }
.Lfunc_end2:
_tile_overlayer_lowered:
.L_overlay_start_2:
0x65: {  	(tag) =	ssettag $0x2  }
0x66: {  	s0 =	rddreg [dreg:$0x0];
	s2 =	stileid.u32  }
0x67: {  	s1 =	rddreg [dreg:$0x1];
	p0 =	sne.s32 s2, $0x0  }
0x68: {  	s3 =	rddreg [dreg:$0x2];
	[bflag:$0x3] =	sbarrier.arrive $0xFFFF;
	s2 =	simm.s32 @!p0 $0x1C03  }
0x69: {  	[timem:s3], [sflag:s2] =	dma.local @!p0 [hbm:s0], s1  }
0x6a: {  	s0 =	simm.s32 @!p0 $0x3  }
0x6b: {  	_ =	swait.ge @!p0 [sflag:s0], s1  }
0x6c: {  	s1 =	ssub.s32 @!p0 $0x0, s1;
	[sflag:s0] =	ssyncset.done @!p0 $0x0  }
0x6d: {  	[sflag:s0] =	ssyncadd.s32 @!p0 s1  }
0x6e: {  	[bflag:$0x3] =	sbarrier.arrive $0xFFFF  }
0x6f: {  	_ =	shalt  }

// kernel: sc_seg_sum.3.cloned.1.call-start
scs
__scs_entry_jumppad:
0x0: {  	(pc) =	sbr.rel $0x88, $3  }
0x1: {  	(tag) =	ssettag $0x0;
	lr =	simm.s32 $0x1  }
0x2: {  	[smem:$0x3F98] =	sst lr;
	_ =	strace $0xD0000000  }
0x3: {  	_ = 	snop  }
0x4: {  	_ = 	snop  }
0x5: {  	_ = 	snop  }
0x6: {  	_ = 	snop  }
0x7: {  	_ = 	snop  }
__scs_overlays_trampoline_lowered:
0x8: {  	[smem:$0x3FA7] =	sst s0  }
0x9: {  	[smem:$0x3FA8] =	sst s1  }
0xa: {  	[smem:$0x3FA9] =	sst s2  }
0xb: {  	[smem:$0x3FAA] =	sst s3  }
0xc: {  	[smem:$0x3FAB] =	sst s4  }
0xd: {  	[smem:$0x3FAC] =	sst s5  }
0xe: {  	[smem:$0x3FAD] =	sst s6  }
0xf: {  	[smem:$0x3FAE] =	sst s7  }
0x10: {  	[smem:$0x3FAF] =	sst s8  }
0x11: {  	[smem:$0x3FB0] =	sst s9;
	s0 =	simm.s32 @!p0 $0x0  }
0x12: {  	s1 =	sld [smem:$0x3F96];
	s0 =	simm.s32 @p0 $0x1  }
0x13: {  	[smem:$0x3FB1] =	sst s0;
	s0 =	simm.s32 @!p1 $0x0  }
0x14: {  	s2 =	sld [smem:$0x3F95];
	s0 =	simm.s32 @p1 $0x1  }
0x15: {  	[smem:$0x3FB2] =	sst s0;
	s0 =	simm.s32 @!p2 $0x0  }
0x16: {  	s3 =	sld [smem:$0x3FDB];
	s0 =	simm.s32 @p2 $0x1  }
0x17: {  	s4 =	simm.s32 $0x1BF5;
	[smem:$0x3FB4] =	sst s0  }
0x18: {  	s0 =	sld [smem:$0x3F97];
	_ =	swait.ge [sflag:s4], $0x0  }
0x19: {  	s7 =	sld [smem:$0x3F98]  }
0x1a: {  	s8 =	sadd.s32 $0xFFFFE003, lr  }
0x1b: {  	s9 =	sadd.s32 $0xFFFFFEF7, lr;
	s5 =	simm.s32 $0xFFFFFFFF;
	p2 =	slt.u32 s8, $0xFFFFF086  }
0x1c: {  	p1 =	slt.u32 s9, $0xF7A;
	s5 =	simm.s32 @!p2 $0x0  }
0x1d: {  	s5 =	simm.s32 @p1 $0x1;
	p0 =	seq.s32 s7, s2  }
0x1e: {  	s7 =	smul.u32 @!p0 $0xF7A, s2;
	p2 =	seq.s32 @!p0 s5, $0x0  }
0x1f: {  	s9 =	smul.u32 $0xF7A, s1;
	s8 =	simm.s32 @!p0 $0x1BF5;
	p2 =	por !p2, p0  }
0x20: {  	[sflag:s8] =	ssyncset.s32 @!p0 $0xFFFFF086;
	s6 =	sadd.s32 @!p0 s3, s7;
	s7 =	simm.s32 @!p0 $0x108  }
0x21: {  	s3 =	sadd.s32 s3, s9;
	s6 =	sadd.s32 @!p0 $0x88, s6;
	s7 =	simm.s32 @p2 $0x1082  }
0x22: {  	[simem:s7], [sflag:s8] =	dma.local @!p0 [hbm:s6], $0xF7A  }
0x23: {  	s9 =	sor.u32 $0xD0000000, s2;
	s6 =	simm.s32 $0x108;
	_ =	swait.ge @!p0 [sflag:s8], $0x0  }
0x24: {  	s3 =	sadd.s32 $0x88, s3;
	s6 =	simm.s32 @!p1 $0x1082;
	[sflag:s4] =	ssyncset.s32 $0xFFFFF086  }
0x25: {  	[simem:s6], [sflag:s4] =	dma.local [hbm:s3], $0xF7A  }
0x26: {  	[smem:$0x3F98] =	sst s1;
	(tag) =	ssettag s2;
	_ =	strace s9  }
0x27: {  	s1 =	sld [smem:$0x3FA8]  }
0x28: {  	s2 =	sld [smem:$0x3FA9]  }
0x29: {  	s4 =	sld [smem:$0x3FAB]  }
0x2a: {  	p0 =	seq.s32 s5, $0x0;
	s5 =	sld [smem:$0x3FAC]  }
0x2b: {  	s6 =	sld [smem:$0x3FAD]  }
0x2c: {  	s7 =	sld [smem:$0x3FAE]  }
0x2d: {  	s3 =	simm.s32 $0x108;
	s8 =	sld [smem:$0x3FAF]  }
0x2e: {  	s3 =	simm.s32 @!p0 $0x1082;
	s9 =	sld [smem:$0x3FB0]  }
0x2f: {  	lr =	sadd.s32 s0, s3;
	s0 =	sld [smem:$0x3FA7]  }
0x30: {  	s3 =	sld [smem:$0x3FAA]  }
0x31: {  	[smem:$0x3FB3] =	sst s10  }
0x32: {  	s10 =	sld [smem:$0x3FB1];
	_ =	sdelay $0x3  }
0x33: {  	p0 =	seq.s32 s10, $0x1;
	s10 =	sld [smem:$0x3FB3];
	_ =	sdelay $0x3  }
0x34: {  	[smem:$0x3FB3] =	sst s10  }
0x35: {  	s10 =	sld [smem:$0x3FB2];
	_ =	sdelay $0x3  }
0x36: {  	p1 =	seq.s32 s10, $0x1;
	s10 =	sld [smem:$0x3FB3];
	_ =	sdelay $0x3  }
0x37: {  	[smem:$0x3FB3] =	sst s10  }
0x38: {  	s10 =	sld [smem:$0x3FB4]  }
0x39: {  	_ = 	snop;
	(pc) =	sbr.ind lr, $3  }
0x3a: {  	_ = 	snop  }
0x3b: {  	_ = 	snop  }
0x3c: {  	p2 =	seq.s32 s10, $0x1;
	s10 =	sld [smem:$0x3FB3]  }
0x3d: {  	_ =	shalt  }
0x3e: {  	_ =	shalt  }
0x3f: {  	_ =	shalt  }
0x40: {  	_ =	shalt  }
0x41: {  	_ =	shalt  }
0x42: {  	_ =	shalt  }
0x43: {  	_ =	shalt  }
0x44: {  	_ =	shalt  }
0x45: {  	_ =	shalt  }
0x46: {  	_ =	shalt  }
0x47: {  	_ =	shalt  }
0x48: {  	_ =	shalt  }
0x49: {  	_ =	shalt  }
0x4a: {  	_ =	shalt  }
0x4b: {  	_ =	shalt  }
0x4c: {  	_ =	shalt  }
0x4d: {  	_ =	shalt  }
0x4e: {  	_ =	shalt  }
0x4f: {  	_ =	shalt  }
0x50: {  	_ =	shalt  }
0x51: {  	_ =	shalt  }
0x52: {  	_ =	shalt  }
0x53: {  	_ =	shalt  }
0x54: {  	_ =	shalt  }
0x55: {  	_ =	shalt  }
0x56: {  	_ =	shalt  }
0x57: {  	_ =	shalt  }
0x58: {  	_ =	shalt  }
0x59: {  	_ =	shalt  }
0x5a: {  	_ =	shalt  }
0x5b: {  	_ =	shalt  }
0x5c: {  	_ =	shalt  }
0x5d: {  	_ =	shalt  }
0x5e: {  	_ =	shalt  }
0x5f: {  	_ =	shalt  }
0x60: {  	_ =	shalt  }
0x61: {  	_ =	shalt  }
0x62: {  	_ =	shalt  }
0x63: {  	_ =	shalt  }
0x64: {  	_ =	shalt  }
0x65: {  	_ =	shalt  }
0x66: {  	_ =	shalt  }
0x67: {  	_ =	shalt  }
0x68: {  	_ =	shalt  }
0x69: {  	_ =	shalt  }
0x6a: {  	_ =	shalt  }
0x6b: {  	_ =	shalt  }
0x6c: {  	_ =	shalt  }
0x6d: {  	_ =	shalt  }
0x6e: {  	_ =	shalt  }
0x6f: {  	_ =	shalt  }
0x70: {  	_ =	shalt  }
0x71: {  	_ =	shalt  }
0x72: {  	_ =	shalt  }
0x73: {  	_ =	shalt  }
0x74: {  	_ =	shalt  }
0x75: {  	_ =	shalt  }
0x76: {  	_ =	shalt  }
0x77: {  	_ =	shalt  }
0x78: {  	_ =	shalt  }
0x79: {  	_ =	shalt  }
0x7a: {  	_ =	shalt  }
0x7b: {  	_ =	shalt  }
0x7c: {  	_ =	shalt  }
0x7d: {  	_ =	shalt  }
0x7e: {  	_ =	shalt  }
0x7f: {  	_ =	shalt  }
0x80: {  	_ =	shalt  }
0x81: {  	_ =	shalt  }
0x82: {  	_ =	shalt  }
0x83: {  	_ =	shalt  }
0x84: {  	_ =	shalt  }
0x85: {  	_ =	shalt  }
0x86: {  	_ =	shalt  }
0x87: {  	_ =	shalt  }
.Lfunc_end0:
.L_simem_size_0:
called_computation.1_lowered:
.L_overlay_start_0:
0x88: {  	s2 =	sld [smem:$0x3FD9]  }
0x89: {  	s3 =	sld [smem:$0x3FFE];
	_ =	sdelay $0x1  }
0x8a: {  	s1 =	srdreg.scid  }
0x8b: {  	s0 =	sand.u32 $0x1, s1  }
0x8c: {  	s16 =	sshll.u32 s0, $0xA;
	s2 =	sadd.s32 s3, s2  }
0x8d: {  	s2 =	sadd.s32 s2, s16  }
0x8e: {  	[smem:$0x3FBF] =	sst s2  }
0x8f: {  	_ = 	snop  }
0x90: {  	(tm) =	ssettm $0x1  }
0x91: {  	s17 =	sld [smem:$0x3FFB];
	_ =	sdelay $0x3  }
0x92: {  	_ =	strace s17  }
0x93: {  	s2 =	sld [smem:$0x3FFC];
	_ =	sdelay $0x3  }
0x94: {  	_ =	strace s2  }
0x95: {  	s2 =	sld [smem:$0x3FFD];
	_ =	sdelay $0x3  }
0x96: {  	_ =	strace s2  }
0x97: {  	_ =	strace $0x8FFFFFFF  }
0x98: {  	s18 =	sld [smem:$0x3FDB];
	_ =	sdelay $0x1  }
0x99: {  	s19 =	simm.s32 $_scs_section_size  }
0x9a: {  	s4 =	simm.s32 $_size__tile_overlayer_lowered;
	s5 =	simm.s32 $_tile_overlayer_lowered  }
0x9b: {  	s22 =	simm.s32 $0x1BFF;
	s21 =	sshll.u32 s5, $0x1;
	s2 =	sadd.s32 s19, s18  }
0x9c: {  	s6 =	simm.s32 $0x0;
	s20 =	sshll.u32 s4, $0x1;
	s4 =	sadd.s32 s21, s2  }
0x9d: {  	[timem:s6], [sflag:s22] =	dma.local [hbm:s4], s20  }
0x9e: {  	_ =	swait.ge [sflag:s22], s20  }
0x9f: {  	s3 =	ssub.s32 $0x0, s20;
	[sflag:s22] =	ssyncset.done $0x0  }
0xa0: {  	[sflag:s22] =	ssyncadd.s32 s3;
	_ =	sdelay $0x1  }
0xa1: {  	s23 =	simm.s32 $0x1B8B  }
0xa2: {  	_ =	swait.ge [sflag:s23], $0x1  }
0xa3: {  	[sflag:s23] =	ssyncset.done $0x0  }
0xa4: {  	s25 =	simm.s32 $0x1B8E;
	s24 =	sld [smem:$0x3FFE];
	[sflag:s23] =	ssyncadd.s32 $0xFFFFFFFF  }
0xa5: {  	s26 =	simm.s32 $execute0_lowered;
	[smem:$0x3FD2] =	sst s25  }
0xa6: {  	s4 =	sshll.u32 s26, $0x1;
	_ =	strace $0x80000049;
	[dreg:$0x1] =	wrdreg $0xFFFFFFFF  }
0xa7: {  	s28 =	simm.s32 $_size_execute0_lowered;
	s2 =	sadd.s32 s2, s4;
	[dreg:$0x0] =	wrdreg $0x0  }
0xa8: {  	s4 =	sshll.u32 s28, $0x1;
	[dreg:$0x2] =	wrdreg s2  }
0xa9: {  	[dreg:$0x3] =	wrdreg s4  }
0xaa: {  	[dreg:$0x4] =	wrdreg $0xC0  }
0xab: {  	_ =	task [dreg:s6], $0x5FFFF  }
0xac: {  	[dreg:$0x1] =	wrdreg $0xFFFFFFFF  }
0xad: {  	[dreg:$0x0] =	wrdreg $0x60  }
0xae: {  	[dreg:$0x2] =	wrdreg s24  }
0xaf: {  	[dreg:$0x3] =	wrdreg $0x0  }
0xb0: {  	[dreg:$0x4] =	wrdreg $0x9  }
0xb1: {  	_ =	task.clear_ibuf [dreg:s6], $0x5FFFF;
	_ =	strace $0x90000049  }
0xb2: {  	s29 =	simm.s32 $0x9;
	_ =	strace $0x8000004B  }
0xb3: {  	_ =	swait.ge [sflag:s29], $0x1  }
0xb4: {  	[sflag:s29] =	ssyncadd.s32 $0xFFFFFFFF  }
0xb5: {  	_ =	strace $0x9000004B  }
0xb6: {  	_ =	sfence  }
0xb7: {  	s30 =	sld [smem:$0x0];
	_ =	sdelay $0x2  }
0xb8: {  	s31 =	sshll.u32 s1, $0xD;
	s1 =	sshrl.u32 s1, $0x2  }
0xb9: {  	s3 =	sand.u32 $0x4000, s31;
	s1 =	sadd.s32 s1, s30  }
0xba: {  	s0 =	sor.u32 s3, s0;
	s1 =	sshll.u32 s1, $0x11  }
0xbb: {  	s0 =	sor.u32 s1, s0  }
0xbc: {  	s0 =	sadd.s32 $0x8F2B, s0  }
0xbd: {  	[sflag:s0] =	ssyncadd.remote.s32 $0x1  }
0xbe: {  	_ =	sfence.sel $0xFFFF  }
0xbf: {  	[dreg:$0x0] =	wrdreg $0xFFFFFFFF;
	(pc) =	sbr.abs _section_cstart, $3  }
0xc0: {  	[dreg:$0x1] =	wrdreg $0xFFFFFFFF  }
0xc1: {  	_ =	task.clear_ibuf [dreg:s6], $0x2FFFF;
	_ =	strace $0x9FFFFFFF  }
0xc2: {  	(tm) =	ssettm $0x7FFFFFFF  }
0xc3: {  	_ =	shalt  }
tec
execute0_lowered:
.L_overlay_start_1:
0x0: {  	(tag) =	ssettag $0x1  }
0x1: {  	s0 =	rddreg [dreg:$0x0];
	s1 =	srdreg.scid  }
0x2: {  	s2 =	rddreg [dreg:$0x1];
	s10 =	stileid.u32  }
0x3: {  	s3 =	simm.s32 $0x0;
	s12 =	simm.s32 $0x3;
	s13 =	simm.s32 $0x13C00  }
0x4: {  	s14 =	simm.s32 $0x14000;
	s15 =	simm.s32 $0x80;
	s16 =	simm.s32 $0x14400  }
0x5: {  	s17 =	simm.s32 $0x1;
	s18 =	simm.s32 $0x2;
	s19 =	simm.s32 $0x13C80  }
0x6: {  	s20 =	simm.s32 $0x14080;
	s21 =	simm.s32 $0x13D00;
	s22 =	simm.s32 $0x14100  }
0x7: {  	s28 =	simm.s32 $0x13E80;
	s29 =	simm.s32 $0x14280;
	s6 =	smul.u32 $0x13C00, s10  }
0x8: {  	s30 =	simm.s32 $0x13F00;
	s31 =	simm.s32 $0x14300;
	s8 =	smul.u32 $0x4F000, s10  }
0x9: {  	s1 =	sand.u32 $0x1, s1;
	[smem:$0x7FF] =	sst s3;
	s9 =	smul.u32 $0x500, s10  }
0xa: {  	s4 =	sadd.s32 $0x15C00, s0;
	s25 =	sshll.u32 s10, $0x6;
	s5 =	smul.u32 $0x5000, s1  }
0xb: {  	s7 =	smul.u32 $0x13C000, s1;
	_ =	strace $0x8000004A;
	s1 =	ssub.s32 $0x2, s1  }
0xc: {  	s23 =	sshrl.u32 s1, $0x1;
	s8 =	sshrl.u32 s8, $0x2;
	s5 =	sadd.s32 s5, s0  }
0xd: {  	s7 =	sadd.s32 s6, s7;
	s6 =	sshrl.u32 s6, $0x3;
	s1 =	ssub.s32 s1, s23  }
0xe: {  	s24 =	sadd.s32 s8, s2;
	s23 =	simm.s32 $0x13D80;
	s8 =	simm.s32 $0x0  }
0xf: {  	s7 =	sshrl.u32 s7, $0x3;
	s6 =	sadd.s32 s6, s0;
	s5 =	sadd.s32 s9, s5  }
0x10: {  	s26 =	smax.u32 s1, $0x1;
	s1 =	simm.s32 $0x14380;
	s0 =	sadd.s32 s7, s0  }
0x11: {  	s6 =	sadd.s32 $0x3D400, s6;
	[dreg:$0x6] =	wrdreg s26;
	s9 =	sadd.s32 $0x1C00, s5  }
0x12: {  	s10 =	sadd.s32 $0xBC00, s5;
	s7 =	sshrl.u32 s24, $0x3;
	[dreg:$0x3] =	wrdreg s6  }
0x13: {  	s24 =	simm.s32 $0x14180;
	s0 =	sadd.s32 $0x64C00, s0;
	[dreg:$0x7] =	wrdreg s7  }
0x14: {  	s26 =	simm.s32 $0x14200;
	s6 =	sor.u32 $0x1C03, s25;
	[dreg:$0x5] =	wrdreg s0  }
0x15: {  	s25 =	simm.s32 $0x13E00;
	s0 =	simm.s32 $0x13F80;
	[dreg:$0x4] =	wrdreg s6  }
.LBB2_1:
0x16: {  	[dreg:$0x8] =	wrdreg s8  }
0x17: {  	s5 =	rddreg [dreg:$0x3]  }
0x18: {  	[spmem:s7], [sflag:s6] =	dma.local [hbm:s5], $0x2780  }
0x19: {  	_ =	swait.ge [sflag:s12], $0x2780  }
0x1a: {  	[sflag:s12] =	ssyncset.done $0x0  }
0x1b: {  	[sflag:s12] =	ssyncadd.s32 $0xFFFFD880  }
0x1c: {  	s8 =	sadd.s32 $0x0, s10;
	[bflag:$0x0] =	sbarrier.arrive $0xFFFF  }
0x1d: {  	[tilespmem:s13], [sflag:$0x3] =	stream.linear.gather [hbm4b:s8+s3], $0x400, $0x38;
	[tilespmem:$0x18400] =	vst v63  }
0x1e: {  	_ =	swait.ge [sflag:s12], $0x400  }
0x1f: {  	[sflag:s12] =	ssyncset.done $0x0  }
0x20: {  	s11 =	sadd.s32 $0x0, s9;
	[sflag:s12] =	ssyncadd.s32 $0xFFFFFC00  }
0x21: {  	[tilespmem:s14], [sflag:$0x3] =	stream.linear.gather [hbm4b:s11+s3], $0x400, $0x38;
	[tilespmem:$0x18400] =	vst v63  }
0x22: {  	_ =	swait.ge [sflag:s12], $0x400  }
0x23: {  	[sflag:s12] =	ssyncset.done $0x0  }
0x24: {  	[sflag:s12] =	ssyncadd.s32 $0xFFFFFC00  }
0x25: {  	[tilespmem:s16], [sflag:$0x1] =	stream.indirect.gather [hbm4b:s4+s15], $0x80, s13, s15, $0xb8;
	[tilespmem:$0x18400] =	vst v63  }
0x26: {  	_ =	swait.ge [sflag:s17], $0x4000  }
0x27: {  	[sflag:s17] =	ssyncset.done $0x0  }
0x28: {  	[sflag:s17] =	ssyncadd.s32 $0xFFFFC000  }
0x29: {  	[spmem:s2] =	stream.indirect.scatter.add.f32 [tilespmem:s16], [sflag:$0x2], $0x80, s14, s15, $0xb8;
	[tilespmem:$0x18400] =	vst v63  }
0x2a: {  	_ =	swait.ge [sflag:s18], $0x4000  }
0x2b: {  	[sflag:s18] =	ssyncset.done $0x0  }
0x2c: {  	[sflag:s18] =	ssyncadd.s32 $0xFFFFC000  }
0x2d: {  	[tilespmem:s16], [sflag:$0x1] =	stream.indirect.gather [hbm4b:s4+s15], $0x80, s19, s15, $0xb8;
	[tilespmem:$0x18400] =	vst v63  }
0x2e: {  	_ =	swait.ge [sflag:s17], $0x4000  }
0x2f: {  	[sflag:s17] =	ssyncset.done $0x0  }
0x30: {  	[sflag:s17] =	ssyncadd.s32 $0xFFFFC000  }
0x31: {  	[spmem:s2] =	stream.indirect.scatter.add.f32 [tilespmem:s16], [sflag:$0x2], $0x80, s20, s15, $0xb8;
	[tilespmem:$0x18400] =	vst v63  }
0x32: {  	_ =	swait.ge [sflag:s18], $0x4000  }
0x33: {  	[sflag:s18] =	ssyncset.done $0x0  }
0x34: {  	[sflag:s18] =	ssyncadd.s32 $0xFFFFC000  }
0x35: {  	[tilespmem:s16], [sflag:$0x1] =	stream.indirect.gather [hbm4b:s4+s15], $0x80, s21, s15, $0xb8;
	[tilespmem:$0x18400] =	vst v63  }
0x36: {  	_ =	swait.ge [sflag:s17], $0x4000  }
0x37: {  	[sflag:s17] =	ssyncset.done $0x0  }
0x38: {  	[sflag:s17] =	ssyncadd.s32 $0xFFFFC000  }
0x39: {  	[spmem:s2] =	stream.indirect.scatter.add.f32 [tilespmem:s16], [sflag:$0x2], $0x80, s22, s15, $0xb8;
	[tilespmem:$0x18400] =	vst v63  }
0x3a: {  	_ =	swait.ge [sflag:s18], $0x4000  }
0x3b: {  	[sflag:s18] =	ssyncset.done $0x0  }
0x3c: {  	[sflag:s18] =	ssyncadd.s32 $0xFFFFC000  }
0x3d: {  	[tilespmem:s16], [sflag:$0x1] =	stream.indirect.gather [hbm4b:s4+s15], $0x80, s23, s15, $0xb8;
	[tilespmem:$0x18400] =	vst v63  }
0x3e: {  	_ =	swait.ge [sflag:s17], $0x4000  }
0x3f: {  	[sflag:s17] =	ssyncset.done $0x0  }
0x40: {  	[sflag:s17] =	ssyncadd.s32 $0xFFFFC000  }
0x41: {  	[spmem:s2] =	stream.indirect.scatter.add.f32 [tilespmem:s16], [sflag:$0x2], $0x80, s24, s15, $0xb8;
	[tilespmem:$0x18400] =	vst v63  }
0x42: {  	_ =	swait.ge [sflag:s18], $0x4000  }
0x43: {  	[sflag:s18] =	ssyncset.done $0x0  }
0x44: {  	[sflag:s18] =	ssyncadd.s32 $0xFFFFC000  }
0x45: {  	[tilespmem:s16], [sflag:$0x1] =	stream.indirect.gather [hbm4b:s4+s15], $0x80, s25, s15, $0xb8;
	[tilespmem:$0x18400] =	vst v63  }
0x46: {  	_ =	swait.ge [sflag:s17], $0x4000  }
0x47: {  	[sflag:s17] =	ssyncset.done $0x0  }
0x48: {  	[sflag:s17] =	ssyncadd.s32 $0xFFFFC000  }
0x49: {  	[spmem:s2] =	stream.indirect.scatter.add.f32 [tilespmem:s16], [sflag:$0x2], $0x80, s26, s15, $0xb8;
	[tilespmem:$0x18400] =	vst v63  }
0x4a: {  	_ =	swait.ge [sflag:s18], $0x4000  }
0x4b: {  	[sflag:s18] =	ssyncset.done $0x0  }
0x4c: {  	[sflag:s18] =	ssyncadd.s32 $0xFFFFC000  }
0x4d: {  	[tilespmem:s16], [sflag:$0x1] =	stream.indirect.gather [hbm4b:s4+s15], $0x80, s28, s15, $0xb8;
	[tilespmem:$0x18400] =	vst v63  }
0x4e: {  	_ =	swait.ge [sflag:s17], $0x4000  }
0x4f: {  	[sflag:s17] =	ssyncset.done $0x0  }
0x50: {  	[sflag:s17] =	ssyncadd.s32 $0xFFFFC000  }
0x51: {  	[spmem:s2] =	stream.indirect.scatter.add.f32 [tilespmem:s16], [sflag:$0x2], $0x80, s29, s15, $0xb8;
	[tilespmem:$0x18400] =	vst v63  }
0x52: {  	_ =	swait.ge [sflag:s18], $0x4000  }
0x53: {  	[sflag:s18] =	ssyncset.done $0x0  }
0x54: {  	[sflag:s18] =	ssyncadd.s32 $0xFFFFC000  }
0x55: {  	[tilespmem:s16], [sflag:$0x1] =	stream.indirect.gather [hbm4b:s4+s15], $0x80, s30, s15, $0xb8;
	[tilespmem:$0x18400] =	vst v63  }
0x56: {  	_ =	swait.ge [sflag:s17], $0x4000  }
0x57: {  	[sflag:s17] =	ssyncset.done $0x0  }
0x58: {  	[sflag:s17] =	ssyncadd.s32 $0xFFFFC000  }
0x59: {  	[spmem:s2] =	stream.indirect.scatter.add.f32 [tilespmem:s16], [sflag:$0x2], $0x80, s31, s15, $0xb8;
	[tilespmem:$0x18400] =	vst v63  }
0x5a: {  	_ =	swait.ge [sflag:s18], $0x4000  }
0x5b: {  	[sflag:s18] =	ssyncset.done $0x0  }
0x5c: {  	[sflag:s18] =	ssyncadd.s32 $0xFFFFC000  }
0x5d: {  	[tilespmem:s16], [sflag:$0x1] =	stream.indirect.gather [hbm4b:s4+s15], $0x80, s0, s15, $0xb8;
	[tilespmem:$0x18400] =	vst v63  }
0x5e: {  	_ =	swait.ge [sflag:s17], $0x4000  }
0x5f: {  	[sflag:s17] =	ssyncset.done $0x0  }
0x60: {  	[sflag:s17] =	ssyncadd.s32 $0xFFFFC000  }
0x61: {  	[spmem:s2] =	stream.indirect.scatter.add.f32 [tilespmem:s16], [sflag:$0x2], $0x80, s1, s15, $0xb8;
	[tilespmem:$0x18400] =	vst v63  }
0x62: {  	_ =	swait.ge [sflag:s18], $0x4000  }
0x63: {  	s7 =	simm.s32 $0x80;
	s8 =	simm.s32 $0x100;
	[sflag:s18] =	ssyncset.done $0x0  }
.LBB2_2:
0x64: {  	s11 =	sadd.s32 s7, s10  }
0x65: {  	[sflag:s18] =	ssyncadd.s32 $0xFFFFC000;
	s5 =	smov.u32 s8;
	s6 =	sadd.s32 $0x80, s8  }
0x66: {  	[tilespmem:s13], [sflag:$0x3] =	stream.linear.gather [hbm4b:s11+s3], $0x400, $0x38;
	[tilespmem:$0x18400] =	vst v63  }
0x67: {  	p0 =	sne.s32 s8, $0x480;
	_ =	swait.ge [sflag:s12], $0x400  }
0x68: {  	[sflag:s12] =	ssyncset.done $0x0  }
0x69: {  	s8 =	sadd.s32 s7, s9;
	s7 =	smov.u32 s5;
	[sflag:s12] =	ssyncadd.s32 $0xFFFFFC00  }
0x6a: {  	[tilespmem:s14], [sflag:$0x3] =	stream.linear.gather [hbm4b:s8+s3], $0x400, $0x38;
	[tilespmem:$0x18400] =	vst v63  }
0x6b: {  	_ =	swait.ge [sflag:s12], $0x400  }
0x6c: {  	[sflag:s12] =	ssyncset.done $0x0  }
0x6d: {  	[sflag:s12] =	ssyncadd.s32 $0xFFFFFC00  }
0x6e: {  	[tilespmem:s16], [sflag:$0x1] =	stream.indirect.gather [hbm4b:s4+s15], $0x80, s13, s15, $0xb8;
	[tilespmem:$0x18400] =	vst v63  }
0x6f: {  	_ =	swait.ge [sflag:s17], $0x4000  }
0x70: {  	[sflag:s17] =	ssyncset.done $0x0  }
0x71: {  	[sflag:s17] =	ssyncadd.s32 $0xFFFFC000  }
0x72: {  	[spmem:s2] =	stream.indirect.scatter.add.f32 [tilespmem:s16], [sflag:$0x2], $0x80, s14, s15, $0xb8;
	[tilespmem:$0x18400] =	vst v63  }
0x73: {  	_ =	swait.ge [sflag:s18], $0x4000  }
0x74: {  	[sflag:s18] =	ssyncset.done $0x0  }
0x75: {  	[sflag:s18] =	ssyncadd.s32 $0xFFFFC000  }
0x76: {  	[tilespmem:s16], [sflag:$0x1] =	stream.indirect.gather [hbm4b:s4+s15], $0x80, s19, s15, $0xb8;
	[tilespmem:$0x18400] =	vst v63  }
0x77: {  	_ =	swait.ge [sflag:s17], $0x4000  }
0x78: {  	[sflag:s17] =	ssyncset.done $0x0  }
0x79: {  	[sflag:s17] =	ssyncadd.s32 $0xFFFFC000  }
0x7a: {  	[spmem:s2] =	stream.indirect.scatter.add.f32 [tilespmem:s16], [sflag:$0x2], $0x80, s20, s15, $0xb8;
	[tilespmem:$0x18400] =	vst v63  }
0x7b: {  	_ =	swait.ge [sflag:s18], $0x4000  }
0x7c: {  	[sflag:s18] =	ssyncset.done $0x0  }
0x7d: {  	[sflag:s18] =	ssyncadd.s32 $0xFFFFC000  }
0x7e: {  	[tilespmem:s16], [sflag:$0x1] =	stream.indirect.gather [hbm4b:s4+s15], $0x80, s21, s15, $0xb8;
	[tilespmem:$0x18400] =	vst v63  }
0x7f: {  	_ =	swait.ge [sflag:s17], $0x4000  }
0x80: {  	[sflag:s17] =	ssyncset.done $0x0  }
0x81: {  	[sflag:s17] =	ssyncadd.s32 $0xFFFFC000  }
0x82: {  	[spmem:s2] =	stream.indirect.scatter.add.f32 [tilespmem:s16], [sflag:$0x2], $0x80, s22, s15, $0xb8;
	[tilespmem:$0x18400] =	vst v63  }
0x83: {  	_ =	swait.ge [sflag:s18], $0x4000  }
0x84: {  	[sflag:s18] =	ssyncset.done $0x0  }
0x85: {  	[sflag:s18] =	ssyncadd.s32 $0xFFFFC000  }
0x86: {  	[tilespmem:s16], [sflag:$0x1] =	stream.indirect.gather [hbm4b:s4+s15], $0x80, s23, s15, $0xb8;
	[tilespmem:$0x18400] =	vst v63  }
0x87: {  	_ =	swait.ge [sflag:s17], $0x4000  }
0x88: {  	[sflag:s17] =	ssyncset.done $0x0  }
0x89: {  	[sflag:s17] =	ssyncadd.s32 $0xFFFFC000  }
0x8a: {  	[spmem:s2] =	stream.indirect.scatter.add.f32 [tilespmem:s16], [sflag:$0x2], $0x80, s24, s15, $0xb8;
	[tilespmem:$0x18400] =	vst v63  }
0x8b: {  	_ =	swait.ge [sflag:s18], $0x4000  }
0x8c: {  	[sflag:s18] =	ssyncset.done $0x0  }
0x8d: {  	[sflag:s18] =	ssyncadd.s32 $0xFFFFC000  }
0x8e: {  	[tilespmem:s16], [sflag:$0x1] =	stream.indirect.gather [hbm4b:s4+s15], $0x80, s25, s15, $0xb8;
	[tilespmem:$0x18400] =	vst v63  }
0x8f: {  	_ =	swait.ge [sflag:s17], $0x4000  }
0x90: {  	[sflag:s17] =	ssyncset.done $0x0  }
0x91: {  	[sflag:s17] =	ssyncadd.s32 $0xFFFFC000  }
0x92: {  	[spmem:s2] =	stream.indirect.scatter.add.f32 [tilespmem:s16], [sflag:$0x2], $0x80, s26, s15, $0xb8;
	[tilespmem:$0x18400] =	vst v63  }
0x93: {  	_ =	swait.ge [sflag:s18], $0x4000  }
0x94: {  	[sflag:s18] =	ssyncset.done $0x0  }
0x95: {  	[sflag:s18] =	ssyncadd.s32 $0xFFFFC000  }
0x96: {  	[tilespmem:s16], [sflag:$0x1] =	stream.indirect.gather [hbm4b:s4+s15], $0x80, s28, s15, $0xb8;
	[tilespmem:$0x18400] =	vst v63  }
0x97: {  	_ =	swait.ge [sflag:s17], $0x4000  }
0x98: {  	[sflag:s17] =	ssyncset.done $0x0  }
0x99: {  	[sflag:s17] =	ssyncadd.s32 $0xFFFFC000  }
0x9a: {  	[spmem:s2] =	stream.indirect.scatter.add.f32 [tilespmem:s16], [sflag:$0x2], $0x80, s29, s15, $0xb8;
	[tilespmem:$0x18400] =	vst v63  }
0x9b: {  	_ =	swait.ge [sflag:s18], $0x4000  }
0x9c: {  	[sflag:s18] =	ssyncset.done $0x0  }
0x9d: {  	[sflag:s18] =	ssyncadd.s32 $0xFFFFC000  }
0x9e: {  	[tilespmem:s16], [sflag:$0x1] =	stream.indirect.gather [hbm4b:s4+s15], $0x80, s30, s15, $0xb8;
	[tilespmem:$0x18400] =	vst v63  }
0x9f: {  	_ =	swait.ge [sflag:s17], $0x4000  }
0xa0: {  	[sflag:s17] =	ssyncset.done $0x0  }
0xa1: {  	[sflag:s17] =	ssyncadd.s32 $0xFFFFC000  }
0xa2: {  	[spmem:s2] =	stream.indirect.scatter.add.f32 [tilespmem:s16], [sflag:$0x2], $0x80, s31, s15, $0xb8;
	[tilespmem:$0x18400] =	vst v63  }
0xa3: {  	_ =	swait.ge [sflag:s18], $0x4000  }
0xa4: {  	[sflag:s18] =	ssyncset.done $0x0  }
0xa5: {  	[sflag:s18] =	ssyncadd.s32 $0xFFFFC000  }
0xa6: {  	[tilespmem:s16], [sflag:$0x1] =	stream.indirect.gather [hbm4b:s4+s15], $0x80, s0, s15, $0xb8;
	[tilespmem:$0x18400] =	vst v63  }
0xa7: {  	_ =	swait.ge [sflag:s17], $0x4000  }
.Ltmp0:
0xa8: {  	[sflag:s17] =	ssyncset.done $0x0;
	(pc) =	sbr.rel @p0 .LBB2_2-.Ltmp0, $4  }
0xa9: {  	[sflag:s17] =	ssyncadd.s32 $0xFFFFC000  }
0xaa: {  	[spmem:s2] =	stream.indirect.scatter.add.f32 [tilespmem:s16], [sflag:$0x2], $0x80, s1, s15, $0xb8;
	[tilespmem:$0x18400] =	vst v63  }
0xab: {  	_ =	swait.ge [sflag:s18], $0x4000  }
0xac: {  	s8 =	smov.u32 s6;
	[sflag:s18] =	ssyncset.done $0x0  }
0xad: {  	s5 =	sadd.s32 s7, s10;
	[sflag:s18] =	ssyncadd.s32 $0xFFFFC000  }
0xae: {  	[tilespmem:s13], [sflag:$0x3] =	stream.linear.gather [hbm4b:s5+s3], $0x400, $0x38;
	[tilespmem:$0x18400] =	vst v63  }
0xaf: {  	_ =	swait.ge [sflag:s12], $0x400  }
0xb0: {  	[sflag:s12] =	ssyncset.done $0x0  }
0xb1: {  	s7 =	sadd.s32 s7, s9;
	[sflag:s12] =	ssyncadd.s32 $0xFFFFFC00  }
0xb2: {  	[tilespmem:s14], [sflag:$0x3] =	stream.linear.gather [hbm4b:s7+s3], $0x400, $0x38;
	[tilespmem:$0x18400] =	vst v63  }
0xb3: {  	_ =	swait.ge [sflag:s12], $0x400  }
0xb4: {  	[sflag:s12] =	ssyncset.done $0x0  }
0xb5: {  	[sflag:s12] =	ssyncadd.s32 $0xFFFFFC00  }
0xb6: {  	[tilespmem:s16], [sflag:$0x1] =	stream.indirect.gather [hbm4b:s4+s15], $0x80, s13, s15, $0xb8;
	[tilespmem:$0x18400] =	vst v63  }
0xb7: {  	_ =	swait.ge [sflag:s17], $0x4000  }
0xb8: {  	[sflag:s17] =	ssyncset.done $0x0  }
0xb9: {  	[sflag:s17] =	ssyncadd.s32 $0xFFFFC000  }
0xba: {  	[spmem:s2] =	stream.indirect.scatter.add.f32 [tilespmem:s16], [sflag:$0x2], $0x80, s14, s15, $0xb8;
	[tilespmem:$0x18400] =	vst v63  }
0xbb: {  	_ =	swait.ge [sflag:s18], $0x4000  }
0xbc: {  	[sflag:s18] =	ssyncset.done $0x0  }
0xbd: {  	[sflag:s18] =	ssyncadd.s32 $0xFFFFC000  }
0xbe: {  	[tilespmem:s16], [sflag:$0x1] =	stream.indirect.gather [hbm4b:s4+s15], $0x80, s19, s15, $0xb8;
	[tilespmem:$0x18400] =	vst v63  }
0xbf: {  	_ =	swait.ge [sflag:s17], $0x4000  }
0xc0: {  	[sflag:s17] =	ssyncset.done $0x0  }
0xc1: {  	[sflag:s17] =	ssyncadd.s32 $0xFFFFC000  }
0xc2: {  	[spmem:s2] =	stream.indirect.scatter.add.f32 [tilespmem:s16], [sflag:$0x2], $0x80, s20, s15, $0xb8;
	[tilespmem:$0x18400] =	vst v63  }
0xc3: {  	_ =	swait.ge [sflag:s18], $0x4000  }
0xc4: {  	[sflag:s18] =	ssyncset.done $0x0  }
0xc5: {  	[sflag:s18] =	ssyncadd.s32 $0xFFFFC000  }
0xc6: {  	[tilespmem:s16], [sflag:$0x1] =	stream.indirect.gather [hbm4b:s4+s15], $0x80, s21, s15, $0xb8;
	[tilespmem:$0x18400] =	vst v63  }
0xc7: {  	_ =	swait.ge [sflag:s17], $0x4000  }
0xc8: {  	[sflag:s17] =	ssyncset.done $0x0  }
0xc9: {  	[sflag:s17] =	ssyncadd.s32 $0xFFFFC000  }
0xca: {  	[spmem:s2] =	stream.indirect.scatter.add.f32 [tilespmem:s16], [sflag:$0x2], $0x80, s22, s15, $0xb8;
	[tilespmem:$0x18400] =	vst v63  }
0xcb: {  	_ =	swait.ge [sflag:s18], $0x4000  }
0xcc: {  	[sflag:s18] =	ssyncset.done $0x0  }
0xcd: {  	[sflag:s18] =	ssyncadd.s32 $0xFFFFC000  }
0xce: {  	[tilespmem:s16], [sflag:$0x1] =	stream.indirect.gather [hbm4b:s4+s15], $0x80, s23, s15, $0xb8;
	[tilespmem:$0x18400] =	vst v63  }
0xcf: {  	_ =	swait.ge [sflag:s17], $0x4000  }
0xd0: {  	[sflag:s17] =	ssyncset.done $0x0  }
0xd1: {  	[sflag:s17] =	ssyncadd.s32 $0xFFFFC000  }
0xd2: {  	[spmem:s2] =	stream.indirect.scatter.add.f32 [tilespmem:s16], [sflag:$0x2], $0x80, s24, s15, $0xb8;
	[tilespmem:$0x18400] =	vst v63  }
0xd3: {  	_ =	swait.ge [sflag:s18], $0x4000  }
0xd4: {  	[sflag:s18] =	ssyncset.done $0x0  }
0xd5: {  	[sflag:s18] =	ssyncadd.s32 $0xFFFFC000  }
0xd6: {  	[tilespmem:s16], [sflag:$0x1] =	stream.indirect.gather [hbm4b:s4+s15], $0x80, s25, s15, $0xb8;
	[tilespmem:$0x18400] =	vst v63  }
0xd7: {  	_ =	swait.ge [sflag:s17], $0x4000  }
0xd8: {  	[sflag:s17] =	ssyncset.done $0x0  }
0xd9: {  	[sflag:s17] =	ssyncadd.s32 $0xFFFFC000  }
0xda: {  	[spmem:s2] =	stream.indirect.scatter.add.f32 [tilespmem:s16], [sflag:$0x2], $0x80, s26, s15, $0xb8;
	[tilespmem:$0x18400] =	vst v63  }
0xdb: {  	_ =	swait.ge [sflag:s18], $0x4000  }
0xdc: {  	[sflag:s18] =	ssyncset.done $0x0  }
0xdd: {  	[sflag:s18] =	ssyncadd.s32 $0xFFFFC000  }
0xde: {  	[tilespmem:s16], [sflag:$0x1] =	stream.indirect.gather [hbm4b:s4+s15], $0x80, s28, s15, $0xb8;
	[tilespmem:$0x18400] =	vst v63  }
0xdf: {  	_ =	swait.ge [sflag:s17], $0x4000  }
0xe0: {  	[sflag:s17] =	ssyncset.done $0x0  }
0xe1: {  	[sflag:s17] =	ssyncadd.s32 $0xFFFFC000  }
0xe2: {  	[spmem:s2] =	stream.indirect.scatter.add.f32 [tilespmem:s16], [sflag:$0x2], $0x80, s29, s15, $0xb8;
	[tilespmem:$0x18400] =	vst v63  }
0xe3: {  	_ =	swait.ge [sflag:s18], $0x4000  }
0xe4: {  	[sflag:s18] =	ssyncset.done $0x0  }
0xe5: {  	[sflag:s18] =	ssyncadd.s32 $0xFFFFC000  }
0xe6: {  	[tilespmem:s16], [sflag:$0x1] =	stream.indirect.gather [hbm4b:s4+s15], $0x80, s30, s15, $0xb8;
	[tilespmem:$0x18400] =	vst v63  }
0xe7: {  	_ =	swait.ge [sflag:s17], $0x4000  }
0xe8: {  	[sflag:s17] =	ssyncset.done $0x0  }
0xe9: {  	[sflag:s17] =	ssyncadd.s32 $0xFFFFC000  }
0xea: {  	[spmem:s2] =	stream.indirect.scatter.add.f32 [tilespmem:s16], [sflag:$0x2], $0x80, s31, s15, $0xb8;
	[tilespmem:$0x18400] =	vst v63  }
0xeb: {  	_ =	swait.ge [sflag:s18], $0x4000  }
0xec: {  	[sflag:s18] =	ssyncset.done $0x0  }
0xed: {  	[sflag:s18] =	ssyncadd.s32 $0xFFFFC000  }
0xee: {  	[tilespmem:s16], [sflag:$0x1] =	stream.indirect.gather [hbm4b:s4+s15], $0x80, s0, s15, $0xb8;
	[tilespmem:$0x18400] =	vst v63  }
0xef: {  	_ =	swait.ge [sflag:s17], $0x4000  }
0xf0: {  	[sflag:s17] =	ssyncset.done $0x0  }
0xf1: {  	[sflag:s17] =	ssyncadd.s32 $0xFFFFC000  }
0xf2: {  	[spmem:s2] =	stream.indirect.scatter.add.f32 [tilespmem:s16], [sflag:$0x2], $0x80, s1, s15, $0xb8;
	[tilespmem:$0x18400] =	vst v63  }
0xf3: {  	_ =	swait.ge [sflag:s18], $0x4000  }
0xf4: {  	[sflag:s18] =	ssyncset.done $0x0  }
0xf5: {  	[sflag:s18] =	ssyncadd.s32 $0xFFFFC000  }
0xf6: {  	[bflag:$0x0] =	sbarrier.arrive $0xFFFF  }
0xf7: {  	s6 =	rddreg [dreg:$0x4]  }
0xf8: {  	s8 =	rddreg [dreg:$0x5]  }
0xf9: {  	s7 =	rddreg [dreg:$0x7]  }
0xfa: {  	[hbm:s8], [sflag:s6] =	dma.local [spmem:s7], $0x2780  }
0xfb: {  	_ =	swait.ge [sflag:s12], $0x2780  }
0xfc: {  	s8 =	rddreg [dreg:$0x8]  }
0xfd: {  	s11 =	rddreg [dreg:$0x6];
	s8 =	sadd.s32 $0x1, s8  }
0xfe: {  	p0 =	sne.s32 s8, s11  }
.Ltmp1:
0xff: {  	_ = 	snop;
	(pc) =	sbr.rel @p0 .LBB2_1-.Ltmp1, $3  }
0x100: {  	_ =	sdelay $0x1  }
0x101: {  	[sflag:s12] =	ssyncset.done $0x0  }
0x102: {  	[sflag:s12] =	ssyncadd.s32 $0xFFFFD880  }
0x103: {  	_ =	sfence.sel $0x180000  }
0x104: {  	[bflag:$0x0] =	sbarrier.arrive $0xFFFF  }
0x105: {  	_ =	strace $0x9000004A  }
0x106: {  	s0 =	stileid.u32;
	[bflag:$0x2] =	sbarrier.arrive $0xFFFF  }
0x107: {  	p0 =	sne.s32 s0, $0x0;
	s0 =	rddreg [dreg:$0x2]  }
0x108: {  	s0 =	sadd.s32 @!p0 $0x100000, s0  }
0x109: {  	[sflag:s0] =	ssyncadd.tile.s32 @!p0 $0x1;
	_ =	shalt  }
.Lfunc_end2:
_tile_overlayer_lowered:
.L_overlay_start_2:
0x10a: {  	(tag) =	ssettag $0x2  }
0x10b: {  	s0 =	rddreg [dreg:$0x0];
	s2 =	stileid.u32  }
0x10c: {  	s1 =	rddreg [dreg:$0x1];
	p0 =	sne.s32 s2, $0x0  }
0x10d: {  	s3 =	rddreg [dreg:$0x2];
	[bflag:$0x3] =	sbarrier.arrive $0xFFFF;
	s2 =	simm.s32 @!p0 $0x1C03  }
0x10e: {  	[timem:s3], [sflag:s2] =	dma.local @!p0 [hbm:s0], s1  }
0x10f: {  	s0 =	simm.s32 @!p0 $0x3  }
0x110: {  	_ =	swait.ge @!p0 [sflag:s0], s1  }
0x111: {  	s1 =	ssub.s32 @!p0 $0x0, s1;
	[sflag:s0] =	ssyncset.done @!p0 $0x0  }
0x112: {  	[sflag:s0] =	ssyncadd.s32 @!p0 s1  }
0x113: {  	[bflag:$0x3] =	sbarrier.arrive $0xFFFF  }
0x114: {  	_ =	shalt  }

// kernel: sc_seg_sum_cnt.3.cloned.1.call-start
scs
__scs_entry_jumppad:
0x0: {  	(pc) =	sbr.rel $0x88, $3  }
0x1: {  	(tag) =	ssettag $0x0;
	lr =	simm.s32 $0x1  }
0x2: {  	[smem:$0x3F98] =	sst lr;
	_ =	strace $0xD0000000  }
0x3: {  	_ = 	snop  }
0x4: {  	_ = 	snop  }
0x5: {  	_ = 	snop  }
0x6: {  	_ = 	snop  }
0x7: {  	_ = 	snop  }
__scs_overlays_trampoline_lowered:
0x8: {  	[smem:$0x3FA7] =	sst s0  }
0x9: {  	[smem:$0x3FA8] =	sst s1  }
0xa: {  	[smem:$0x3FA9] =	sst s2  }
0xb: {  	[smem:$0x3FAA] =	sst s3  }
0xc: {  	[smem:$0x3FAB] =	sst s4  }
0xd: {  	[smem:$0x3FAC] =	sst s5  }
0xe: {  	[smem:$0x3FAD] =	sst s6  }
0xf: {  	[smem:$0x3FAE] =	sst s7  }
0x10: {  	[smem:$0x3FAF] =	sst s8  }
0x11: {  	[smem:$0x3FB0] =	sst s9;
	s0 =	simm.s32 @!p0 $0x0  }
0x12: {  	s1 =	sld [smem:$0x3F96];
	s0 =	simm.s32 @p0 $0x1  }
0x13: {  	[smem:$0x3FB1] =	sst s0;
	s0 =	simm.s32 @!p1 $0x0  }
0x14: {  	s2 =	sld [smem:$0x3F95];
	s0 =	simm.s32 @p1 $0x1  }
0x15: {  	[smem:$0x3FB2] =	sst s0;
	s0 =	simm.s32 @!p2 $0x0  }
0x16: {  	s3 =	sld [smem:$0x3FDB];
	s0 =	simm.s32 @p2 $0x1  }
0x17: {  	s4 =	simm.s32 $0x1BF5;
	[smem:$0x3FB4] =	sst s0  }
0x18: {  	s0 =	sld [smem:$0x3F97];
	_ =	swait.ge [sflag:s4], $0x0  }
0x19: {  	s7 =	sld [smem:$0x3F98]  }
0x1a: {  	s8 =	sadd.s32 $0xFFFFE003, lr  }
0x1b: {  	s9 =	sadd.s32 $0xFFFFFEF7, lr;
	s5 =	simm.s32 $0xFFFFFFFF;
	p2 =	slt.u32 s8, $0xFFFFF086  }
0x1c: {  	p1 =	slt.u32 s9, $0xF7A;
	s5 =	simm.s32 @!p2 $0x0  }
0x1d: {  	s5 =	simm.s32 @p1 $0x1;
	p0 =	seq.s32 s7, s2  }
0x1e: {  	s7 =	smul.u32 @!p0 $0xF7A, s2;
	p2 =	seq.s32 @!p0 s5, $0x0  }
0x1f: {  	s9 =	smul.u32 $0xF7A, s1;
	s8 =	simm.s32 @!p0 $0x1BF5;
	p2 =	por !p2, p0  }
0x20: {  	[sflag:s8] =	ssyncset.s32 @!p0 $0xFFFFF086;
	s6 =	sadd.s32 @!p0 s3, s7;
	s7 =	simm.s32 @!p0 $0x108  }
0x21: {  	s3 =	sadd.s32 s3, s9;
	s6 =	sadd.s32 @!p0 $0x88, s6;
	s7 =	simm.s32 @p2 $0x1082  }
0x22: {  	[simem:s7], [sflag:s8] =	dma.local @!p0 [hbm:s6], $0xF7A  }
0x23: {  	s9 =	sor.u32 $0xD0000000, s2;
	s6 =	simm.s32 $0x108;
	_ =	swait.ge @!p0 [sflag:s8], $0x0  }
0x24: {  	s3 =	sadd.s32 $0x88, s3;
	s6 =	simm.s32 @!p1 $0x1082;
	[sflag:s4] =	ssyncset.s32 $0xFFFFF086  }
0x25: {  	[simem:s6], [sflag:s4] =	dma.local [hbm:s3], $0xF7A  }
0x26: {  	[smem:$0x3F98] =	sst s1;
	(tag) =	ssettag s2;
	_ =	strace s9  }
0x27: {  	s1 =	sld [smem:$0x3FA8]  }
0x28: {  	s2 =	sld [smem:$0x3FA9]  }
0x29: {  	s4 =	sld [smem:$0x3FAB]  }
0x2a: {  	p0 =	seq.s32 s5, $0x0;
	s5 =	sld [smem:$0x3FAC]  }
0x2b: {  	s6 =	sld [smem:$0x3FAD]  }
0x2c: {  	s7 =	sld [smem:$0x3FAE]  }
0x2d: {  	s3 =	simm.s32 $0x108;
	s8 =	sld [smem:$0x3FAF]  }
0x2e: {  	s3 =	simm.s32 @!p0 $0x1082;
	s9 =	sld [smem:$0x3FB0]  }
0x2f: {  	lr =	sadd.s32 s0, s3;
	s0 =	sld [smem:$0x3FA7]  }
0x30: {  	s3 =	sld [smem:$0x3FAA]  }
0x31: {  	[smem:$0x3FB3] =	sst s10  }
0x32: {  	s10 =	sld [smem:$0x3FB1];
	_ =	sdelay $0x3  }
0x33: {  	p0 =	seq.s32 s10, $0x1;
	s10 =	sld [smem:$0x3FB3];
	_ =	sdelay $0x3  }
0x34: {  	[smem:$0x3FB3] =	sst s10  }
0x35: {  	s10 =	sld [smem:$0x3FB2];
	_ =	sdelay $0x3  }
0x36: {  	p1 =	seq.s32 s10, $0x1;
	s10 =	sld [smem:$0x3FB3];
	_ =	sdelay $0x3  }
0x37: {  	[smem:$0x3FB3] =	sst s10  }
0x38: {  	s10 =	sld [smem:$0x3FB4]  }
0x39: {  	_ = 	snop;
	(pc) =	sbr.ind lr, $3  }
0x3a: {  	_ = 	snop  }
0x3b: {  	_ = 	snop  }
0x3c: {  	p2 =	seq.s32 s10, $0x1;
	s10 =	sld [smem:$0x3FB3]  }
0x3d: {  	_ =	shalt  }
0x3e: {  	_ =	shalt  }
0x3f: {  	_ =	shalt  }
0x40: {  	_ =	shalt  }
0x41: {  	_ =	shalt  }
0x42: {  	_ =	shalt  }
0x43: {  	_ =	shalt  }
0x44: {  	_ =	shalt  }
0x45: {  	_ =	shalt  }
0x46: {  	_ =	shalt  }
0x47: {  	_ =	shalt  }
0x48: {  	_ =	shalt  }
0x49: {  	_ =	shalt  }
0x4a: {  	_ =	shalt  }
0x4b: {  	_ =	shalt  }
0x4c: {  	_ =	shalt  }
0x4d: {  	_ =	shalt  }
0x4e: {  	_ =	shalt  }
0x4f: {  	_ =	shalt  }
0x50: {  	_ =	shalt  }
0x51: {  	_ =	shalt  }
0x52: {  	_ =	shalt  }
0x53: {  	_ =	shalt  }
0x54: {  	_ =	shalt  }
0x55: {  	_ =	shalt  }
0x56: {  	_ =	shalt  }
0x57: {  	_ =	shalt  }
0x58: {  	_ =	shalt  }
0x59: {  	_ =	shalt  }
0x5a: {  	_ =	shalt  }
0x5b: {  	_ =	shalt  }
0x5c: {  	_ =	shalt  }
0x5d: {  	_ =	shalt  }
0x5e: {  	_ =	shalt  }
0x5f: {  	_ =	shalt  }
0x60: {  	_ =	shalt  }
0x61: {  	_ =	shalt  }
0x62: {  	_ =	shalt  }
0x63: {  	_ =	shalt  }
0x64: {  	_ =	shalt  }
0x65: {  	_ =	shalt  }
0x66: {  	_ =	shalt  }
0x67: {  	_ =	shalt  }
0x68: {  	_ =	shalt  }
0x69: {  	_ =	shalt  }
0x6a: {  	_ =	shalt  }
0x6b: {  	_ =	shalt  }
0x6c: {  	_ =	shalt  }
0x6d: {  	_ =	shalt  }
0x6e: {  	_ =	shalt  }
0x6f: {  	_ =	shalt  }
0x70: {  	_ =	shalt  }
0x71: {  	_ =	shalt  }
0x72: {  	_ =	shalt  }
0x73: {  	_ =	shalt  }
0x74: {  	_ =	shalt  }
0x75: {  	_ =	shalt  }
0x76: {  	_ =	shalt  }
0x77: {  	_ =	shalt  }
0x78: {  	_ =	shalt  }
0x79: {  	_ =	shalt  }
0x7a: {  	_ =	shalt  }
0x7b: {  	_ =	shalt  }
0x7c: {  	_ =	shalt  }
0x7d: {  	_ =	shalt  }
0x7e: {  	_ =	shalt  }
0x7f: {  	_ =	shalt  }
0x80: {  	_ =	shalt  }
0x81: {  	_ =	shalt  }
0x82: {  	_ =	shalt  }
0x83: {  	_ =	shalt  }
0x84: {  	_ =	shalt  }
0x85: {  	_ =	shalt  }
0x86: {  	_ =	shalt  }
0x87: {  	_ =	shalt  }
.Lfunc_end0:
.L_simem_size_0:
called_computation_lowered:
.L_overlay_start_0:
0x88: {  	s2 =	sld [smem:$0x3FD9]  }
0x89: {  	s3 =	sld [smem:$0x3FFE];
	_ =	sdelay $0x1  }
0x8a: {  	s1 =	srdreg.scid  }
0x8b: {  	s0 =	sand.u32 $0x1, s1  }
0x8c: {  	s16 =	sshll.u32 s0, $0xA;
	s2 =	sadd.s32 s3, s2  }
0x8d: {  	s2 =	sadd.s32 s2, s16  }
0x8e: {  	[smem:$0x3FBF] =	sst s2  }
0x8f: {  	_ = 	snop  }
0x90: {  	(tm) =	ssettm $0x1  }
0x91: {  	s17 =	sld [smem:$0x3FFB];
	_ =	sdelay $0x3  }
0x92: {  	_ =	strace s17  }
0x93: {  	s2 =	sld [smem:$0x3FFC];
	_ =	sdelay $0x3  }
0x94: {  	_ =	strace s2  }
0x95: {  	s2 =	sld [smem:$0x3FFD];
	_ =	sdelay $0x3  }
0x96: {  	_ =	strace s2  }
0x97: {  	_ =	strace $0x8FFFFFFF  }
0x98: {  	s18 =	sld [smem:$0x3FDB];
	_ =	sdelay $0x1  }
0x99: {  	s19 =	simm.s32 $_scs_section_size  }
0x9a: {  	s4 =	simm.s32 $_size__tile_overlayer_lowered;
	s5 =	simm.s32 $_tile_overlayer_lowered  }
0x9b: {  	s22 =	simm.s32 $0x1BFF;
	s21 =	sshll.u32 s5, $0x1;
	s2 =	sadd.s32 s19, s18  }
0x9c: {  	s6 =	simm.s32 $0x0;
	s20 =	sshll.u32 s4, $0x1;
	s4 =	sadd.s32 s21, s2  }
0x9d: {  	[timem:s6], [sflag:s22] =	dma.local [hbm:s4], s20  }
0x9e: {  	_ =	swait.ge [sflag:s22], s20  }
0x9f: {  	s3 =	ssub.s32 $0x0, s20;
	[sflag:s22] =	ssyncset.done $0x0  }
0xa0: {  	[sflag:s22] =	ssyncadd.s32 s3;
	_ =	sdelay $0x1  }
0xa1: {  	s23 =	simm.s32 $0x1B8B  }
0xa2: {  	_ =	swait.ge [sflag:s23], $0x1  }
0xa3: {  	[sflag:s23] =	ssyncset.done $0x0  }
0xa4: {  	s25 =	simm.s32 $0x1B8E;
	s24 =	sld [smem:$0x3FFE];
	[sflag:s23] =	ssyncadd.s32 $0xFFFFFFFF  }
0xa5: {  	s26 =	simm.s32 $execute0_lowered;
	[smem:$0x3FD2] =	sst s25  }
0xa6: {  	s4 =	sshll.u32 s26, $0x1;
	_ =	strace $0x80000046;
	[dreg:$0x1] =	wrdreg $0xFFFFFFFF  }
0xa7: {  	s28 =	simm.s32 $_size_execute0_lowered;
	s2 =	sadd.s32 s2, s4;
	[dreg:$0x0] =	wrdreg $0x0  }
0xa8: {  	s4 =	sshll.u32 s28, $0x1;
	[dreg:$0x2] =	wrdreg s2  }
0xa9: {  	[dreg:$0x3] =	wrdreg s4  }
0xaa: {  	[dreg:$0x4] =	wrdreg $0xC0  }
0xab: {  	_ =	task [dreg:s6], $0x5FFFF  }
0xac: {  	[dreg:$0x1] =	wrdreg $0xFFFFFFFF  }
0xad: {  	[dreg:$0x0] =	wrdreg $0x60  }
0xae: {  	[dreg:$0x2] =	wrdreg s24  }
0xaf: {  	[dreg:$0x3] =	wrdreg $0x0  }
0xb0: {  	[dreg:$0x4] =	wrdreg $0x9  }
0xb1: {  	_ =	task.clear_ibuf [dreg:s6], $0x5FFFF;
	_ =	strace $0x90000046  }
0xb2: {  	s29 =	simm.s32 $0x9;
	_ =	strace $0x80000048  }
0xb3: {  	_ =	swait.ge [sflag:s29], $0x1  }
0xb4: {  	[sflag:s29] =	ssyncadd.s32 $0xFFFFFFFF  }
0xb5: {  	_ =	strace $0x90000048  }
0xb6: {  	_ =	sfence  }
0xb7: {  	s30 =	sld [smem:$0x0];
	_ =	sdelay $0x2  }
0xb8: {  	s31 =	sshll.u32 s1, $0xD;
	s1 =	sshrl.u32 s1, $0x2  }
0xb9: {  	s3 =	sand.u32 $0x4000, s31;
	s1 =	sadd.s32 s1, s30  }
0xba: {  	s0 =	sor.u32 s3, s0;
	s1 =	sshll.u32 s1, $0x11  }
0xbb: {  	s0 =	sor.u32 s1, s0  }
0xbc: {  	s0 =	sadd.s32 $0x8F2B, s0  }
0xbd: {  	[sflag:s0] =	ssyncadd.remote.s32 $0x1  }
0xbe: {  	_ =	sfence.sel $0xFFFF  }
0xbf: {  	[dreg:$0x0] =	wrdreg $0xFFFFFFFF;
	(pc) =	sbr.abs _section_cstart, $3  }
0xc0: {  	[dreg:$0x1] =	wrdreg $0xFFFFFFFF  }
0xc1: {  	_ =	task.clear_ibuf [dreg:s6], $0x2FFFF;
	_ =	strace $0x9FFFFFFF  }
0xc2: {  	(tm) =	ssettm $0x7FFFFFFF  }
0xc3: {  	_ =	shalt  }
tec
execute0_lowered:
.L_overlay_start_1:
0x0: {  	(tag) =	ssettag $0x1  }
0x1: {  	s0 =	rddreg [dreg:$0x0]  }
0x2: {  	s1 =	rddreg [dreg:$0x1];
	s2 =	srdreg.scid;
	s3 =	simm.s32 $0x0  }
0x3: {  	s11 =	stileid.u32;
	s12 =	simm.s32 $0x3;
	s13 =	simm.s32 $0x13C00  }
0x4: {  	s14 =	simm.s32 $0x14000;
	s15 =	simm.s32 $0x80;
	s16 =	simm.s32 $0x14400  }
0x5: {  	s17 =	simm.s32 $0x1;
	s28 =	simm.s32 $0x14200;
	s29 =	simm.s32 $0x13E80  }
0x6: {  	s30 =	simm.s32 $0x14280;
	s31 =	simm.s32 $0x13F00;
	s6 =	smul.u32 $0x13C00, s11  }
0x7: {  	s2 =	sand.u32 $0x1, s2;
	[smem:$0x7FF] =	sst s3;
	s20 =	smul.u32 $0x4F000, s11  }
0x8: {  	s4 =	sadd.s32 $0x15C00, s0;
	s23 =	smul.u32 $0x500, s11;
	s24 =	sshll.u32 s11, $0x6  }
0x9: {  	s5 =	smul.u32 $0x5000, s2;
	_ =	strace $0x80000047;
	s8 =	sshll.u32 s2, $0x4  }
0xa: {  	s7 =	smul.u32 $0x13C000, s2;
	s2 =	ssub.s32 $0x2, s2;
	s8 =	sor.u32 s11, s8  }
0xb: {  	s9 =	sshrl.u32 s6, $0x3;
	s21 =	sshrl.u32 s2, $0x1;
	s22 =	sshrl.u32 s20, $0x2  }
0xc: {  	s20 =	simm.s32 $0x13C80;
	s5 =	sadd.s32 s5, s0;
	s6 =	sadd.s32 s6, s7  }
0xd: {  	s18 =	smul.u32 $0x500, s8;
	s19 =	sadd.s32 s9, s0;
	s2 =	ssub.s32 s2, s21  }
0xe: {  	s7 =	sadd.s32 s22, s1;
	s21 =	simm.s32 $0x14080;
	s22 =	simm.s32 $0x13D00  }
0xf: {  	s6 =	sshrl.u32 s6, $0x3;
	s8 =	sadd.s32 $0x3D400, s19;
	s5 =	sadd.s32 s23, s5  }
0x10: {  	s2 =	smax.u32 s2, $0x1;
	s11 =	sshrl.u32 s7, $0x3;
	s19 =	simm.s32 $0x18400  }
0x11: {  	s23 =	simm.s32 $0x14100;
	s7 =	simm.s32 $0x0;
	s10 =	sadd.s32 s6, s0  }
0x12: {  	s0 =	sadd.s32 s18, s0;
	[dreg:$0x4] =	wrdreg s8;
	s6 =	sor.u32 $0x1C03, s24  }
0x13: {  	s26 =	sadd.s32 $0x1C00, s5;
	[dreg:$0x7] =	wrdreg s2;
	s18 =	simm.s32 $0x2  }
0x14: {  	s24 =	simm.s32 $0x13D80;
	s2 =	simm.s32 $0x13F80;
	s25 =	sadd.s32 $0x64C00, s10  }
0x15: {  	s0 =	sadd.s32 $0xB3C00, s0;
	[dreg:$0x3] =	wrdreg s26;
	s10 =	sadd.s32 $0xBC00, s5  }
0x16: {  	s26 =	simm.s32 $0x13E00;
	s5 =	simm.s32 $0x14380;
	[dreg:$0x5] =	wrdreg s25  }
0x17: {  	v0 =	vimm.f32 $0.0e+00;
	v1 =	vimm.f32 $1.000000000e+00;
	[dreg:$0x6] =	wrdreg s0;
	s25 =	simm.s32 $0x14180;
	s0 =	simm.s32 $0x14300  }
.LBB2_1:
0x18: {  	s8 =	rddreg [dreg:$0x4]  }
0x19: {  	[spmem:s11], [sflag:s6] =	dma.local [hbm:s8], $0x2780  }
0x1a: {  	_ =	swait.ge [sflag:s12], $0x2780  }
0x1b: {  	[sflag:s12] =	ssyncset.done $0x0  }
0x1c: {  	s9 =	simm.s32 $0x200;
	s8 =	simm.s32 $0x0;
	[sflag:s12] =	ssyncadd.s32 $0xFFFFD880  }
.LBB2_2:
0x1d: {  	p0 =	sne.s32 s9, $0x9C00;
	[tilespmem:s8+$0x18470] =	vst v0  }
0x1e: {  	[tilespmem:s8+$0x18400] =	vst v0  }
0x1f: {  	[tilespmem:s8+$0x18410] =	vst v0  }
.Ltmp0:
0x20: {  	[tilespmem:s8+$0x18420] =	vst v0;
	(pc) =	sbr.rel @p0 .LBB2_2-.Ltmp0, $4  }
0x21: {  	[tilespmem:s8+$0x18430] =	vst v0  }
0x22: {  	[tilespmem:s8+$0x18440] =	vst v0  }
0x23: {  	[tilespmem:s8+$0x18450] =	vst v0  }
0x24: {  	[tilespmem:s8+$0x18460] =	vst v0;
	s8 =	sshra.s32 s9, $0x2;
	s9 =	sadd.s32 $0x200, s9  }
0x25: {  	[tilespmem:s8+$0x18470] =	vst v0  }
0x26: {  	[tilespmem:s8+$0x18400] =	vst v0  }
0x27: {  	[tilespmem:s8+$0x18410] =	vst v0  }
0x28: {  	[tilespmem:s8+$0x18420] =	vst v0  }
0x29: {  	[tilespmem:s8+$0x18430] =	vst v0  }
0x2a: {  	[tilespmem:s8+$0x18440] =	vst v0  }
0x2b: {  	[tilespmem:s8+$0x18450] =	vst v0  }
0x2c: {  	[tilespmem:s8+$0x18460] =	vst v0  }
0x2d: {  	s8 =	simm.s32 $0x0;
	[bflag:$0x0] =	sbarrier.arrive $0xFFFF  }
.LBB2_4:
0x2e: {  	s9 =	sadd.s32 s8, s10  }
0x2f: {  	[tilespmem:s13], [sflag:$0x3] =	stream.linear.gather [hbm4b:s9+s3], $0x400, $0x38;
	[tilespmem:$0x1AC00] =	vst v63  }
0x30: {  	_ =	swait.ge [sflag:s12], $0x400  }
0x31: {  	s9 =	rddreg [dreg:$0x3];
	[sflag:s12] =	ssyncset.done $0x0  }
0x32: {  	[sflag:s12] =	ssyncadd.s32 $0xFFFFFC00;
	s9 =	sadd.s32 s8, s9  }
0x33: {  	[tilespmem:s14], [sflag:$0x3] =	stream.linear.gather [hbm4b:s9+s3], $0x400, $0x38;
	[tilespmem:$0x1AC00] =	vst v63  }
0x34: {  	_ =	swait.ge [sflag:s12], $0x400  }
0x35: {  	[sflag:s12] =	ssyncset.done $0x0  }
0x36: {  	[sflag:s12] =	ssyncadd.s32 $0xFFFFFC00  }
0x37: {  	[tilespmem:s16], [sflag:$0x1] =	stream.indirect.gather [hbm4b:s4+s15], $0x80, s13, s15, $0xb8;
	[tilespmem:$0x1AC00] =	vst v63  }
0x38: {  	_ =	swait.ge [sflag:s17], $0x4000  }
0x39: {  	[sflag:s17] =	ssyncset.done $0x0  }
0x3a: {  	[sflag:s17] =	ssyncadd.s32 $0xFFFFC000  }
0x3b: {  	[spmem:s1] =	stream.indirect.scatter.add.f32 [tilespmem:s16], [sflag:$0x2], $0x80, s14, s15, $0xb8;
	[tilespmem:$0x1AC00] =	vst v63  }
0x3c: {  	_ =	swait.ge [sflag:s18], $0x4000  }
0x3d: {  	[sflag:s18] =	ssyncset.done $0x0  }
0x3e: {  	[sflag:s18] =	ssyncadd.s32 $0xFFFFC000  }
0x3f: {  	v2 =	vld [tilespmem:$0x14000];
	_ =	sdelay $0x7  }
0x40: {  	[tilespmem:v2+s19+$0x0] =	vst.idx.add.f32.msk $0xffff, v1  }
0x41: {  	v2 =	vld [tilespmem:$0x14010];
	_ =	sdelay $0x7  }
0x42: {  	[tilespmem:v2+s19+$0x0] =	vst.idx.add.f32.msk $0xffff, v1  }
0x43: {  	v2 =	vld [tilespmem:$0x14020];
	_ =	sdelay $0x7  }
0x44: {  	[tilespmem:v2+s19+$0x0] =	vst.idx.add.f32.msk $0xffff, v1  }
0x45: {  	v2 =	vld [tilespmem:$0x14030];
	_ =	sdelay $0x7  }
0x46: {  	[tilespmem:v2+s19+$0x0] =	vst.idx.add.f32.msk $0xffff, v1  }
0x47: {  	v2 =	vld [tilespmem:$0x14040];
	_ =	sdelay $0x7  }
0x48: {  	[tilespmem:v2+s19+$0x0] =	vst.idx.add.f32.msk $0xffff, v1  }
0x49: {  	v2 =	vld [tilespmem:$0x14050];
	_ =	sdelay $0x7  }
0x4a: {  	[tilespmem:v2+s19+$0x0] =	vst.idx.add.f32.msk $0xffff, v1  }
0x4b: {  	v2 =	vld [tilespmem:$0x14060];
	_ =	sdelay $0x7  }
0x4c: {  	[tilespmem:v2+s19+$0x0] =	vst.idx.add.f32.msk $0xffff, v1  }
0x4d: {  	v2 =	vld [tilespmem:$0x14070];
	_ =	sdelay $0x7  }
0x4e: {  	[tilespmem:v2+s19+$0x0] =	vst.idx.add.f32.msk $0xffff, v1  }
0x4f: {  	[tilespmem:s16], [sflag:$0x1] =	stream.indirect.gather [hbm4b:s4+s15], $0x80, s20, s15, $0xb8;
	[tilespmem:$0x1AC00] =	vst v63  }
0x50: {  	_ =	swait.ge [sflag:s17], $0x4000  }
0x51: {  	[sflag:s17] =	ssyncset.done $0x0  }
0x52: {  	[sflag:s17] =	ssyncadd.s32 $0xFFFFC000  }
0x53: {  	[spmem:s1] =	stream.indirect.scatter.add.f32 [tilespmem:s16], [sflag:$0x2], $0x80, s21, s15, $0xb8;
	[tilespmem:$0x1AC00] =	vst v63  }
0x54: {  	_ =	swait.ge [sflag:s18], $0x4000  }
0x55: {  	[sflag:s18] =	ssyncset.done $0x0  }
0x56: {  	[sflag:s18] =	ssyncadd.s32 $0xFFFFC000  }
0x57: {  	v2 =	vld [tilespmem:$0x14080];
	_ =	sdelay $0x7  }
0x58: {  	[tilespmem:v2+s19+$0x0] =	vst.idx.add.f32.msk $0xffff, v1  }
0x59: {  	v2 =	vld [tilespmem:$0x14090];
	_ =	sdelay $0x7  }
0x5a: {  	[tilespmem:v2+s19+$0x0] =	vst.idx.add.f32.msk $0xffff, v1  }
0x5b: {  	v2 =	vld [tilespmem:$0x140A0];
	_ =	sdelay $0x7  }
0x5c: {  	[tilespmem:v2+s19+$0x0] =	vst.idx.add.f32.msk $0xffff, v1  }
0x5d: {  	v2 =	vld [tilespmem:$0x140B0];
	_ =	sdelay $0x7  }
0x5e: {  	[tilespmem:v2+s19+$0x0] =	vst.idx.add.f32.msk $0xffff, v1  }
0x5f: {  	v2 =	vld [tilespmem:$0x140C0];
	_ =	sdelay $0x7  }
0x60: {  	[tilespmem:v2+s19+$0x0] =	vst.idx.add.f32.msk $0xffff, v1  }
0x61: {  	v2 =	vld [tilespmem:$0x140D0];
	_ =	sdelay $0x7  }
0x62: {  	[tilespmem:v2+s19+$0x0] =	vst.idx.add.f32.msk $0xffff, v1  }
0x63: {  	v2 =	vld [tilespmem:$0x140E0];
	_ =	sdelay $0x7  }
0x64: {  	[tilespmem:v2+s19+$0x0] =	vst.idx.add.f32.msk $0xffff, v1  }
0x65: {  	v2 =	vld [tilespmem:$0x140F0];
	_ =	sdelay $0x7  }
0x66: {  	[tilespmem:v2+s19+$0x0] =	vst.idx.add.f32.msk $0xffff, v1  }
0x67: {  	[tilespmem:s16], [sflag:$0x1] =	stream.indirect.gather [hbm4b:s4+s15], $0x80, s22, s15, $0xb8;
	[tilespmem:$0x1AC00] =	vst v63  }
0x68: {  	_ =	swait.ge [sflag:s17], $0x4000  }
0x69: {  	[sflag:s17] =	ssyncset.done $0x0  }
0x6a: {  	[sflag:s17] =	ssyncadd.s32 $0xFFFFC000  }
0x6b: {  	[spmem:s1] =	stream.indirect.scatter.add.f32 [tilespmem:s16], [sflag:$0x2], $0x80, s23, s15, $0xb8;
	[tilespmem:$0x1AC00] =	vst v63  }
0x6c: {  	_ =	swait.ge [sflag:s18], $0x4000  }
0x6d: {  	[sflag:s18] =	ssyncset.done $0x0  }
0x6e: {  	[sflag:s18] =	ssyncadd.s32 $0xFFFFC000  }
0x6f: {  	v2 =	vld [tilespmem:$0x14100];
	_ =	sdelay $0x7  }
0x70: {  	[tilespmem:v2+s19+$0x0] =	vst.idx.add.f32.msk $0xffff, v1  }
0x71: {  	v2 =	vld [tilespmem:$0x14110];
	_ =	sdelay $0x7  }
0x72: {  	[tilespmem:v2+s19+$0x0] =	vst.idx.add.f32.msk $0xffff, v1  }
0x73: {  	v2 =	vld [tilespmem:$0x14120];
	_ =	sdelay $0x7  }
0x74: {  	[tilespmem:v2+s19+$0x0] =	vst.idx.add.f32.msk $0xffff, v1  }
0x75: {  	v2 =	vld [tilespmem:$0x14130];
	_ =	sdelay $0x7  }
0x76: {  	[tilespmem:v2+s19+$0x0] =	vst.idx.add.f32.msk $0xffff, v1  }
0x77: {  	v2 =	vld [tilespmem:$0x14140];
	_ =	sdelay $0x7  }
0x78: {  	[tilespmem:v2+s19+$0x0] =	vst.idx.add.f32.msk $0xffff, v1  }
0x79: {  	v2 =	vld [tilespmem:$0x14150];
	_ =	sdelay $0x7  }
0x7a: {  	[tilespmem:v2+s19+$0x0] =	vst.idx.add.f32.msk $0xffff, v1  }
0x7b: {  	v2 =	vld [tilespmem:$0x14160];
	_ =	sdelay $0x7  }
0x7c: {  	[tilespmem:v2+s19+$0x0] =	vst.idx.add.f32.msk $0xffff, v1  }
0x7d: {  	v2 =	vld [tilespmem:$0x14170];
	_ =	sdelay $0x7  }
0x7e: {  	[tilespmem:v2+s19+$0x0] =	vst.idx.add.f32.msk $0xffff, v1  }
0x7f: {  	[tilespmem:s16], [sflag:$0x1] =	stream.indirect.gather [hbm4b:s4+s15], $0x80, s24, s15, $0xb8;
	[tilespmem:$0x1AC00] =	vst v63  }
0x80: {  	_ =	swait.ge [sflag:s17], $0x4000  }
0x81: {  	[sflag:s17] =	ssyncset.done $0x0  }
0x82: {  	[sflag:s17] =	ssyncadd.s32 $0xFFFFC000  }
0x83: {  	[spmem:s1] =	stream.indirect.scatter.add.f32 [tilespmem:s16], [sflag:$0x2], $0x80, s25, s15, $0xb8;
	[tilespmem:$0x1AC00] =	vst v63  }
0x84: {  	_ =	swait.ge [sflag:s18], $0x4000  }
0x85: {  	[sflag:s18] =	ssyncset.done $0x0  }
0x86: {  	[sflag:s18] =	ssyncadd.s32 $0xFFFFC000  }
0x87: {  	v2 =	vld [tilespmem:$0x14180];
	_ =	sdelay $0x7  }
0x88: {  	[tilespmem:v2+s19+$0x0] =	vst.idx.add.f32.msk $0xffff, v1  }
0x89: {  	v2 =	vld [tilespmem:$0x14190];
	_ =	sdelay $0x7  }
0x8a: {  	[tilespmem:v2+s19+$0x0] =	vst.idx.add.f32.msk $0xffff, v1  }
0x8b: {  	v2 =	vld [tilespmem:$0x141A0];
	_ =	sdelay $0x7  }
0x8c: {  	[tilespmem:v2+s19+$0x0] =	vst.idx.add.f32.msk $0xffff, v1  }
0x8d: {  	v2 =	vld [tilespmem:$0x141B0];
	_ =	sdelay $0x7  }
0x8e: {  	[tilespmem:v2+s19+$0x0] =	vst.idx.add.f32.msk $0xffff, v1  }
0x8f: {  	v2 =	vld [tilespmem:$0x141C0];
	_ =	sdelay $0x7  }
0x90: {  	[tilespmem:v2+s19+$0x0] =	vst.idx.add.f32.msk $0xffff, v1  }
0x91: {  	v2 =	vld [tilespmem:$0x141D0];
	_ =	sdelay $0x7  }
0x92: {  	[tilespmem:v2+s19+$0x0] =	vst.idx.add.f32.msk $0xffff, v1  }
0x93: {  	v2 =	vld [tilespmem:$0x141E0];
	_ =	sdelay $0x7  }
0x94: {  	[tilespmem:v2+s19+$0x0] =	vst.idx.add.f32.msk $0xffff, v1  }
0x95: {  	v2 =	vld [tilespmem:$0x141F0];
	_ =	sdelay $0x7  }
0x96: {  	[tilespmem:v2+s19+$0x0] =	vst.idx.add.f32.msk $0xffff, v1  }
0x97: {  	[tilespmem:s16], [sflag:$0x1] =	stream.indirect.gather [hbm4b:s4+s15], $0x80, s26, s15, $0xb8;
	[tilespmem:$0x1AC00] =	vst v63  }
0x98: {  	_ =	swait.ge [sflag:s17], $0x4000  }
0x99: {  	[sflag:s17] =	ssyncset.done $0x0  }
0x9a: {  	[sflag:s17] =	ssyncadd.s32 $0xFFFFC000  }
0x9b: {  	[spmem:s1] =	stream.indirect.scatter.add.f32 [tilespmem:s16], [sflag:$0x2], $0x80, s28, s15, $0xb8;
	[tilespmem:$0x1AC00] =	vst v63  }
0x9c: {  	_ =	swait.ge [sflag:s18], $0x4000  }
0x9d: {  	[sflag:s18] =	ssyncset.done $0x0  }
0x9e: {  	[sflag:s18] =	ssyncadd.s32 $0xFFFFC000  }
0x9f: {  	v2 =	vld [tilespmem:$0x14200];
	_ =	sdelay $0x7  }
0xa0: {  	[tilespmem:v2+s19+$0x0] =	vst.idx.add.f32.msk $0xffff, v1  }
0xa1: {  	v2 =	vld [tilespmem:$0x14210];
	_ =	sdelay $0x7  }
0xa2: {  	[tilespmem:v2+s19+$0x0] =	vst.idx.add.f32.msk $0xffff, v1  }
0xa3: {  	v2 =	vld [tilespmem:$0x14220];
	_ =	sdelay $0x7  }
0xa4: {  	[tilespmem:v2+s19+$0x0] =	vst.idx.add.f32.msk $0xffff, v1  }
0xa5: {  	v2 =	vld [tilespmem:$0x14230];
	_ =	sdelay $0x7  }
0xa6: {  	[tilespmem:v2+s19+$0x0] =	vst.idx.add.f32.msk $0xffff, v1  }
0xa7: {  	v2 =	vld [tilespmem:$0x14240];
	_ =	sdelay $0x7  }
0xa8: {  	[tilespmem:v2+s19+$0x0] =	vst.idx.add.f32.msk $0xffff, v1  }
0xa9: {  	v2 =	vld [tilespmem:$0x14250];
	_ =	sdelay $0x7  }
0xaa: {  	[tilespmem:v2+s19+$0x0] =	vst.idx.add.f32.msk $0xffff, v1  }
0xab: {  	v2 =	vld [tilespmem:$0x14260];
	_ =	sdelay $0x7  }
0xac: {  	[tilespmem:v2+s19+$0x0] =	vst.idx.add.f32.msk $0xffff, v1  }
0xad: {  	v2 =	vld [tilespmem:$0x14270];
	_ =	sdelay $0x7  }
0xae: {  	[tilespmem:v2+s19+$0x0] =	vst.idx.add.f32.msk $0xffff, v1  }
0xaf: {  	[tilespmem:s16], [sflag:$0x1] =	stream.indirect.gather [hbm4b:s4+s15], $0x80, s29, s15, $0xb8;
	[tilespmem:$0x1AC00] =	vst v63  }
0xb0: {  	_ =	swait.ge [sflag:s17], $0x4000  }
0xb1: {  	[sflag:s17] =	ssyncset.done $0x0  }
0xb2: {  	[sflag:s17] =	ssyncadd.s32 $0xFFFFC000  }
0xb3: {  	[spmem:s1] =	stream.indirect.scatter.add.f32 [tilespmem:s16], [sflag:$0x2], $0x80, s30, s15, $0xb8;
	[tilespmem:$0x1AC00] =	vst v63  }
0xb4: {  	_ =	swait.ge [sflag:s18], $0x4000  }
0xb5: {  	[sflag:s18] =	ssyncset.done $0x0  }
0xb6: {  	[sflag:s18] =	ssyncadd.s32 $0xFFFFC000  }
0xb7: {  	v2 =	vld [tilespmem:$0x14280];
	_ =	sdelay $0x7  }
0xb8: {  	[tilespmem:v2+s19+$0x0] =	vst.idx.add.f32.msk $0xffff, v1  }
0xb9: {  	v2 =	vld [tilespmem:$0x14290];
	_ =	sdelay $0x7  }
0xba: {  	[tilespmem:v2+s19+$0x0] =	vst.idx.add.f32.msk $0xffff, v1  }
0xbb: {  	v2 =	vld [tilespmem:$0x142A0];
	_ =	sdelay $0x7  }
0xbc: {  	[tilespmem:v2+s19+$0x0] =	vst.idx.add.f32.msk $0xffff, v1  }
0xbd: {  	v2 =	vld [tilespmem:$0x142B0];
	_ =	sdelay $0x7  }
0xbe: {  	[tilespmem:v2+s19+$0x0] =	vst.idx.add.f32.msk $0xffff, v1  }
0xbf: {  	v2 =	vld [tilespmem:$0x142C0];
	_ =	sdelay $0x7  }
0xc0: {  	[tilespmem:v2+s19+$0x0] =	vst.idx.add.f32.msk $0xffff, v1  }
0xc1: {  	v2 =	vld [tilespmem:$0x142D0];
	_ =	sdelay $0x7  }
0xc2: {  	[tilespmem:v2+s19+$0x0] =	vst.idx.add.f32.msk $0xffff, v1  }
0xc3: {  	v2 =	vld [tilespmem:$0x142E0];
	_ =	sdelay $0x7  }
0xc4: {  	[tilespmem:v2+s19+$0x0] =	vst.idx.add.f32.msk $0xffff, v1  }
0xc5: {  	v2 =	vld [tilespmem:$0x142F0];
	_ =	sdelay $0x7  }
0xc6: {  	[tilespmem:v2+s19+$0x0] =	vst.idx.add.f32.msk $0xffff, v1  }
0xc7: {  	[tilespmem:s16], [sflag:$0x1] =	stream.indirect.gather [hbm4b:s4+s15], $0x80, s31, s15, $0xb8;
	[tilespmem:$0x1AC00] =	vst v63  }
0xc8: {  	_ =	swait.ge [sflag:s17], $0x4000  }
0xc9: {  	[sflag:s17] =	ssyncset.done $0x0  }
0xca: {  	[sflag:s17] =	ssyncadd.s32 $0xFFFFC000  }
0xcb: {  	[spmem:s1] =	stream.indirect.scatter.add.f32 [tilespmem:s16], [sflag:$0x2], $0x80, s0, s15, $0xb8;
	[tilespmem:$0x1AC00] =	vst v63  }
0xcc: {  	_ =	swait.ge [sflag:s18], $0x4000  }
0xcd: {  	[sflag:s18] =	ssyncset.done $0x0  }
0xce: {  	[sflag:s18] =	ssyncadd.s32 $0xFFFFC000  }
0xcf: {  	v2 =	vld [tilespmem:$0x14300];
	_ =	sdelay $0x7  }
0xd0: {  	[tilespmem:v2+s19+$0x0] =	vst.idx.add.f32.msk $0xffff, v1  }
0xd1: {  	v2 =	vld [tilespmem:$0x14310];
	_ =	sdelay $0x7  }
0xd2: {  	[tilespmem:v2+s19+$0x0] =	vst.idx.add.f32.msk $0xffff, v1  }
0xd3: {  	v2 =	vld [tilespmem:$0x14320];
	_ =	sdelay $0x7  }
0xd4: {  	[tilespmem:v2+s19+$0x0] =	vst.idx.add.f32.msk $0xffff, v1  }
0xd5: {  	v2 =	vld [tilespmem:$0x14330];
	_ =	sdelay $0x7  }
0xd6: {  	[tilespmem:v2+s19+$0x0] =	vst.idx.add.f32.msk $0xffff, v1  }
0xd7: {  	v2 =	vld [tilespmem:$0x14340];
	_ =	sdelay $0x7  }
0xd8: {  	[tilespmem:v2+s19+$0x0] =	vst.idx.add.f32.msk $0xffff, v1  }
0xd9: {  	v2 =	vld [tilespmem:$0x14350];
	_ =	sdelay $0x7  }
0xda: {  	[tilespmem:v2+s19+$0x0] =	vst.idx.add.f32.msk $0xffff, v1  }
0xdb: {  	v2 =	vld [tilespmem:$0x14360];
	_ =	sdelay $0x7  }
0xdc: {  	[tilespmem:v2+s19+$0x0] =	vst.idx.add.f32.msk $0xffff, v1  }
0xdd: {  	v2 =	vld [tilespmem:$0x14370];
	_ =	sdelay $0x7  }
0xde: {  	[tilespmem:v2+s19+$0x0] =	vst.idx.add.f32.msk $0xffff, v1  }
0xdf: {  	[tilespmem:s16], [sflag:$0x1] =	stream.indirect.gather [hbm4b:s4+s15], $0x80, s2, s15, $0xb8;
	[tilespmem:$0x1AC00] =	vst v63  }
0xe0: {  	_ =	swait.ge [sflag:s17], $0x4000  }
0xe1: {  	[sflag:s17] =	ssyncset.done $0x0  }
0xe2: {  	[sflag:s17] =	ssyncadd.s32 $0xFFFFC000  }
0xe3: {  	[spmem:s1] =	stream.indirect.scatter.add.f32 [tilespmem:s16], [sflag:$0x2], $0x80, s5, s15, $0xb8;
	[tilespmem:$0x1AC00] =	vst v63  }
0xe4: {  	_ =	swait.ge [sflag:s18], $0x4000  }
0xe5: {  	[sflag:s18] =	ssyncset.done $0x0  }
0xe6: {  	[sflag:s18] =	ssyncadd.s32 $0xFFFFC000  }
0xe7: {  	v2 =	vld [tilespmem:$0x14380];
	_ =	sdelay $0x7  }
0xe8: {  	[tilespmem:v2+s19+$0x0] =	vst.idx.add.f32.msk $0xffff, v1  }
0xe9: {  	v2 =	vld [tilespmem:$0x14390];
	_ =	sdelay $0x7  }
0xea: {  	[tilespmem:v2+s19+$0x0] =	vst.idx.add.f32.msk $0xffff, v1  }
0xeb: {  	v2 =	vld [tilespmem:$0x143A0];
	_ =	sdelay $0x7  }
0xec: {  	[tilespmem:v2+s19+$0x0] =	vst.idx.add.f32.msk $0xffff, v1  }
0xed: {  	v2 =	vld [tilespmem:$0x143B0];
	_ =	sdelay $0x7  }
0xee: {  	[tilespmem:v2+s19+$0x0] =	vst.idx.add.f32.msk $0xffff, v1  }
0xef: {  	v2 =	vld [tilespmem:$0x143C0];
	_ =	sdelay $0x7  }
0xf0: {  	[tilespmem:v2+s19+$0x0] =	vst.idx.add.f32.msk $0xffff, v1  }
0xf1: {  	v2 =	vld [tilespmem:$0x143D0];
	_ =	sdelay $0x7  }
0xf2: {  	[tilespmem:v2+s19+$0x0] =	vst.idx.add.f32.msk $0xffff, v1  }
0xf3: {  	v2 =	vld [tilespmem:$0x143E0];
	_ =	sdelay $0x7  }
0xf4: {  	[tilespmem:v2+s19+$0x0] =	vst.idx.add.f32.msk $0xffff, v1  }
0xf5: {  	v2 =	vld [tilespmem:$0x143F0];
	_ =	sdelay $0x2  }
0xf6: {  	p0 =	sne.s32 s8, $0x480  }
.Ltmp1:
0xf7: {  	_ = 	snop;
	(pc) =	sbr.rel @p0 .LBB2_4-.Ltmp1, $2  }
0xf8: {  	_ =	sdelay $0x2  }
0xf9: {  	s8 =	sadd.s32 $0x80, s8;
	[tilespmem:v2+s19+$0x0] =	vst.idx.add.f32.msk $0xffff, v1  }
0xfa: {  	[bflag:$0x0] =	sbarrier.arrive $0xFFFF  }
0xfb: {  	s8 =	rddreg [dreg:$0x5]  }
0xfc: {  	[hbm:s8], [sflag:s6] =	dma.local [spmem:s11], $0x2780  }
0xfd: {  	_ =	swait.ge [sflag:s12], $0x2780  }
0xfe: {  	[sflag:s12] =	ssyncset.done $0x0  }
0xff: {  	s9 =	rddreg [dreg:$0x6];
	[sflag:s12] =	ssyncadd.s32 $0xFFFFD880  }
0x100: {  	[hbm4b:s9+s3] =	stream.linear.scatter [tilespmem:s19], [sflag:$0x3], $0x2780, $0x38;
	[tilespmem:$0x1AC00] =	vst v63  }
0x101: {  	_ =	swait.ge [sflag:s12], $0x2780  }
0x102: {  	s7 =	sadd.s32 $0x1, s7;
	s9 =	rddreg [dreg:$0x7]  }
0x103: {  	p0 =	sne.s32 s7, s9  }
.Ltmp2:
0x104: {  	_ = 	snop;
	(pc) =	sbr.rel @p0 .LBB2_1-.Ltmp2, $3  }
0x105: {  	_ =	sdelay $0x1  }
0x106: {  	[sflag:s12] =	ssyncset.done $0x0  }
0x107: {  	[sflag:s12] =	ssyncadd.s32 $0xFFFFD880  }
0x108: {  	_ =	sfence.sel $0x180000  }
0x109: {  	[bflag:$0x0] =	sbarrier.arrive $0xFFFF  }
0x10a: {  	_ =	strace $0x90000047  }
0x10b: {  	s0 =	stileid.u32;
	[bflag:$0x2] =	sbarrier.arrive $0xFFFF  }
0x10c: {  	p0 =	sne.s32 s0, $0x0;
	s0 =	rddreg [dreg:$0x2]  }
0x10d: {  	s0 =	sadd.s32 @!p0 $0x100000, s0  }
0x10e: {  	[sflag:s0] =	ssyncadd.tile.s32 @!p0 $0x1;
	_ =	shalt  }
.Lfunc_end2:
_tile_overlayer_lowered:
.L_overlay_start_2:
0x10f: {  	(tag) =	ssettag $0x2  }
0x110: {  	s0 =	rddreg [dreg:$0x0];
	s2 =	stileid.u32  }
0x111: {  	s1 =	rddreg [dreg:$0x1];
	p0 =	sne.s32 s2, $0x0  }
0x112: {  	s3 =	rddreg [dreg:$0x2];
	[bflag:$0x3] =	sbarrier.arrive $0xFFFF;
	s2 =	simm.s32 @!p0 $0x1C03  }
0x113: {  	[timem:s3], [sflag:s2] =	dma.local @!p0 [hbm:s0], s1  }
0x114: {  	s0 =	simm.s32 @!p0 $0x3  }
0x115: {  	_ =	swait.ge @!p0 [sflag:s0], s1  }
0x116: {  	s1 =	ssub.s32 @!p0 $0x0, s1;
	[sflag:s0] =	ssyncset.done @!p0 $0x0  }
0x117: {  	[sflag:s0] =	ssyncadd.s32 @!p0 s1  }
0x118: {  	[bflag:$0x3] =	sbarrier.arrive $0xFFFF  }
0x119: {  	_ =	shalt  }

</sc_bundles>
